<compile_context>
chip_gen: v7x
topology: tpu7x:2x2x1
jax: 0.10.2.dev20260603
libtpu: 0.0.44.dev20260713+nightly
codegen_flags: <defaults>
</compile_context>

<pallas_src>
import functools

import jax
import jax.numpy as jnp
from jax import lax
from jax.experimental import pallas as pl
from jax.experimental.pallas import tpu as pltpu
from jax.experimental.pallas import tpu_sc as plsc

Q_HEADS = 16
KV_HEADS = 4
HEAD_DIM = 64
GROUPS = KV_HEADS
Q_PER_G = Q_HEADS // KV_HEADS
NEG = -1e30

_SC_CORES = 2
_SC_SUBCORES = 16
_SC_WORKERS = _SC_CORES * _SC_SUBCORES
_SC_CHUNK = 64


def _router_body(x_ref, wr_ref, rw_ref, dec_ref, gidx_ref, ssrc_ref, wsel_ref,
                 *, S, D, cap):
    b = pl.program_id(0)
    xb = x_ref[0]
    wr = wr_ref[...]
    f32 = jnp.float32
    dn = (((1,), (1,)), ((), ()))
    rw_row = jax.nn.sigmoid(lax.dot_general(wr, xb, dn,
                                            preferred_element_type=f32))
    CH = 256
    jj = lax.broadcasted_iota(jnp.int32, (CH, S), 1)
    rw_cols = []
    for c0 in range(0, S, CH):
        ii = lax.broadcasted_iota(jnp.int32, (CH, S), 0) + c0
        rw_cols.append(jnp.sum(jnp.where(jj == ii, rw_row, 0.0), axis=1,
                               keepdims=True))
    rw_col = jnp.concatenate(rw_cols, axis=0)

    rank_cols = []
    rank_row = jnp.zeros((1, S), f32)
    for c0 in range(0, S, CH):
        ii = lax.broadcasted_iota(jnp.int32, (CH, S), 0) + c0
        rc = rw_col[c0:c0 + CH]
        beats_i = (rw_row > rc) | ((rw_row == rc) & (jj < ii))
        rank_cols.append(jnp.sum(beats_i.astype(f32), axis=1, keepdims=True))
        beats_j = (rc > rw_row) | ((rc == rw_row) & (ii < jj))
        rank_row = rank_row + jnp.sum(beats_j.astype(f32), axis=0, keepdims=True)
    rank_col = jnp.concatenate(rank_cols, axis=0)

    mask_col = rank_col < cap
    mask_row = rank_row < cap
    mcf = mask_col.astype(f32)
    mrf = mask_row.astype(f32)

    pos_cols = []
    pos_row = jnp.zeros((1, S), f32)
    for c0 in range(0, S, CH):
        ii = lax.broadcasted_iota(jnp.int32, (CH, S), 0) + c0
        pos_cols.append(jnp.sum(mrf * (jj < ii).astype(f32), axis=1,
                                keepdims=True))
        mc = mcf[c0:c0 + CH]
        pos_row = pos_row + jnp.sum(mc * (ii < jj).astype(f32), axis=0,
                                    keepdims=True)
    pos_col = jnp.concatenate(pos_cols, axis=0)

    jf = jj[:1].astype(f32)
    sidx_cols, ordv_cols = [], []
    for c0 in range(0, cap, CH):
        cc = lax.broadcasted_iota(jnp.int32, (CH, S), 0) + c0
        sel = mask_row & (pos_row.astype(jnp.int32) == cc)
        self32 = sel.astype(f32)
        sidx_cols.append(jnp.sum(self32 * jf, axis=1, keepdims=True))
        ordv_cols.append(jnp.sum(self32 * rank_row, axis=1, keepdims=True))
    sidx_col = jnp.concatenate(sidx_cols, axis=0)
    ordv_col = jnp.concatenate(ordv_cols, axis=0)

    wsel_cols = []
    for c0 in range(0, cap, CH):
        ov = ordv_col[c0:c0 + CH].astype(jnp.int32)
        q = (jj == ov).astype(f32)
        wsel_cols.append(jnp.sum(q * rw_row, axis=1, keepdims=True))
    wsel_col = jnp.concatenate(wsel_cols, axis=0)

    rw_ref[0] = rw_col
    dec_ref[0] = mcf
    gidx_ref[0] = sidx_col.astype(jnp.int32) + b * S
    ssrc_ref[0] = (jnp.where(mask_col, pos_col, float(cap)).astype(jnp.int32)
                   + b * (cap + 1))
    wsel_ref[0] = wsel_col


def _router(x, W_router):
    B, S, D = x.shape
    cap = S // 2
    body = functools.partial(_router_body, S=S, D=D, cap=cap)
    return pl.pallas_call(
        body,
        grid=(B,),
        in_specs=[
            pl.BlockSpec((1, S, D), lambda b: (b, 0, 0)),
            pl.BlockSpec((1, D), lambda b: (0, 0)),
        ],
        out_specs=[
            pl.BlockSpec((1, S, 1), lambda b: (b, 0, 0)),
            pl.BlockSpec((1, S, 1), lambda b: (b, 0, 0)),
            pl.BlockSpec((1, cap, 1), lambda b: (b, 0, 0)),
            pl.BlockSpec((1, S, 1), lambda b: (b, 0, 0)),
            pl.BlockSpec((1, cap, 1), lambda b: (b, 0, 0)),
        ],
        out_shape=[
            jax.ShapeDtypeStruct((B, S, 1), jnp.float32),
            jax.ShapeDtypeStruct((B, S, 1), jnp.float32),
            jax.ShapeDtypeStruct((B, cap, 1), jnp.int32),
            jax.ShapeDtypeStruct((B, S, 1), jnp.int32),
            jax.ShapeDtypeStruct((B, cap, 1), jnp.float32),
        ],
    )(x, W_router)


def _sc_gather(table, idx, out_rows, D):
    n_per_w = out_rows // _SC_WORKERS
    nch = n_per_w // _SC_CHUNK
    mesh = plsc.VectorSubcoreMesh(core_axis_name="c", subcore_axis_name="s")

    @functools.partial(
        pl.kernel, mesh=mesh,
        out_type=jax.ShapeDtypeStruct((out_rows, D), jnp.float32),
        scratch_types=[
            pltpu.VMEM((_SC_CHUNK,), jnp.int32),
            pltpu.VMEM((_SC_CHUNK, D), jnp.float32),
            pltpu.SemaphoreType.DMA,
        ],
    )
    def k(table_hbm, idx_hbm, out_hbm, idx_v, rows_v, sem):
        wid = lax.axis_index("s") * _SC_CORES + lax.axis_index("c")
        for c in range(nch):
            base = wid * n_per_w + c * _SC_CHUNK
            pltpu.sync_copy(idx_hbm.at[pl.ds(base, _SC_CHUNK)], idx_v)
            pltpu.async_copy(table_hbm.at[idx_v], rows_v, sem).wait()
            pltpu.sync_copy(rows_v, out_hbm.at[pl.ds(base, _SC_CHUNK)])

    return k(table, idx)


def _bf(a):
    return a.astype(jnp.bfloat16)


def _qkv_body(lat_ref, n1_ref, w_ref, out_ref):
    t = lat_ref[0]
    var = jnp.mean(t * t, axis=1, keepdims=True)
    tn = t * lax.rsqrt(var + 1e-6) * n1_ref[...]
    out_ref[0] = _bf(lax.dot_general(_bf(tn), w_ref[...],
                                     (((1,), (1,)), ((), ())),
                                     preferred_element_type=jnp.float32))


def _qkv(latent, n1, w_perm, T=256):
    B, S, D = latent.shape
    QKV = w_perm.shape[0]
    return pl.pallas_call(
        _qkv_body,
        grid=(B, S // T),
        in_specs=[
            pl.BlockSpec((1, T, D), lambda b, t: (b, t, 0)),
            pl.BlockSpec((1, D), lambda b, t: (0, 0)),
            pl.BlockSpec((QKV, D), lambda b, t: (0, 0)),
        ],
        out_specs=pl.BlockSpec((1, T, QKV), lambda b, t: (b, t, 0)),
        out_shape=jax.ShapeDtypeStruct((B, S, QKV), jnp.bfloat16),
    )(latent, n1, w_perm)


def _attn_body(q_ref, kv_ref, out_ref, *, S):
    g = pl.program_id(1)
    q4 = q_ref[0] * jnp.bfloat16(1.0 / (HEAD_DIM ** 0.5))
    kv = kv_ref[0]
    k = kv[:, :HEAD_DIM]
    v = kv[:, HEAD_DIM:]
    gf = g.astype(jnp.float32)
    TB = 256
    rows = [[] for _ in range(Q_PER_G)]
    for r0 in range(0, S, TB):
        J = r0 + TB
        ii = lax.broadcasted_iota(jnp.int32, (TB, J), 0) + r0
        jj = lax.broadcasted_iota(jnp.int32, (TB, J), 1)
        causal = jj <= ii
        dist = (jj - ii).astype(jnp.float32)
        kb = k[:J]
        vb = v[:J]
        for hh in range(Q_PER_G):
            slope = jnp.exp((gf * Q_PER_G + hh + 1.0) *
                            (-8.0 / Q_HEADS * 0.6931471805599453))
            qb = q4[r0:r0 + TB, hh * HEAD_DIM:(hh + 1) * HEAD_DIM]
            s = lax.dot_general(qb, kb, (((1,), (1,)), ((), ())),
                                preferred_element_type=jnp.float32)
            bias = jnp.where(causal, slope * dist - 42.0, NEG)
            e = jnp.exp(jnp.clip(s + bias, -80.0, 43.0))
            den = jnp.sum(e, axis=1, keepdims=True)
            pv = lax.dot_general(_bf(e), vb, (((1,), (0,)), ((), ())),
                                 preferred_element_type=jnp.float32)
            rows[hh].append(_bf(pv / den))
    outs = [jnp.concatenate(r, axis=0) for r in rows]
    out_ref[0] = jnp.concatenate(outs, axis=1)


def _attn(qkv):
    B, S, QKV = qkv.shape
    QW = Q_PER_G * HEAD_DIM
    KVW = 2 * HEAD_DIM
    body = functools.partial(_attn_body, S=S)
    return pl.pallas_call(
        body,
        grid=(B, GROUPS),
        in_specs=[
            pl.BlockSpec((1, S, QW), lambda b, g: (b, 0, g)),
            pl.BlockSpec((1, S, KVW), lambda b, g: (b, 0, (Q_HEADS * HEAD_DIM) // KVW + g)),
        ],
        out_specs=pl.BlockSpec((1, S, QW), lambda b, g: (b, 0, g)),
        out_shape=jax.ShapeDtypeStruct((B, S, Q_HEADS * HEAD_DIM), jnp.bfloat16),
    )(qkv, qkv)


def _blockend_body(att_ref, lat_ref, wp_ref, n2_ref, w1_ref, w2_ref,
                   ws_ref, *rest, H, nxt):
    if nxt:
        n1n_ref, wqn_ref, x_ref, qkv_ref = rest
    else:
        (x_ref,) = rest
    x2 = lat_ref[0] + lax.dot_general(
        att_ref[0], wp_ref[...], (((1,), (1,)), ((), ())),
        preferred_element_type=jnp.float32)
    var = jnp.mean(x2 * x2, axis=1, keepdims=True)
    tn = x2 * lax.rsqrt(var + 1e-6) * n2_ref[...]
    h = lax.dot_general(_bf(tn), w1_ref[...], (((1,), (1,)), ((), ())),
                        preferred_element_type=jnp.float32)
    x1 = h[:, :H]
    gate = h[:, H:]
    y = lax.dot_general(_bf(x1 * (gate * jax.nn.sigmoid(gate))), w2_ref[...],
                        (((1,), (1,)), ((), ())),
                        preferred_element_type=jnp.float32)
    xo = (x2 + y) * ws_ref[0]
    x_ref[0] = xo
    if nxt:
        var2 = jnp.mean(xo * xo, axis=1, keepdims=True)
        tq = xo * lax.rsqrt(var2 + 1e-6) * n1n_ref[...]
        qkv_ref[0] = _bf(lax.dot_general(_bf(tq), wqn_ref[...],
                                         (((1,), (1,)), ((), ())),
                                         preferred_element_type=jnp.float32))


def _blockend(att, latent, wp, n2, w1, w2, ws, n1n=None, wqn=None, T=256):
    B, S, D = latent.shape
    AD = att.shape[2]
    H = w1.shape[0] // 2
    nxt = wqn is not None
    body = functools.partial(_blockend_body, H=H, nxt=nxt)
    in_specs = [
        pl.BlockSpec((1, T, AD), lambda b, t: (b, t, 0)),
        pl.BlockSpec((1, T, D), lambda b, t: (b, t, 0)),
        pl.BlockSpec((D, AD), lambda b, t: (0, 0)),
        pl.BlockSpec((1, D), lambda b, t: (0, 0)),
        pl.BlockSpec((2 * H, D), lambda b, t: (0, 0)),
        pl.BlockSpec((D, H), lambda b, t: (0, 0)),
        pl.BlockSpec((1, T, 1), lambda b, t: (b, t, 0)),
    ]
    args = [att, latent, wp, n2, w1, w2, ws]
    out_specs = [pl.BlockSpec((1, T, D), lambda b, t: (b, t, 0))]
    out_shape = [jax.ShapeDtypeStruct((B, S, D), jnp.float32)]
    if nxt:
        QKV = wqn.shape[0]
        in_specs += [
            pl.BlockSpec((1, D), lambda b, t: (0, 0)),
            pl.BlockSpec((QKV, D), lambda b, t: (0, 0)),
        ]
        args += [n1n, wqn]
        out_specs.append(pl.BlockSpec((1, T, QKV), lambda b, t: (b, t, 0)))
        out_shape.append(jax.ShapeDtypeStruct((B, S, QKV), jnp.bfloat16))
    res = pl.pallas_call(
        body,
        grid=(B, S // T),
        in_specs=in_specs,
        out_specs=out_specs,
        out_shape=out_shape,
    )(*args)
    return res if nxt else (res[0], None)


def _permute_qkv_weight(wq):
    QD = Q_HEADS * HEAD_DIM
    D = wq.shape[1]
    kv = wq[QD:].reshape(2, KV_HEADS, HEAD_DIM, D)
    kv = kv.transpose(1, 0, 2, 3).reshape(2 * KV_HEADS * HEAD_DIM, D)
    return jnp.concatenate([wq[:QD], kv], axis=0)


def kernel(x, norm1_w, norm2_w, W_qkv, W_proj, W_fc1, W_fc2, W_router):
    B, S, D = x.shape
    cap = S // 2
    num_blocks = W_qkv.shape[0]

    rw, dec, gidx, ssrc, wsel = _router(x, W_router)

    latent = _sc_gather(x.reshape(B * S, D), gidx.reshape(B * cap),
                        B * cap, D).reshape(B, cap, D)

    ones = jnp.ones((B, cap, 1), jnp.float32)
    wq = [_permute_qkv_weight(W_qkv[i]).astype(jnp.bfloat16)
          for i in range(num_blocks)]
    qkv = _qkv(latent, norm1_w[0].reshape(1, D), wq[0])
    for i in range(num_blocks):
        att = _attn(qkv)
        last = i == num_blocks - 1
        latent, qkv = _blockend(
            att, latent, W_proj[i].astype(jnp.bfloat16),
            norm2_w[i].reshape(1, D),
            W_fc1[i].astype(jnp.bfloat16), W_fc2[i].astype(jnp.bfloat16),
            wsel if last else ones,
            None if last else norm1_w[i + 1].reshape(1, D),
            None if last else wq[i + 1])

    padded = jnp.concatenate([latent, jnp.zeros((B, 1, D), jnp.float32)],
                             axis=1).reshape(B * (cap + 1), D)
    pred = _sc_gather(padded, ssrc.reshape(B * S), B * S, D).reshape(B, S, D)

    return pred, rw, dec

# --- scband reference (transcript-rebuilt; emitter-appended) ---
"""Pipeline reference for scband-latent-block-seq-16252156248448 (READ-ONLY COPY).

The authoritative reference and input builder live on the scoring server;
editing this copy changes nothing except your own understanding.
"""

import jax, jax.numpy as jnp
import numpy as np

NUM_BLOCKS = 2
DIM = 1024
Q_HEADS = 16
KV_HEADS = 4
WINDOW = 1024
CAPACITY_FACTOR = 0.5
HEAD_DIM = DIM // Q_HEADS
BATCH = 2
SEQ = 2048


def _rms_norm(x, w, eps=1e-6):
    var = jnp.mean(x * x, axis=-1, keepdims=True)
    return x * jax.lax.rsqrt(var + eps) * w


def _attention(x, Wqkv, Wproj):
    B, S, D = x.shape
    qkv = x @ Wqkv.T  # [B, S, (q+2kv)*hd]
    qkv = qkv.reshape(B, S, Q_HEADS + 2 * KV_HEADS, HEAD_DIM)
    q = qkv[:, :, :Q_HEADS]
    k = qkv[:, :, Q_HEADS:Q_HEADS + KV_HEADS]
    v = qkv[:, :, Q_HEADS + KV_HEADS:]
    rep = Q_HEADS // KV_HEADS
    k = jnp.repeat(k, rep, axis=2)
    v = jnp.repeat(v, rep, axis=2)
    q = q.transpose(0, 2, 1, 3)
    k = k.transpose(0, 2, 1, 3)
    v = v.transpose(0, 2, 1, 3)
    scale = 1.0 / np.sqrt(HEAD_DIM)
    scores = jnp.einsum('bhid,bhjd->bhij', q, k) * scale
    i = jnp.arange(S)[:, None]
    j = jnp.arange(S)[None, :]
    slopes = jnp.exp2(-((jnp.arange(Q_HEADS, dtype=jnp.float32) + 1) * 8.0 / Q_HEADS))
    alibi = slopes[:, None, None] * (j - i).astype(jnp.float32)[None, :, :]
    scores = scores + alibi[None]
    mask = (j <= i) & (j >= i - WINDOW)
    scores = jnp.where(mask[None, None], scores, -1e30)
    att = jax.nn.softmax(scores, axis=-1)
    out = jnp.einsum('bhij,bhjd->bhid', att, v)
    out = out.transpose(0, 2, 1, 3).reshape(B, S, Q_HEADS * HEAD_DIM)
    return out @ Wproj.T


def _swiglu(x, W1, W2):
    h = x @ W1.T
    x1, gate = jnp.split(h, 2, axis=-1)
    return (jax.nn.silu(gate) * x1) @ W2.T


def _block(x, n1, n2, Wqkv, Wproj, W1, W2):
    res = _rms_norm(x, n1)
    res = _attention(res, Wqkv, Wproj)
    x = x + res
    x = x + _swiglu(_rms_norm(x, n2), W1, W2)
    return x


def _forward(x, norm1_w, norm2_w, W_qkv, W_proj, W_fc1, W_fc2, W_router):
    B, S, D = x.shape
    router_weights = jax.nn.sigmoid(jnp.einsum('bsd,od->bso', x, W_router))  # [B, S, 1]
    capacity = int(S * CAPACITY_FACTOR)
    rw = router_weights[..., 0]  # [B, S]
    _top_w, top_idx = jax.lax.top_k(rw, capacity)
    sorted_idx = jnp.sort(top_idx, axis=1)
    order = jnp.argsort(top_idx, axis=1)
    # faithful to the torch code: gather from full router_weights with the sort order
    router_top_weights = jnp.take_along_axis(rw, order, axis=1)[:, :, None]
    idx_exp = jnp.broadcast_to(sorted_idx[:, :, None], (B, capacity, D))
    latent = jnp.take_along_axis(x, idx_exp, axis=1)
    for i in range(NUM_BLOCKS):
        latent = _block(latent, norm1_w[i], norm2_w[i], W_qkv[i], W_proj[i], W_fc1[i], W_fc2[i])
    latent = latent * router_top_weights
    b_idx = jnp.arange(B)[:, None]
    pred = jnp.zeros_like(x).at[b_idx, sorted_idx].set(latent)
    router_decisions = jnp.zeros_like(router_weights).at[b_idx, sorted_idx].set(
        jnp.ones((B, capacity, 1), dtype=x.dtype))
    return pred, router_weights, router_decisions


def setup_inputs(seed: int = 0):
    key = jax.random.key(seed)
    ks = jax.random.split(key, 8)
    s = 0.02
    qkv_out = (Q_HEADS + 2 * KV_HEADS) * HEAD_DIM
    x = jax.random.normal(ks[0], (BATCH, SEQ, DIM), dtype=jnp.float32)
    W_qkv = jax.random.normal(ks[1], (NUM_BLOCKS, qkv_out, DIM), dtype=jnp.float32) * s
    W_proj = jax.random.normal(ks[2], (NUM_BLOCKS, DIM, Q_HEADS * HEAD_DIM), dtype=jnp.float32) * s
    W_fc1 = jax.random.normal(ks[3], (NUM_BLOCKS, 2 * DIM, DIM), dtype=jnp.float32) * s
    W_fc2 = jax.random.normal(ks[4], (NUM_BLOCKS, DIM, DIM), dtype=jnp.float32) * s
    norm1_w = jnp.ones((NUM_BLOCKS, DIM), dtype=jnp.float32)
    norm2_w = jnp.ones((NUM_BLOCKS, DIM), dtype=jnp.float32)
    W_router = jax.random.normal(ks[5], (1, DIM), dtype=jnp.float32) * s
    return {"x": x, "norm1_w": norm1_w, "norm2_w": norm2_w, "W_qkv": W_qkv,
            "W_proj": W_proj, "W_fc1": W_fc1, "W_fc2": W_fc2, "W_router": W_router}


def reference(x, norm1_w, norm2_w, W_qkv, W_proj, W_fc1, W_fc2, W_router):
    return _forward(x, norm1_w, norm2_w, W_qkv, W_proj, W_fc1, W_fc2, W_router)

if __name__ == "__main__":
    import jax
    _d = setup_inputs()
    print(jax.jit(kernel)(*tuple(_d.values())))

</pallas_src>

<mosaic_0001>
#map = affine_map<(d0, d1) -> (0, 0)>
#map1 = affine_map<(d0, d1) -> (0)>
module attributes {stable_mosaic.version = 14 : i64} {
  func.func @k(%arg0: i32, %arg1: i32, %arg2: memref<4096x1024xf32, #tpu.memory_space<hbm>>, %arg3: memref<2048xi32, #tpu.memory_space<hbm>>, %arg4: memref<2048x1024xf32, #tpu.memory_space<hbm>>, %arg5: memref<64xi32, #tpu.memory_space<vmem>>, %arg6: memref<64x1024xf32, #tpu.memory_space<vmem>>, %arg7: memref<!tpu.dma_semaphore, #tpu.memory_space<semaphore_mem>>) attributes {dimension_semantics = [#tpu.dimension_semantics<core_parallel>, #tpu.dimension_semantics<subcore_parallel>], iteration_bounds = array<i64: 2, 16>, scalar_prefetch = 0 : i64, scratch_operands = 3 : i64, tpu.core_type = #tpu.core_type<sc_vector_subcore>, window_params = [{transform_indices = #map}, {transform_indices = #map1}, {transform_indices = #map}]} {
    %mul3A = arith.constant 2 : i32
    %mul3A_0 = arith.muli %arg1, %mul3A : i32
    %add3A = arith.addi %mul3A_0, %arg0 : i32
    %mul3A_1 = arith.constant 64 : i32
    %mul3A_2 = arith.muli %add3A, %mul3A_1 : i32
    %add3A_3 = arith.constant 0 : i32
    %add3A_4 = arith.addi %mul3A_2, %add3A_3 : i32
    "tpu.region"() ({
      %run_scoped3A = tpu.sem_alloc : memref<!tpu.dma_semaphore, #tpu.memory_space<semaphore_mem>>
      %dma_start3A_9 = tpu.memref_slice %arg3[%add3A_4] : memref<2048xi32, #tpu.memory_space<hbm>> -> memref<64xi32, #tpu.memory_space<hbm>>
      %dma_start3A_10 = tpu.memref_slice %arg3[%add3A_4] : memref<2048xi32, #tpu.memory_space<hbm>> -> memref<64xi32, #tpu.memory_space<hbm>>
      tpu.enqueue_dma source(%dma_start3A_10 : memref<64xi32, #tpu.memory_space<hbm>>) target(%arg5 : memref<64xi32, #tpu.memory_space<vmem>>) target_semaphore(%run_scoped3A : memref<!tpu.dma_semaphore, #tpu.memory_space<semaphore_mem>>)
      %dma_wait3A_11 = tpu.memref_slice %arg3[%add3A_4] : memref<2048xi32, #tpu.memory_space<hbm>> -> memref<64xi32, #tpu.memory_space<hbm>>
      %dma_wait3A_12 = tpu.memref_slice %arg3[%add3A_4] : memref<2048xi32, #tpu.memory_space<hbm>> -> memref<64xi32, #tpu.memory_space<hbm>>
      tpu.wait_dma2 semaphore(%run_scoped3A : memref<!tpu.dma_semaphore, #tpu.memory_space<semaphore_mem>>) src(%dma_wait3A_12 : memref<64xi32, #tpu.memory_space<hbm>>) dst(%arg5 : memref<64xi32, #tpu.memory_space<vmem>>)
      tpu.yield
    }) : () -> ()
    %dma_start3A = arith.constant 0 : i32
    %dma_start3A_5 = arith.constant 0 : i32
    %dma_start3A_6 = tpu.memref_slice %arg2[%dma_start3A, %dma_start3A_5] : memref<4096x1024xf32, #tpu.memory_space<hbm>> -> memref<4096x1024xf32, #tpu.memory_space<hbm>>
    tpu.enqueue_indirect_dma source(%dma_start3A_6 : memref<4096x1024xf32, #tpu.memory_space<hbm>>) target(%arg6 : memref<64x1024xf32, #tpu.memory_space<vmem>>) offsets(%arg5 : memref<64xi32, #tpu.memory_space<vmem>>) semaphore(%arg7 : memref<!tpu.dma_semaphore, #tpu.memory_space<semaphore_mem>>)
    %dma_wait3A = arith.constant 0 : i32
    %dma_wait3A_7 = arith.constant 0 : i32
    %dma_wait3A_8 = tpu.memref_slice %arg2[%dma_wait3A, %dma_wait3A_7] : memref<4096x1024xf32, #tpu.memory_space<hbm>> -> memref<4096x1024xf32, #tpu.memory_space<hbm>>
    tpu.wait_indirect_dma semaphore(%arg7 : memref<!tpu.dma_semaphore, #tpu.memory_space<semaphore_mem>>) src(%dma_wait3A_8 : memref<4096x1024xf32, #tpu.memory_space<hbm>>) dst(%arg6 : memref<64x1024xf32, #tpu.memory_space<vmem>>)
    "tpu.region"() ({
      %run_scoped3A = tpu.sem_alloc : memref<!tpu.dma_semaphore, #tpu.memory_space<semaphore_mem>>
      %dma_start3A_9 = arith.constant 0 : i32
      %dma_start3A_10 = tpu.memref_slice %arg4[%add3A_4, %dma_start3A_9] : memref<2048x1024xf32, #tpu.memory_space<hbm>> -> memref<64x1024xf32, #tpu.memory_space<hbm>>
      %dma_start3A_11 = arith.constant 0 : i32
      %dma_start3A_12 = tpu.memref_slice %arg4[%add3A_4, %dma_start3A_11] : memref<2048x1024xf32, #tpu.memory_space<hbm>> -> memref<64x1024xf32, #tpu.memory_space<hbm>>
      tpu.enqueue_dma source(%arg6 : memref<64x1024xf32, #tpu.memory_space<vmem>>) target(%dma_start3A_12 : memref<64x1024xf32, #tpu.memory_space<hbm>>) target_semaphore(%run_scoped3A : memref<!tpu.dma_semaphore, #tpu.memory_space<semaphore_mem>>)
      %dma_wait3A_13 = arith.constant 0 : i32
      %dma_wait3A_14 = tpu.memref_slice %arg4[%add3A_4, %dma_wait3A_13] : memref<2048x1024xf32, #tpu.memory_space<hbm>> -> memref<64x1024xf32, #tpu.memory_space<hbm>>
      %dma_wait3A_15 = arith.constant 0 : i32
      %dma_wait3A_16 = tpu.memref_slice %arg4[%add3A_4, %dma_wait3A_15] : memref<2048x1024xf32, #tpu.memory_space<hbm>> -> memref<64x1024xf32, #tpu.memory_space<hbm>>
      tpu.wait_dma2 semaphore(%run_scoped3A : memref<!tpu.dma_semaphore, #tpu.memory_space<semaphore_mem>>) src(%arg6 : memref<64x1024xf32, #tpu.memory_space<vmem>>) dst(%dma_wait3A_16 : memref<64x1024xf32, #tpu.memory_space<hbm>>)
      tpu.yield
    }) : () -> ()
    return
  }
}

#map = affine_map<(d0, d1) -> (0, 0)>
#map1 = affine_map<(d0, d1) -> (0)>
module attributes {stable_mosaic.version = 14 : i64} {
  func.func @k(%arg0: i32, %arg1: i32, %arg2: memref<2050x1024xf32, #tpu.memory_space<hbm>>, %arg3: memref<4096xi32, #tpu.memory_space<hbm>>, %arg4: memref<4096x1024xf32, #tpu.memory_space<hbm>>, %arg5: memref<64xi32, #tpu.memory_space<vmem>>, %arg6: memref<64x1024xf32, #tpu.memory_space<vmem>>, %arg7: memref<!tpu.dma_semaphore, #tpu.memory_space<semaphore_mem>>) attributes {dimension_semantics = [#tpu.dimension_semantics<core_parallel>, #tpu.dimension_semantics<subcore_parallel>], iteration_bounds = array<i64: 2, 16>, scalar_prefetch = 0 : i64, scratch_operands = 3 : i64, tpu.core_type = #tpu.core_type<sc_vector_subcore>, window_params = [{transform_indices = #map}, {transform_indices = #map1}, {transform_indices = #map}]} {
    %mul3A = arith.constant 2 : i32
    %mul3A_0 = arith.muli %arg1, %mul3A : i32
    %add3A = arith.addi %mul3A_0, %arg0 : i32
    %mul3A_1 = arith.constant 128 : i32
    %mul3A_2 = arith.muli %add3A, %mul3A_1 : i32
    %add3A_3 = arith.constant 0 : i32
    %add3A_4 = arith.addi %mul3A_2, %add3A_3 : i32
    "tpu.region"() ({
      %run_scoped3A = tpu.sem_alloc : memref<!tpu.dma_semaphore, #tpu.memory_space<semaphore_mem>>
      %dma_start3A_19 = tpu.memref_slice %arg3[%add3A_4] : memref<4096xi32, #tpu.memory_space<hbm>> -> memref<64xi32, #tpu.memory_space<hbm>>
      %dma_start3A_20 = tpu.memref_slice %arg3[%add3A_4] : memref<4096xi32, #tpu.memory_space<hbm>> -> memref<64xi32, #tpu.memory_space<hbm>>
      tpu.enqueue_dma source(%dma_start3A_20 : memref<64xi32, #tpu.memory_space<hbm>>) target(%arg5 : memref<64xi32, #tpu.memory_space<vmem>>) target_semaphore(%run_scoped3A : memref<!tpu.dma_semaphore, #tpu.memory_space<semaphore_mem>>)
      %dma_wait3A_21 = tpu.memref_slice %arg3[%add3A_4] : memref<4096xi32, #tpu.memory_space<hbm>> -> memref<64xi32, #tpu.memory_space<hbm>>
      %dma_wait3A_22 = tpu.memref_slice %arg3[%add3A_4] : memref<4096xi32, #tpu.memory_space<hbm>> -> memref<64xi32, #tpu.memory_space<hbm>>
      tpu.wait_dma2 semaphore(%run_scoped3A : memref<!tpu.dma_semaphore, #tpu.memory_space<semaphore_mem>>) src(%dma_wait3A_22 : memref<64xi32, #tpu.memory_space<hbm>>) dst(%arg5 : memref<64xi32, #tpu.memory_space<vmem>>)
      tpu.yield
    }) : () -> ()
    %dma_start3A = arith.constant 0 : i32
    %dma_start3A_5 = arith.constant 0 : i32
    %dma_start3A_6 = tpu.memref_slice %arg2[%dma_start3A, %dma_start3A_5] : memref<2050x1024xf32, #tpu.memory_space<hbm>> -> memref<2050x1024xf32, #tpu.memory_space<hbm>>
    tpu.enqueue_indirect_dma source(%dma_start3A_6 : memref<2050x1024xf32, #tpu.memory_space<hbm>>) target(%arg6 : memref<64x1024xf32, #tpu.memory_space<vmem>>) offsets(%arg5 : memref<64xi32, #tpu.memory_space<vmem>>) semaphore(%arg7 : memref<!tpu.dma_semaphore, #tpu.memory_space<semaphore_mem>>)
    %dma_wait3A = arith.constant 0 : i32
    %dma_wait3A_7 = arith.constant 0 : i32
    %dma_wait3A_8 = tpu.memref_slice %arg2[%dma_wait3A, %dma_wait3A_7] : memref<2050x1024xf32, #tpu.memory_space<hbm>> -> memref<2050x1024xf32, #tpu.memory_space<hbm>>
    tpu.wait_indirect_dma semaphore(%arg7 : memref<!tpu.dma_semaphore, #tpu.memory_space<semaphore_mem>>) src(%dma_wait3A_8 : memref<2050x1024xf32, #tpu.memory_space<hbm>>) dst(%arg6 : memref<64x1024xf32, #tpu.memory_space<vmem>>)
    "tpu.region"() ({
      %run_scoped3A = tpu.sem_alloc : memref<!tpu.dma_semaphore, #tpu.memory_space<semaphore_mem>>
      %dma_start3A_19 = arith.constant 0 : i32
      %dma_start3A_20 = tpu.memref_slice %arg4[%add3A_4, %dma_start3A_19] : memref<4096x1024xf32, #tpu.memory_space<hbm>> -> memref<64x1024xf32, #tpu.memory_space<hbm>>
      %dma_start3A_21 = arith.constant 0 : i32
      %dma_start3A_22 = tpu.memref_slice %arg4[%add3A_4, %dma_start3A_21] : memref<4096x1024xf32, #tpu.memory_space<hbm>> -> memref<64x1024xf32, #tpu.memory_space<hbm>>
      tpu.enqueue_dma source(%arg6 : memref<64x1024xf32, #tpu.memory_space<vmem>>) target(%dma_start3A_22 : memref<64x1024xf32, #tpu.memory_space<hbm>>) target_semaphore(%run_scoped3A : memref<!tpu.dma_semaphore, #tpu.memory_space<semaphore_mem>>)
      %dma_wait3A_23 = arith.constant 0 : i32
      %dma_wait3A_24 = tpu.memref_slice %arg4[%add3A_4, %dma_wait3A_23] : memref<4096x1024xf32, #tpu.memory_space<hbm>> -> memref<64x1024xf32, #tpu.memory_space<hbm>>
      %dma_wait3A_25 = arith.constant 0 : i32
      %dma_wait3A_26 = tpu.memref_slice %arg4[%add3A_4, %dma_wait3A_25] : memref<4096x1024xf32, #tpu.memory_space<hbm>> -> memref<64x1024xf32, #tpu.memory_space<hbm>>
      tpu.wait_dma2 semaphore(%run_scoped3A : memref<!tpu.dma_semaphore, #tpu.memory_space<semaphore_mem>>) src(%arg6 : memref<64x1024xf32, #tpu.memory_space<vmem>>) dst(%dma_wait3A_26 : memref<64x1024xf32, #tpu.memory_space<hbm>>)
      tpu.yield
    }) : () -> ()
    %mul3A_9 = arith.constant 128 : i32
    %mul3A_10 = arith.muli %add3A, %mul3A_9 : i32
    %add3A_11 = arith.constant 64 : i32
    %add3A_12 = arith.addi %mul3A_10, %add3A_11 : i32
    "tpu.region"() ({
      %run_scoped3A = tpu.sem_alloc : memref<!tpu.dma_semaphore, #tpu.memory_space<semaphore_mem>>
      %dma_start3A_19 = tpu.memref_slice %arg3[%add3A_12] : memref<4096xi32, #tpu.memory_space<hbm>> -> memref<64xi32, #tpu.memory_space<hbm>>
      %dma_start3A_20 = tpu.memref_slice %arg3[%add3A_12] : memref<4096xi32, #tpu.memory_space<hbm>> -> memref<64xi32, #tpu.memory_space<hbm>>
      tpu.enqueue_dma source(%dma_start3A_20 : memref<64xi32, #tpu.memory_space<hbm>>) target(%arg5 : memref<64xi32, #tpu.memory_space<vmem>>) target_semaphore(%run_scoped3A : memref<!tpu.dma_semaphore, #tpu.memory_space<semaphore_mem>>)
      %dma_wait3A_21 = tpu.memref_slice %arg3[%add3A_12] : memref<4096xi32, #tpu.memory_space<hbm>> -> memref<64xi32, #tpu.memory_space<hbm>>
      %dma_wait3A_22 = tpu.memref_slice %arg3[%add3A_12] : memref<4096xi32, #tpu.memory_space<hbm>> -> memref<64xi32, #tpu.memory_space<hbm>>
      tpu.wait_dma2 semaphore(%run_scoped3A : memref<!tpu.dma_semaphore, #tpu.memory_space<semaphore_mem>>) src(%dma_wait3A_22 : memref<64xi32, #tpu.memory_space<hbm>>) dst(%arg5 : memref<64xi32, #tpu.memory_space<vmem>>)
      tpu.yield
    }) : () -> ()
    %dma_start3A_13 = arith.constant 0 : i32
    %dma_start3A_14 = arith.constant 0 : i32
    %dma_start3A_15 = tpu.memref_slice %arg2[%dma_start3A_13, %dma_start3A_14] : memref<2050x1024xf32, #tpu.memory_space<hbm>> -> memref<2050x1024xf32, #tpu.memory_space<hbm>>
    tpu.enqueue_indirect_dma source(%dma_start3A_15 : memref<2050x1024xf32, #tpu.memory_space<hbm>>) target(%arg6 : memref<64x1024xf32, #tpu.memory_space<vmem>>) offsets(%arg5 : memref<64xi32, #tpu.memory_space<vmem>>) semaphore(%arg7 : memref<!tpu.dma_semaphore, #tpu.memory_space<semaphore_mem>>)
    %dma_wait3A_16 = arith.constant 0 : i32
    %dma_wait3A_17 = arith.constant 0 : i32
    %dma_wait3A_18 = tpu.memref_slice %arg2[%dma_wait3A_16, %dma_wait3A_17] : memref<2050x1024xf32, #tpu.memory_space<hbm>> -> memref<2050x1024xf32, #tpu.memory_space<hbm>>
    tpu.wait_indirect_dma semaphore(%arg7 : memref<!tpu.dma_semaphore, #tpu.memory_space<semaphore_mem>>) src(%dma_wait3A_18 : memref<2050x1024xf32, #tpu.memory_space<hbm>>) dst(%arg6 : memref<64x1024xf32, #tpu.memory_space<vmem>>)
    "tpu.region"() ({
      %run_scoped3A = tpu.sem_alloc : memref<!tpu.dma_semaphore, #tpu.memory_space<semaphore_mem>>
      %dma_start3A_19 = arith.constant 0 : i32
      %dma_start3A_20 = tpu.memref_slice %arg4[%add3A_12, %dma_start3A_19] : memref<4096x1024xf32, #tpu.memory_space<hbm>> -> memref<64x1024xf32, #tpu.memory_space<hbm>>
      %dma_start3A_21 = arith.constant 0 : i32
      %dma_start3A_22 = tpu.memref_slice %arg4[%add3A_12, %dma_start3A_21] : memref<4096x1024xf32, #tpu.memory_space<hbm>> -> memref<64x1024xf32, #tpu.memory_space<hbm>>
      tpu.enqueue_dma source(%arg6 : memref<64x1024xf32, #tpu.memory_space<vmem>>) target(%dma_start3A_22 : memref<64x1024xf32, #tpu.memory_space<hbm>>) target_semaphore(%run_scoped3A : memref<!tpu.dma_semaphore, #tpu.memory_space<semaphore_mem>>)
      %dma_wait3A_23 = arith.constant 0 : i32
      %dma_wait3A_24 = tpu.memref_slice %arg4[%add3A_12, %dma_wait3A_23] : memref<4096x1024xf32, #tpu.memory_space<hbm>> -> memref<64x1024xf32, #tpu.memory_space<hbm>>
      %dma_wait3A_25 = arith.constant 0 : i32
      %dma_wait3A_26 = tpu.memref_slice %arg4[%add3A_12, %dma_wait3A_25] : memref<4096x1024xf32, #tpu.memory_space<hbm>> -> memref<64x1024xf32, #tpu.memory_space<hbm>>
      tpu.wait_dma2 semaphore(%run_scoped3A : memref<!tpu.dma_semaphore, #tpu.memory_space<semaphore_mem>>) src(%arg6 : memref<64x1024xf32, #tpu.memory_space<vmem>>) dst(%dma_wait3A_26 : memref<64x1024xf32, #tpu.memory_space<hbm>>)
      tpu.yield
    }) : () -> ()
    return
  }
}

module attributes {stable_mosaic.version = 14 : i64} {
  func.func @_router_body(%arg0: i32, %arg1: memref<1x2048x1024xf32, #tpu.memory_space<vmem>>, %arg2: memref<1x1024xf32, #tpu.memory_space<vmem>>, %arg3: memref<1x2048x1xf32, #tpu.memory_space<vmem>>, %arg4: memref<1x2048x1xf32, #tpu.memory_space<vmem>>, %arg5: memref<1x1024x1xi32, #tpu.memory_space<vmem>>, %arg6: memref<1x2048x1xi32, #tpu.memory_space<vmem>>, %arg7: memref<1x1024x1xf32, #tpu.memory_space<vmem>>) attributes {dimension_semantics = [#tpu.dimension_semantics<arbitrary>], iteration_bounds = array<i64: 2>, scalar_prefetch = 0 : i64, scratch_operands = 0 : i64, tpu.core_type = #tpu.core_type<tc>, window_params = [{transform_indices = @transform_0, window_bounds = array<i64: 1, 2048, 1024>}, {pipeline_mode = #tpu.pipeline_mode<synchronous>, transform_indices = @transform_1, window_bounds = array<i64: 1, 1024>}, {transform_indices = @transform_2, window_bounds = array<i64: 1, 2048, 1>}, {transform_indices = @transform_3, window_bounds = array<i64: 1, 2048, 1>}, {transform_indices = @transform_4, window_bounds = array<i64: 1, 1024, 1>}, {transform_indices = @transform_5, window_bounds = array<i64: 1, 2048, 1>}, {transform_indices = @transform_6, window_bounds = array<i64: 1, 1024, 1>}]} {
    %get3A = arith.constant 0 : index
    %get3A_0 = arith.constant 0 : index
    %get3A_1 = arith.constant 0 : index
    %get3A_2 = vector.load %arg1[%get3A, %get3A_0, %get3A_1] : memref<1x2048x1024xf32, #tpu.memory_space<vmem>>, vector<1x2048x1024xf32>
    %get3A_3 = vector.shape_cast %get3A_2 : vector<1x2048x1024xf32> to vector<2048x1024xf32>
    %get3A_4 = arith.constant 0 : index
    %get3A_5 = arith.constant 0 : index
    %get3A_6 = vector.load %arg2[%get3A_4, %get3A_5] : memref<1x1024xf32, #tpu.memory_space<vmem>>, vector<1x1024xf32>
    %dot_general3A = arith.constant dense<0.000000e+00> : vector<1x2048xf32>
    %dot_general3A_7 = tpu.matmul %get3A_6, %get3A_3, %dot_general3A {dimension_numbers = #tpu.dot_dimension_numbers<[1], [1], [0], [0], [0, 0, 1, 0], [], []>, transpose_lhs_hint = false} : vector<1x1024xf32>, vector<2048x1024xf32>, vector<1x2048xf32> -> vector<1x2048xf32>
    %logistic3A = arith.negf %dot_general3A_7 : vector<1x2048xf32>
    %logistic3A_8 = math.exp %logistic3A : vector<1x2048xf32>
    %logistic3A_9 = arith.constant 1.000000e+00 : f32
    %logistic3A_10 = vector.broadcast %logistic3A_9 : f32 to vector<1x2048xf32>
    %logistic3A_11 = arith.addf %logistic3A_10, %logistic3A_8 : vector<1x2048xf32>
    %logistic3A_12 = arith.divf %logistic3A_10, %logistic3A_11 : vector<1x2048xf32>
    %iota3A = tpu.iota {dimensions = array<i32: 1>} : vector<256x2048xi32>
    %iota3A_13 = tpu.iota {dimensions = array<i32: 0>} : vector<256x2048xi32>
    %add3A = arith.constant 0 : i32
    %add3A_14 = vector.broadcast %add3A : i32 to vector<256x2048xi32>
    %add3A_15 = arith.addi %iota3A_13, %add3A_14 : vector<256x2048xi32>
    %eq3A = arith.cmpi eq, %iota3A, %add3A_15 : vector<256x2048xi32>
    %jit3A = arith.constant 0.000000e+00 : f32
    %broadcast_in_dim3A = vector.shape_cast %logistic3A_12 : vector<1x2048xf32> to vector<1x2048xf32>
    %broadcast_in_dim3A_16 = vector.broadcast %broadcast_in_dim3A : vector<1x2048xf32> to vector<256x2048xf32>
    %broadcast_in_dim3A_17 = vector.broadcast %jit3A : f32 to vector<256x2048xf32>
    %select_n3A = arith.select %eq3A, %broadcast_in_dim3A_16, %broadcast_in_dim3A_17 : vector<256x2048xi1>, vector<256x2048xf32>
    %reduce_sum3A = arith.constant dense<0.000000e+00> : vector<256xf32>
    %reduce_sum3A_18 = vector.multi_reduction <add>, %select_n3A, %reduce_sum3A [1] : vector<256x2048xf32> to vector<256xf32>
    %broadcast_in_dim3A_19 = vector.shape_cast %reduce_sum3A_18 : vector<256xf32> to vector<256x1xf32>
    %iota3A_20 = tpu.iota {dimensions = array<i32: 0>} : vector<256x2048xi32>
    %add3A_21 = arith.constant 256 : i32
    %add3A_22 = vector.broadcast %add3A_21 : i32 to vector<256x2048xi32>
    %add3A_23 = arith.addi %iota3A_20, %add3A_22 : vector<256x2048xi32>
    %eq3A_24 = arith.cmpi eq, %iota3A, %add3A_23 : vector<256x2048xi32>
    %jit3A_25 = arith.constant 0.000000e+00 : f32
    %broadcast_in_dim3A_26 = vector.shape_cast %logistic3A_12 : vector<1x2048xf32> to vector<1x2048xf32>
    %broadcast_in_dim3A_27 = vector.broadcast %broadcast_in_dim3A_26 : vector<1x2048xf32> to vector<256x2048xf32>
    %broadcast_in_dim3A_28 = vector.broadcast %jit3A_25 : f32 to vector<256x2048xf32>
    %select_n3A_29 = arith.select %eq3A_24, %broadcast_in_dim3A_27, %broadcast_in_dim3A_28 : vector<256x2048xi1>, vector<256x2048xf32>
    %reduce_sum3A_30 = arith.constant dense<0.000000e+00> : vector<256xf32>
    %reduce_sum3A_31 = vector.multi_reduction <add>, %select_n3A_29, %reduce_sum3A_30 [1] : vector<256x2048xf32> to vector<256xf32>
    %broadcast_in_dim3A_32 = vector.shape_cast %reduce_sum3A_31 : vector<256xf32> to vector<256x1xf32>
    %iota3A_33 = tpu.iota {dimensions = array<i32: 0>} : vector<256x2048xi32>
    %add3A_34 = arith.constant 512 : i32
    %add3A_35 = vector.broadcast %add3A_34 : i32 to vector<256x2048xi32>
    %add3A_36 = arith.addi %iota3A_33, %add3A_35 : vector<256x2048xi32>
    %eq3A_37 = arith.cmpi eq, %iota3A, %add3A_36 : vector<256x2048xi32>
    %jit3A_38 = arith.constant 0.000000e+00 : f32
    %broadcast_in_dim3A_39 = vector.shape_cast %logistic3A_12 : vector<1x2048xf32> to vector<1x2048xf32>
    %broadcast_in_dim3A_40 = vector.broadcast %broadcast_in_dim3A_39 : vector<1x2048xf32> to vector<256x2048xf32>
    %broadcast_in_dim3A_41 = vector.broadcast %jit3A_38 : f32 to vector<256x2048xf32>
    %select_n3A_42 = arith.select %eq3A_37, %broadcast_in_dim3A_40, %broadcast_in_dim3A_41 : vector<256x2048xi1>, vector<256x2048xf32>
    %reduce_sum3A_43 = arith.constant dense<0.000000e+00> : vector<256xf32>
    %reduce_sum3A_44 = vector.multi_reduction <add>, %select_n3A_42, %reduce_sum3A_43 [1] : vector<256x2048xf32> to vector<256xf32>
    %broadcast_in_dim3A_45 = vector.shape_cast %reduce_sum3A_44 : vector<256xf32> to vector<256x1xf32>
    %iota3A_46 = tpu.iota {dimensions = array<i32: 0>} : vector<256x2048xi32>
    %add3A_47 = arith.constant 768 : i32
    %add3A_48 = vector.broadcast %add3A_47 : i32 to vector<256x2048xi32>
    %add3A_49 = arith.addi %iota3A_46, %add3A_48 : vector<256x2048xi32>
    %eq3A_50 = arith.cmpi eq, %iota3A, %add3A_49 : vector<256x2048xi32>
    %jit3A_51 = arith.constant 0.000000e+00 : f32
    %broadcast_in_dim3A_52 = vector.shape_cast %logistic3A_12 : vector<1x2048xf32> to vector<1x2048xf32>
    %broadcast_in_dim3A_53 = vector.broadcast %broadcast_in_dim3A_52 : vector<1x2048xf32> to vector<256x2048xf32>
    %broadcast_in_dim3A_54 = vector.broadcast %jit3A_51 : f32 to vector<256x2048xf32>
    %select_n3A_55 = arith.select %eq3A_50, %broadcast_in_dim3A_53, %broadcast_in_dim3A_54 : vector<256x2048xi1>, vector<256x2048xf32>
    %reduce_sum3A_56 = arith.constant dense<0.000000e+00> : vector<256xf32>
    %reduce_sum3A_57 = vector.multi_reduction <add>, %select_n3A_55, %reduce_sum3A_56 [1] : vector<256x2048xf32> to vector<256xf32>
    %broadcast_in_dim3A_58 = vector.shape_cast %reduce_sum3A_57 : vector<256xf32> to vector<256x1xf32>
    %iota3A_59 = tpu.iota {dimensions = array<i32: 0>} : vector<256x2048xi32>
    %add3A_60 = arith.constant 1024 : i32
    %add3A_61 = vector.broadcast %add3A_60 : i32 to vector<256x2048xi32>
    %add3A_62 = arith.addi %iota3A_59, %add3A_61 : vector<256x2048xi32>
    %eq3A_63 = arith.cmpi eq, %iota3A, %add3A_62 : vector<256x2048xi32>
    %jit3A_64 = arith.constant 0.000000e+00 : f32
    %broadcast_in_dim3A_65 = vector.shape_cast %logistic3A_12 : vector<1x2048xf32> to vector<1x2048xf32>
    %broadcast_in_dim3A_66 = vector.broadcast %broadcast_in_dim3A_65 : vector<1x2048xf32> to vector<256x2048xf32>
    %broadcast_in_dim3A_67 = vector.broadcast %jit3A_64 : f32 to vector<256x2048xf32>
    %select_n3A_68 = arith.select %eq3A_63, %broadcast_in_dim3A_66, %broadcast_in_dim3A_67 : vector<256x2048xi1>, vector<256x2048xf32>
    %reduce_sum3A_69 = arith.constant dense<0.000000e+00> : vector<256xf32>
    %reduce_sum3A_70 = vector.multi_reduction <add>, %select_n3A_68, %reduce_sum3A_69 [1] : vector<256x2048xf32> to vector<256xf32>
    %broadcast_in_dim3A_71 = vector.shape_cast %reduce_sum3A_70 : vector<256xf32> to vector<256x1xf32>
    %iota3A_72 = tpu.iota {dimensions = array<i32: 0>} : vector<256x2048xi32>
    %add3A_73 = arith.constant 1280 : i32
    %add3A_74 = vector.broadcast %add3A_73 : i32 to vector<256x2048xi32>
    %add3A_75 = arith.addi %iota3A_72, %add3A_74 : vector<256x2048xi32>
    %eq3A_76 = arith.cmpi eq, %iota3A, %add3A_75 : vector<256x2048xi32>
    %jit3A_77 = arith.constant 0.000000e+00 : f32
    %broadcast_in_dim3A_78 = vector.shape_cast %logistic3A_12 : vector<1x2048xf32> to vector<1x2048xf32>
    %broadcast_in_dim3A_79 = vector.broadcast %broadcast_in_dim3A_78 : vector<1x2048xf32> to vector<256x2048xf32>
    %broadcast_in_dim3A_80 = vector.broadcast %jit3A_77 : f32 to vector<256x2048xf32>
    %select_n3A_81 = arith.select %eq3A_76, %broadcast_in_dim3A_79, %broadcast_in_dim3A_80 : vector<256x2048xi1>, vector<256x2048xf32>
    %reduce_sum3A_82 = arith.constant dense<0.000000e+00> : vector<256xf32>
    %reduce_sum3A_83 = vector.multi_reduction <add>, %select_n3A_81, %reduce_sum3A_82 [1] : vector<256x2048xf32> to vector<256xf32>
    %broadcast_in_dim3A_84 = vector.shape_cast %reduce_sum3A_83 : vector<256xf32> to vector<256x1xf32>
    %iota3A_85 = tpu.iota {dimensions = array<i32: 0>} : vector<256x2048xi32>
    %add3A_86 = arith.constant 1536 : i32
    %add3A_87 = vector.broadcast %add3A_86 : i32 to vector<256x2048xi32>
    %add3A_88 = arith.addi %iota3A_85, %add3A_87 : vector<256x2048xi32>
    %eq3A_89 = arith.cmpi eq, %iota3A, %add3A_88 : vector<256x2048xi32>
    %jit3A_90 = arith.constant 0.000000e+00 : f32
    %broadcast_in_dim3A_91 = vector.shape_cast %logistic3A_12 : vector<1x2048xf32> to vector<1x2048xf32>
    %broadcast_in_dim3A_92 = vector.broadcast %broadcast_in_dim3A_91 : vector<1x2048xf32> to vector<256x2048xf32>
    %broadcast_in_dim3A_93 = vector.broadcast %jit3A_90 : f32 to vector<256x2048xf32>
    %select_n3A_94 = arith.select %eq3A_89, %broadcast_in_dim3A_92, %broadcast_in_dim3A_93 : vector<256x2048xi1>, vector<256x2048xf32>
    %reduce_sum3A_95 = arith.constant dense<0.000000e+00> : vector<256xf32>
    %reduce_sum3A_96 = vector.multi_reduction <add>, %select_n3A_94, %reduce_sum3A_95 [1] : vector<256x2048xf32> to vector<256xf32>
    %broadcast_in_dim3A_97 = vector.shape_cast %reduce_sum3A_96 : vector<256xf32> to vector<256x1xf32>
    %iota3A_98 = tpu.iota {dimensions = array<i32: 0>} : vector<256x2048xi32>
    %add3A_99 = arith.constant 1792 : i32
    %add3A_100 = vector.broadcast %add3A_99 : i32 to vector<256x2048xi32>
    %add3A_101 = arith.addi %iota3A_98, %add3A_100 : vector<256x2048xi32>
    %eq3A_102 = arith.cmpi eq, %iota3A, %add3A_101 : vector<256x2048xi32>
    %jit3A_103 = arith.constant 0.000000e+00 : f32
    %broadcast_in_dim3A_104 = vector.shape_cast %logistic3A_12 : vector<1x2048xf32> to vector<1x2048xf32>
    %broadcast_in_dim3A_105 = vector.broadcast %broadcast_in_dim3A_104 : vector<1x2048xf32> to vector<256x2048xf32>
    %broadcast_in_dim3A_106 = vector.broadcast %jit3A_103 : f32 to vector<256x2048xf32>
    %select_n3A_107 = arith.select %eq3A_102, %broadcast_in_dim3A_105, %broadcast_in_dim3A_106 : vector<256x2048xi1>, vector<256x2048xf32>
    %reduce_sum3A_108 = arith.constant dense<0.000000e+00> : vector<256xf32>
    %reduce_sum3A_109 = vector.multi_reduction <add>, %select_n3A_107, %reduce_sum3A_108 [1] : vector<256x2048xf32> to vector<256xf32>
    %broadcast_in_dim3A_110 = vector.shape_cast %reduce_sum3A_109 : vector<256xf32> to vector<256x1xf32>
    %concatenate3A = tpu.concatenate %broadcast_in_dim3A_19, %broadcast_in_dim3A_32, %broadcast_in_dim3A_45, %broadcast_in_dim3A_58, %broadcast_in_dim3A_71, %broadcast_in_dim3A_84, %broadcast_in_dim3A_97, %broadcast_in_dim3A_110 in 0 : vector<256x1xf32>, vector<256x1xf32>, vector<256x1xf32>, vector<256x1xf32>, vector<256x1xf32>, vector<256x1xf32>, vector<256x1xf32>, vector<256x1xf32> -> vector<2048x1xf32>
    %broadcast_in_dim3A_111 = arith.constant 0.000000e+00 : f32
    %broadcast_in_dim3A_112 = vector.broadcast %broadcast_in_dim3A_111 : f32 to vector<1x2048xf32>
    %iota3A_113 = tpu.iota {dimensions = array<i32: 0>} : vector<256x2048xi32>
    %add3A_114 = arith.constant 0 : i32
    %add3A_115 = vector.broadcast %add3A_114 : i32 to vector<256x2048xi32>
    %add3A_116 = arith.addi %iota3A_113, %add3A_115 : vector<256x2048xi32>
    %slice3A = vector.extract_strided_slice %concatenate3A {offsets = [0, 0], sizes = [256, 1], strides = [1, 1]} : vector<2048x1xf32> to vector<256x1xf32>
    %gt3A = vector.broadcast %logistic3A_12 : vector<1x2048xf32> to vector<256x2048xf32>
    %gt3A_117 = vector.broadcast %slice3A : vector<256x1xf32> to vector<256x2048xf32>
    %gt3A_118 = arith.cmpf ogt, %gt3A, %gt3A_117 : vector<256x2048xf32>
    %eq3A_119 = vector.broadcast %logistic3A_12 : vector<1x2048xf32> to vector<256x2048xf32>
    %eq3A_120 = vector.broadcast %slice3A : vector<256x1xf32> to vector<256x2048xf32>
    %eq3A_121 = arith.cmpf oeq, %eq3A_119, %eq3A_120 : vector<256x2048xf32>
    %lt3A = arith.cmpi slt, %iota3A, %add3A_116 : vector<256x2048xi32>
    %and3A = arith.andi %eq3A_121, %lt3A : vector<256x2048xi1>
    %or3A = arith.ori %gt3A_118, %and3A : vector<256x2048xi1>
    %convert_element_type3A = arith.extui %or3A : vector<256x2048xi1> to vector<256x2048xi32>
    %convert_element_type3A_122 = arith.sitofp %convert_element_type3A : vector<256x2048xi32> to vector<256x2048xf32>
    %reduce_sum3A_123 = arith.constant dense<0.000000e+00> : vector<256xf32>
    %reduce_sum3A_124 = vector.multi_reduction <add>, %convert_element_type3A_122, %reduce_sum3A_123 [1] : vector<256x2048xf32> to vector<256xf32>
    %broadcast_in_dim3A_125 = vector.shape_cast %reduce_sum3A_124 : vector<256xf32> to vector<256x1xf32>
    %gt3A_126 = vector.broadcast %slice3A : vector<256x1xf32> to vector<256x2048xf32>
    %gt3A_127 = vector.broadcast %logistic3A_12 : vector<1x2048xf32> to vector<256x2048xf32>
    %gt3A_128 = arith.cmpf ogt, %gt3A_126, %gt3A_127 : vector<256x2048xf32>
    %eq3A_129 = vector.broadcast %slice3A : vector<256x1xf32> to vector<256x2048xf32>
    %eq3A_130 = vector.broadcast %logistic3A_12 : vector<1x2048xf32> to vector<256x2048xf32>
    %eq3A_131 = arith.cmpf oeq, %eq3A_129, %eq3A_130 : vector<256x2048xf32>
    %lt3A_132 = arith.cmpi slt, %add3A_116, %iota3A : vector<256x2048xi32>
    %and3A_133 = arith.andi %eq3A_131, %lt3A_132 : vector<256x2048xi1>
    %or3A_134 = arith.ori %gt3A_128, %and3A_133 : vector<256x2048xi1>
    %convert_element_type3A_135 = arith.extui %or3A_134 : vector<256x2048xi1> to vector<256x2048xi32>
    %convert_element_type3A_136 = arith.sitofp %convert_element_type3A_135 : vector<256x2048xi32> to vector<256x2048xf32>
    %reduce_sum3A_137 = arith.constant dense<0.000000e+00> : vector<2048xf32>
    %reduce_sum3A_138 = vector.multi_reduction <add>, %convert_element_type3A_136, %reduce_sum3A_137 [0] : vector<256x2048xf32> to vector<2048xf32>
    %broadcast_in_dim3A_139 = vector.shape_cast %reduce_sum3A_138 : vector<2048xf32> to vector<1x2048xf32>
    %add3A_140 = arith.addf %broadcast_in_dim3A_112, %broadcast_in_dim3A_139 : vector<1x2048xf32>
    %iota3A_141 = tpu.iota {dimensions = array<i32: 0>} : vector<256x2048xi32>
    %add3A_142 = arith.constant 256 : i32
    %add3A_143 = vector.broadcast %add3A_142 : i32 to vector<256x2048xi32>
    %add3A_144 = arith.addi %iota3A_141, %add3A_143 : vector<256x2048xi32>
    %slice3A_145 = vector.extract_strided_slice %concatenate3A {offsets = [256, 0], sizes = [256, 1], strides = [1, 1]} : vector<2048x1xf32> to vector<256x1xf32>
    %gt3A_146 = vector.broadcast %logistic3A_12 : vector<1x2048xf32> to vector<256x2048xf32>
    %gt3A_147 = vector.broadcast %slice3A_145 : vector<256x1xf32> to vector<256x2048xf32>
    %gt3A_148 = arith.cmpf ogt, %gt3A_146, %gt3A_147 : vector<256x2048xf32>
    %eq3A_149 = vector.broadcast %logistic3A_12 : vector<1x2048xf32> to vector<256x2048xf32>
    %eq3A_150 = vector.broadcast %slice3A_145 : vector<256x1xf32> to vector<256x2048xf32>
    %eq3A_151 = arith.cmpf oeq, %eq3A_149, %eq3A_150 : vector<256x2048xf32>
    %lt3A_152 = arith.cmpi slt, %iota3A, %add3A_144 : vector<256x2048xi32>
    %and3A_153 = arith.andi %eq3A_151, %lt3A_152 : vector<256x2048xi1>
    %or3A_154 = arith.ori %gt3A_148, %and3A_153 : vector<256x2048xi1>
    %convert_element_type3A_155 = arith.extui %or3A_154 : vector<256x2048xi1> to vector<256x2048xi32>
    %convert_element_type3A_156 = arith.sitofp %convert_element_type3A_155 : vector<256x2048xi32> to vector<256x2048xf32>
    %reduce_sum3A_157 = arith.constant dense<0.000000e+00> : vector<256xf32>
    %reduce_sum3A_158 = vector.multi_reduction <add>, %convert_element_type3A_156, %reduce_sum3A_157 [1] : vector<256x2048xf32> to vector<256xf32>
    %broadcast_in_dim3A_159 = vector.shape_cast %reduce_sum3A_158 : vector<256xf32> to vector<256x1xf32>
    %gt3A_160 = vector.broadcast %slice3A_145 : vector<256x1xf32> to vector<256x2048xf32>
    %gt3A_161 = vector.broadcast %logistic3A_12 : vector<1x2048xf32> to vector<256x2048xf32>
    %gt3A_162 = arith.cmpf ogt, %gt3A_160, %gt3A_161 : vector<256x2048xf32>
    %eq3A_163 = vector.broadcast %slice3A_145 : vector<256x1xf32> to vector<256x2048xf32>
    %eq3A_164 = vector.broadcast %logistic3A_12 : vector<1x2048xf32> to vector<256x2048xf32>
    %eq3A_165 = arith.cmpf oeq, %eq3A_163, %eq3A_164 : vector<256x2048xf32>
    %lt3A_166 = arith.cmpi slt, %add3A_144, %iota3A : vector<256x2048xi32>
    %and3A_167 = arith.andi %eq3A_165, %lt3A_166 : vector<256x2048xi1>
    %or3A_168 = arith.ori %gt3A_162, %and3A_167 : vector<256x2048xi1>
    %convert_element_type3A_169 = arith.extui %or3A_168 : vector<256x2048xi1> to vector<256x2048xi32>
    %convert_element_type3A_170 = arith.sitofp %convert_element_type3A_169 : vector<256x2048xi32> to vector<256x2048xf32>
    %reduce_sum3A_171 = arith.constant dense<0.000000e+00> : vector<2048xf32>
    %reduce_sum3A_172 = vector.multi_reduction <add>, %convert_element_type3A_170, %reduce_sum3A_171 [0] : vector<256x2048xf32> to vector<2048xf32>
    %broadcast_in_dim3A_173 = vector.shape_cast %reduce_sum3A_172 : vector<2048xf32> to vector<1x2048xf32>
    %add3A_174 = arith.addf %add3A_140, %broadcast_in_dim3A_173 : vector<1x2048xf32>
    %iota3A_175 = tpu.iota {dimensions = array<i32: 0>} : vector<256x2048xi32>
    %add3A_176 = arith.constant 512 : i32
    %add3A_177 = vector.broadcast %add3A_176 : i32 to vector<256x2048xi32>
    %add3A_178 = arith.addi %iota3A_175, %add3A_177 : vector<256x2048xi32>
    %slice3A_179 = vector.extract_strided_slice %concatenate3A {offsets = [512, 0], sizes = [256, 1], strides = [1, 1]} : vector<2048x1xf32> to vector<256x1xf32>
    %gt3A_180 = vector.broadcast %logistic3A_12 : vector<1x2048xf32> to vector<256x2048xf32>
    %gt3A_181 = vector.broadcast %slice3A_179 : vector<256x1xf32> to vector<256x2048xf32>
    %gt3A_182 = arith.cmpf ogt, %gt3A_180, %gt3A_181 : vector<256x2048xf32>
    %eq3A_183 = vector.broadcast %logistic3A_12 : vector<1x2048xf32> to vector<256x2048xf32>
    %eq3A_184 = vector.broadcast %slice3A_179 : vector<256x1xf32> to vector<256x2048xf32>
    %eq3A_185 = arith.cmpf oeq, %eq3A_183, %eq3A_184 : vector<256x2048xf32>
    %lt3A_186 = arith.cmpi slt, %iota3A, %add3A_178 : vector<256x2048xi32>
    %and3A_187 = arith.andi %eq3A_185, %lt3A_186 : vector<256x2048xi1>
    %or3A_188 = arith.ori %gt3A_182, %and3A_187 : vector<256x2048xi1>
    %convert_element_type3A_189 = arith.extui %or3A_188 : vector<256x2048xi1> to vector<256x2048xi32>
    %convert_element_type3A_190 = arith.sitofp %convert_element_type3A_189 : vector<256x2048xi32> to vector<256x2048xf32>
    %reduce_sum3A_191 = arith.constant dense<0.000000e+00> : vector<256xf32>
    %reduce_sum3A_192 = vector.multi_reduction <add>, %convert_element_type3A_190, %reduce_sum3A_191 [1] : vector<256x2048xf32> to vector<256xf32>
    %broadcast_in_dim3A_193 = vector.shape_cast %reduce_sum3A_192 : vector<256xf32> to vector<256x1xf32>
    %gt3A_194 = vector.broadcast %slice3A_179 : vector<256x1xf32> to vector<256x2048xf32>
    %gt3A_195 = vector.broadcast %logistic3A_12 : vector<1x2048xf32> to vector<256x2048xf32>
    %gt3A_196 = arith.cmpf ogt, %gt3A_194, %gt3A_195 : vector<256x2048xf32>
    %eq3A_197 = vector.broadcast %slice3A_179 : vector<256x1xf32> to vector<256x2048xf32>
    %eq3A_198 = vector.broadcast %logistic3A_12 : vector<1x2048xf32> to vector<256x2048xf32>
    %eq3A_199 = arith.cmpf oeq, %eq3A_197, %eq3A_198 : vector<256x2048xf32>
    %lt3A_200 = arith.cmpi slt, %add3A_178, %iota3A : vector<256x2048xi32>
    %and3A_201 = arith.andi %eq3A_199, %lt3A_200 : vector<256x2048xi1>
    %or3A_202 = arith.ori %gt3A_196, %and3A_201 : vector<256x2048xi1>
    %convert_element_type3A_203 = arith.extui %or3A_202 : vector<256x2048xi1> to vector<256x2048xi32>
    %convert_element_type3A_204 = arith.sitofp %convert_element_type3A_203 : vector<256x2048xi32> to vector<256x2048xf32>
    %reduce_sum3A_205 = arith.constant dense<0.000000e+00> : vector<2048xf32>
    %reduce_sum3A_206 = vector.multi_reduction <add>, %convert_element_type3A_204, %reduce_sum3A_205 [0] : vector<256x2048xf32> to vector<2048xf32>
    %broadcast_in_dim3A_207 = vector.shape_cast %reduce_sum3A_206 : vector<2048xf32> to vector<1x2048xf32>
    %add3A_208 = arith.addf %add3A_174, %broadcast_in_dim3A_207 : vector<1x2048xf32>
    %iota3A_209 = tpu.iota {dimensions = array<i32: 0>} : vector<256x2048xi32>
    %add3A_210 = arith.constant 768 : i32
    %add3A_211 = vector.broadcast %add3A_210 : i32 to vector<256x2048xi32>
    %add3A_212 = arith.addi %iota3A_209, %add3A_211 : vector<256x2048xi32>
    %slice3A_213 = vector.extract_strided_slice %concatenate3A {offsets = [768, 0], sizes = [256, 1], strides = [1, 1]} : vector<2048x1xf32> to vector<256x1xf32>
    %gt3A_214 = vector.broadcast %logistic3A_12 : vector<1x2048xf32> to vector<256x2048xf32>
    %gt3A_215 = vector.broadcast %slice3A_213 : vector<256x1xf32> to vector<256x2048xf32>
    %gt3A_216 = arith.cmpf ogt, %gt3A_214, %gt3A_215 : vector<256x2048xf32>
    %eq3A_217 = vector.broadcast %logistic3A_12 : vector<1x2048xf32> to vector<256x2048xf32>
    %eq3A_218 = vector.broadcast %slice3A_213 : vector<256x1xf32> to vector<256x2048xf32>
    %eq3A_219 = arith.cmpf oeq, %eq3A_217, %eq3A_218 : vector<256x2048xf32>
    %lt3A_220 = arith.cmpi slt, %iota3A, %add3A_212 : vector<256x2048xi32>
    %and3A_221 = arith.andi %eq3A_219, %lt3A_220 : vector<256x2048xi1>
    %or3A_222 = arith.ori %gt3A_216, %and3A_221 : vector<256x2048xi1>
    %convert_element_type3A_223 = arith.extui %or3A_222 : vector<256x2048xi1> to vector<256x2048xi32>
    %convert_element_type3A_224 = arith.sitofp %convert_element_type3A_223 : vector<256x2048xi32> to vector<256x2048xf32>
    %reduce_sum3A_225 = arith.constant dense<0.000000e+00> : vector<256xf32>
    %reduce_sum3A_226 = vector.multi_reduction <add>, %convert_element_type3A_224, %reduce_sum3A_225 [1] : vector<256x2048xf32> to vector<256xf32>
    %broadcast_in_dim3A_227 = vector.shape_cast %reduce_sum3A_226 : vector<256xf32> to vector<256x1xf32>
    %gt3A_228 = vector.broadcast %slice3A_213 : vector<256x1xf32> to vector<256x2048xf32>
    %gt3A_229 = vector.broadcast %logistic3A_12 : vector<1x2048xf32> to vector<256x2048xf32>
    %gt3A_230 = arith.cmpf ogt, %gt3A_228, %gt3A_229 : vector<256x2048xf32>
    %eq3A_231 = vector.broadcast %slice3A_213 : vector<256x1xf32> to vector<256x2048xf32>
    %eq3A_232 = vector.broadcast %logistic3A_12 : vector<1x2048xf32> to vector<256x2048xf32>
    %eq3A_233 = arith.cmpf oeq, %eq3A_231, %eq3A_232 : vector<256x2048xf32>
    %lt3A_234 = arith.cmpi slt, %add3A_212, %iota3A : vector<256x2048xi32>
    %and3A_235 = arith.andi %eq3A_233, %lt3A_234 : vector<256x2048xi1>
    %or3A_236 = arith.ori %gt3A_230, %and3A_235 : vector<256x2048xi1>
    %convert_element_type3A_237 = arith.extui %or3A_236 : vector<256x2048xi1> to vector<256x2048xi32>
    %convert_element_type3A_238 = arith.sitofp %convert_element_type3A_237 : vector<256x2048xi32> to vector<256x2048xf32>
    %reduce_sum3A_239 = arith.constant dense<0.000000e+00> : vector<2048xf32>
    %reduce_sum3A_240 = vector.multi_reduction <add>, %convert_element_type3A_238, %reduce_sum3A_239 [0] : vector<256x2048xf32> to vector<2048xf32>
    %broadcast_in_dim3A_241 = vector.shape_cast %reduce_sum3A_240 : vector<2048xf32> to vector<1x2048xf32>
    %add3A_242 = arith.addf %add3A_208, %broadcast_in_dim3A_241 : vector<1x2048xf32>
    %iota3A_243 = tpu.iota {dimensions = array<i32: 0>} : vector<256x2048xi32>
    %add3A_244 = arith.constant 1024 : i32
    %add3A_245 = vector.broadcast %add3A_244 : i32 to vector<256x2048xi32>
    %add3A_246 = arith.addi %iota3A_243, %add3A_245 : vector<256x2048xi32>
    %slice3A_247 = vector.extract_strided_slice %concatenate3A {offsets = [1024, 0], sizes = [256, 1], strides = [1, 1]} : vector<2048x1xf32> to vector<256x1xf32>
    %gt3A_248 = vector.broadcast %logistic3A_12 : vector<1x2048xf32> to vector<256x2048xf32>
    %gt3A_249 = vector.broadcast %slice3A_247 : vector<256x1xf32> to vector<256x2048xf32>
    %gt3A_250 = arith.cmpf ogt, %gt3A_248, %gt3A_249 : vector<256x2048xf32>
    %eq3A_251 = vector.broadcast %logistic3A_12 : vector<1x2048xf32> to vector<256x2048xf32>
    %eq3A_252 = vector.broadcast %slice3A_247 : vector<256x1xf32> to vector<256x2048xf32>
    %eq3A_253 = arith.cmpf oeq, %eq3A_251, %eq3A_252 : vector<256x2048xf32>
    %lt3A_254 = arith.cmpi slt, %iota3A, %add3A_246 : vector<256x2048xi32>
    %and3A_255 = arith.andi %eq3A_253, %lt3A_254 : vector<256x2048xi1>
    %or3A_256 = arith.ori %gt3A_250, %and3A_255 : vector<256x2048xi1>
    %convert_element_type3A_257 = arith.extui %or3A_256 : vector<256x2048xi1> to vector<256x2048xi32>
    %convert_element_type3A_258 = arith.sitofp %convert_element_type3A_257 : vector<256x2048xi32> to vector<256x2048xf32>
    %reduce_sum3A_259 = arith.constant dense<0.000000e+00> : vector<256xf32>
    %reduce_sum3A_260 = vector.multi_reduction <add>, %convert_element_type3A_258, %reduce_sum3A_259 [1] : vector<256x2048xf32> to vector<256xf32>
    %broadcast_in_dim3A_261 = vector.shape_cast %reduce_sum3A_260 : vector<256xf32> to vector<256x1xf32>
    %gt3A_262 = vector.broadcast %slice3A_247 : vector<256x1xf32> to vector<256x2048xf32>
    %gt3A_263 = vector.broadcast %logistic3A_12 : vector<1x2048xf32> to vector<256x2048xf32>
    %gt3A_264 = arith.cmpf ogt, %gt3A_262, %gt3A_263 : vector<256x2048xf32>
    %eq3A_265 = vector.broadcast %slice3A_247 : vector<256x1xf32> to vector<256x2048xf32>
    %eq3A_266 = vector.broadcast %logistic3A_12 : vector<1x2048xf32> to vector<256x2048xf32>
    %eq3A_267 = arith.cmpf oeq, %eq3A_265, %eq3A_266 : vector<256x2048xf32>
    %lt3A_268 = arith.cmpi slt, %add3A_246, %iota3A : vector<256x2048xi32>
    %and3A_269 = arith.andi %eq3A_267, %lt3A_268 : vector<256x2048xi1>
    %or3A_270 = arith.ori %gt3A_264, %and3A_269 : vector<256x2048xi1>
    %convert_element_type3A_271 = arith.extui %or3A_270 : vector<256x2048xi1> to vector<256x2048xi32>
    %convert_element_type3A_272 = arith.sitofp %convert_element_type3A_271 : vector<256x2048xi32> to vector<256x2048xf32>
    %reduce_sum3A_273 = arith.constant dense<0.000000e+00> : vector<2048xf32>
    %reduce_sum3A_274 = vector.multi_reduction <add>, %convert_element_type3A_272, %reduce_sum3A_273 [0] : vector<256x2048xf32> to vector<2048xf32>
    %broadcast_in_dim3A_275 = vector.shape_cast %reduce_sum3A_274 : vector<2048xf32> to vector<1x2048xf32>
    %add3A_276 = arith.addf %add3A_242, %broadcast_in_dim3A_275 : vector<1x2048xf32>
    %iota3A_277 = tpu.iota {dimensions = array<i32: 0>} : vector<256x2048xi32>
    %add3A_278 = arith.constant 1280 : i32
    %add3A_279 = vector.broadcast %add3A_278 : i32 to vector<256x2048xi32>
    %add3A_280 = arith.addi %iota3A_277, %add3A_279 : vector<256x2048xi32>
    %slice3A_281 = vector.extract_strided_slice %concatenate3A {offsets = [1280, 0], sizes = [256, 1], strides = [1, 1]} : vector<2048x1xf32> to vector<256x1xf32>
    %gt3A_282 = vector.broadcast %logistic3A_12 : vector<1x2048xf32> to vector<256x2048xf32>
    %gt3A_283 = vector.broadcast %slice3A_281 : vector<256x1xf32> to vector<256x2048xf32>
    %gt3A_284 = arith.cmpf ogt, %gt3A_282, %gt3A_283 : vector<256x2048xf32>
    %eq3A_285 = vector.broadcast %logistic3A_12 : vector<1x2048xf32> to vector<256x2048xf32>
    %eq3A_286 = vector.broadcast %slice3A_281 : vector<256x1xf32> to vector<256x2048xf32>
    %eq3A_287 = arith.cmpf oeq, %eq3A_285, %eq3A_286 : vector<256x2048xf32>
    %lt3A_288 = arith.cmpi slt, %iota3A, %add3A_280 : vector<256x2048xi32>
    %and3A_289 = arith.andi %eq3A_287, %lt3A_288 : vector<256x2048xi1>
    %or3A_290 = arith.ori %gt3A_284, %and3A_289 : vector<256x2048xi1>
    %convert_element_type3A_291 = arith.extui %or3A_290 : vector<256x2048xi1> to vector<256x2048xi32>
    %convert_element_type3A_292 = arith.sitofp %convert_element_type3A_291 : vector<256x2048xi32> to vector<256x2048xf32>
    %reduce_sum3A_293 = arith.constant dense<0.000000e+00> : vector<256xf32>
    %reduce_sum3A_294 = vector.multi_reduction <add>, %convert_element_type3A_292, %reduce_sum3A_293 [1] : vector<256x2048xf32> to vector<256xf32>
    %broadcast_in_dim3A_295 = vector.shape_cast %reduce_sum3A_294 : vector<256xf32> to vector<256x1xf32>
    %gt3A_296 = vector.broadcast %slice3A_281 : vector<256x1xf32> to vector<256x2048xf32>
    %gt3A_297 = vector.broadcast %logistic3A_12 : vector<1x2048xf32> to vector<256x2048xf32>
    %gt3A_298 = arith.cmpf ogt, %gt3A_296, %gt3A_297 : vector<256x2048xf32>
    %eq3A_299 = vector.broadcast %slice3A_281 : vector<256x1xf32> to vector<256x2048xf32>
    %eq3A_300 = vector.broadcast %logistic3A_12 : vector<1x2048xf32> to vector<256x2048xf32>
    %eq3A_301 = arith.cmpf oeq, %eq3A_299, %eq3A_300 : vector<256x2048xf32>
    %lt3A_302 = arith.cmpi slt, %add3A_280, %iota3A : vector<256x2048xi32>
    %and3A_303 = arith.andi %eq3A_301, %lt3A_302 : vector<256x2048xi1>
    %or3A_304 = arith.ori %gt3A_298, %and3A_303 : vector<256x2048xi1>
    %convert_element_type3A_305 = arith.extui %or3A_304 : vector<256x2048xi1> to vector<256x2048xi32>
    %convert_element_type3A_306 = arith.sitofp %convert_element_type3A_305 : vector<256x2048xi32> to vector<256x2048xf32>
    %reduce_sum3A_307 = arith.constant dense<0.000000e+00> : vector<2048xf32>
    %reduce_sum3A_308 = vector.multi_reduction <add>, %convert_element_type3A_306, %reduce_sum3A_307 [0] : vector<256x2048xf32> to vector<2048xf32>
    %broadcast_in_dim3A_309 = vector.shape_cast %reduce_sum3A_308 : vector<2048xf32> to vector<1x2048xf32>
    %add3A_310 = arith.addf %add3A_276, %broadcast_in_dim3A_309 : vector<1x2048xf32>
    %iota3A_311 = tpu.iota {dimensions = array<i32: 0>} : vector<256x2048xi32>
    %add3A_312 = arith.constant 1536 : i32
    %add3A_313 = vector.broadcast %add3A_312 : i32 to vector<256x2048xi32>
    %add3A_314 = arith.addi %iota3A_311, %add3A_313 : vector<256x2048xi32>
    %slice3A_315 = vector.extract_strided_slice %concatenate3A {offsets = [1536, 0], sizes = [256, 1], strides = [1, 1]} : vector<2048x1xf32> to vector<256x1xf32>
    %gt3A_316 = vector.broadcast %logistic3A_12 : vector<1x2048xf32> to vector<256x2048xf32>
    %gt3A_317 = vector.broadcast %slice3A_315 : vector<256x1xf32> to vector<256x2048xf32>
    %gt3A_318 = arith.cmpf ogt, %gt3A_316, %gt3A_317 : vector<256x2048xf32>
    %eq3A_319 = vector.broadcast %logistic3A_12 : vector<1x2048xf32> to vector<256x2048xf32>
    %eq3A_320 = vector.broadcast %slice3A_315 : vector<256x1xf32> to vector<256x2048xf32>
    %eq3A_321 = arith.cmpf oeq, %eq3A_319, %eq3A_320 : vector<256x2048xf32>
    %lt3A_322 = arith.cmpi slt, %iota3A, %add3A_314 : vector<256x2048xi32>
    %and3A_323 = arith.andi %eq3A_321, %lt3A_322 : vector<256x2048xi1>
    %or3A_324 = arith.ori %gt3A_318, %and3A_323 : vector<256x2048xi1>
    %convert_element_type3A_325 = arith.extui %or3A_324 : vector<256x2048xi1> to vector<256x2048xi32>
    %convert_element_type3A_326 = arith.sitofp %convert_element_type3A_325 : vector<256x2048xi32> to vector<256x2048xf32>
    %reduce_sum3A_327 = arith.constant dense<0.000000e+00> : vector<256xf32>
    %reduce_sum3A_328 = vector.multi_reduction <add>, %convert_element_type3A_326, %reduce_sum3A_327 [1] : vector<256x2048xf32> to vector<256xf32>
    %broadcast_in_dim3A_329 = vector.shape_cast %reduce_sum3A_328 : vector<256xf32> to vector<256x1xf32>
    %gt3A_330 = vector.broadcast %slice3A_315 : vector<256x1xf32> to vector<256x2048xf32>
    %gt3A_331 = vector.broadcast %logistic3A_12 : vector<1x2048xf32> to vector<256x2048xf32>
    %gt3A_332 = arith.cmpf ogt, %gt3A_330, %gt3A_331 : vector<256x2048xf32>
    %eq3A_333 = vector.broadcast %slice3A_315 : vector<256x1xf32> to vector<256x2048xf32>
    %eq3A_334 = vector.broadcast %logistic3A_12 : vector<1x2048xf32> to vector<256x2048xf32>
    %eq3A_335 = arith.cmpf oeq, %eq3A_333, %eq3A_334 : vector<256x2048xf32>
    %lt3A_336 = arith.cmpi slt, %add3A_314, %iota3A : vector<256x2048xi32>
    %and3A_337 = arith.andi %eq3A_335, %lt3A_336 : vector<256x2048xi1>
    %or3A_338 = arith.ori %gt3A_332, %and3A_337 : vector<256x2048xi1>
    %convert_element_type3A_339 = arith.extui %or3A_338 : vector<256x2048xi1> to vector<256x2048xi32>
    %convert_element_type3A_340 = arith.sitofp %convert_element_type3A_339 : vector<256x2048xi32> to vector<256x2048xf32>
    %reduce_sum3A_341 = arith.constant dense<0.000000e+00> : vector<2048xf32>
    %reduce_sum3A_342 = vector.multi_reduction <add>, %convert_element_type3A_340, %reduce_sum3A_341 [0] : vector<256x2048xf32> to vector<2048xf32>
    %broadcast_in_dim3A_343 = vector.shape_cast %reduce_sum3A_342 : vector<2048xf32> to vector<1x2048xf32>
    %add3A_344 = arith.addf %add3A_310, %broadcast_in_dim3A_343 : vector<1x2048xf32>
    %iota3A_345 = tpu.iota {dimensions = array<i32: 0>} : vector<256x2048xi32>
    %add3A_346 = arith.constant 1792 : i32
    %add3A_347 = vector.broadcast %add3A_346 : i32 to vector<256x2048xi32>
    %add3A_348 = arith.addi %iota3A_345, %add3A_347 : vector<256x2048xi32>
    %slice3A_349 = vector.extract_strided_slice %concatenate3A {offsets = [1792, 0], sizes = [256, 1], strides = [1, 1]} : vector<2048x1xf32> to vector<256x1xf32>
    %gt3A_350 = vector.broadcast %logistic3A_12 : vector<1x2048xf32> to vector<256x2048xf32>
    %gt3A_351 = vector.broadcast %slice3A_349 : vector<256x1xf32> to vector<256x2048xf32>
    %gt3A_352 = arith.cmpf ogt, %gt3A_350, %gt3A_351 : vector<256x2048xf32>
    %eq3A_353 = vector.broadcast %logistic3A_12 : vector<1x2048xf32> to vector<256x2048xf32>
    %eq3A_354 = vector.broadcast %slice3A_349 : vector<256x1xf32> to vector<256x2048xf32>
    %eq3A_355 = arith.cmpf oeq, %eq3A_353, %eq3A_354 : vector<256x2048xf32>
    %lt3A_356 = arith.cmpi slt, %iota3A, %add3A_348 : vector<256x2048xi32>
    %and3A_357 = arith.andi %eq3A_355, %lt3A_356 : vector<256x2048xi1>
    %or3A_358 = arith.ori %gt3A_352, %and3A_357 : vector<256x2048xi1>
    %convert_element_type3A_359 = arith.extui %or3A_358 : vector<256x2048xi1> to vector<256x2048xi32>
    %convert_element_type3A_360 = arith.sitofp %convert_element_type3A_359 : vector<256x2048xi32> to vector<256x2048xf32>
    %reduce_sum3A_361 = arith.constant dense<0.000000e+00> : vector<256xf32>
    %reduce_sum3A_362 = vector.multi_reduction <add>, %convert_element_type3A_360, %reduce_sum3A_361 [1] : vector<256x2048xf32> to vector<256xf32>
    %broadcast_in_dim3A_363 = vector.shape_cast %reduce_sum3A_362 : vector<256xf32> to vector<256x1xf32>
    %gt3A_364 = vector.broadcast %slice3A_349 : vector<256x1xf32> to vector<256x2048xf32>
    %gt3A_365 = vector.broadcast %logistic3A_12 : vector<1x2048xf32> to vector<256x2048xf32>
    %gt3A_366 = arith.cmpf ogt, %gt3A_364, %gt3A_365 : vector<256x2048xf32>
    %eq3A_367 = vector.broadcast %slice3A_349 : vector<256x1xf32> to vector<256x2048xf32>
    %eq3A_368 = vector.broadcast %logistic3A_12 : vector<1x2048xf32> to vector<256x2048xf32>
    %eq3A_369 = arith.cmpf oeq, %eq3A_367, %eq3A_368 : vector<256x2048xf32>
    %lt3A_370 = arith.cmpi slt, %add3A_348, %iota3A : vector<256x2048xi32>
    %and3A_371 = arith.andi %eq3A_369, %lt3A_370 : vector<256x2048xi1>
    %or3A_372 = arith.ori %gt3A_366, %and3A_371 : vector<256x2048xi1>
    %convert_element_type3A_373 = arith.extui %or3A_372 : vector<256x2048xi1> to vector<256x2048xi32>
    %convert_element_type3A_374 = arith.sitofp %convert_element_type3A_373 : vector<256x2048xi32> to vector<256x2048xf32>
    %reduce_sum3A_375 = arith.constant dense<0.000000e+00> : vector<2048xf32>
    %reduce_sum3A_376 = vector.multi_reduction <add>, %convert_element_type3A_374, %reduce_sum3A_375 [0] : vector<256x2048xf32> to vector<2048xf32>
    %broadcast_in_dim3A_377 = vector.shape_cast %reduce_sum3A_376 : vector<2048xf32> to vector<1x2048xf32>
    %add3A_378 = arith.addf %add3A_344, %broadcast_in_dim3A_377 : vector<1x2048xf32>
    %concatenate3A_379 = tpu.concatenate %broadcast_in_dim3A_125, %broadcast_in_dim3A_159, %broadcast_in_dim3A_193, %broadcast_in_dim3A_227, %broadcast_in_dim3A_261, %broadcast_in_dim3A_295, %broadcast_in_dim3A_329, %broadcast_in_dim3A_363 in 0 : vector<256x1xf32>, vector<256x1xf32>, vector<256x1xf32>, vector<256x1xf32>, vector<256x1xf32>, vector<256x1xf32>, vector<256x1xf32>, vector<256x1xf32> -> vector<2048x1xf32>
    %lt3A_380 = arith.constant 1.024000e+03 : f32
    %lt3A_381 = vector.broadcast %lt3A_380 : f32 to vector<2048x1xf32>
    %lt3A_382 = arith.cmpf olt, %concatenate3A_379, %lt3A_381 : vector<2048x1xf32>
    %lt3A_383 = arith.constant 1.024000e+03 : f32
    %lt3A_384 = vector.broadcast %lt3A_383 : f32 to vector<1x2048xf32>
    %lt3A_385 = arith.cmpf olt, %add3A_378, %lt3A_384 : vector<1x2048xf32>
    %convert_element_type3A_386 = arith.extui %lt3A_382 : vector<2048x1xi1> to vector<2048x1xi32>
    %convert_element_type3A_387 = arith.sitofp %convert_element_type3A_386 : vector<2048x1xi32> to vector<2048x1xf32>
    %convert_element_type3A_388 = arith.extui %lt3A_385 : vector<1x2048xi1> to vector<1x2048xi32>
    %convert_element_type3A_389 = arith.sitofp %convert_element_type3A_388 : vector<1x2048xi32> to vector<1x2048xf32>
    %broadcast_in_dim3A_390 = arith.constant 0.000000e+00 : f32
    %broadcast_in_dim3A_391 = vector.broadcast %broadcast_in_dim3A_390 : f32 to vector<1x2048xf32>
    %iota3A_392 = tpu.iota {dimensions = array<i32: 0>} : vector<256x2048xi32>
    %add3A_393 = arith.constant 0 : i32
    %add3A_394 = vector.broadcast %add3A_393 : i32 to vector<256x2048xi32>
    %add3A_395 = arith.addi %iota3A_392, %add3A_394 : vector<256x2048xi32>
    %lt3A_396 = arith.cmpi slt, %iota3A, %add3A_395 : vector<256x2048xi32>
    %convert_element_type3A_397 = arith.extui %lt3A_396 : vector<256x2048xi1> to vector<256x2048xi32>
    %convert_element_type3A_398 = arith.sitofp %convert_element_type3A_397 : vector<256x2048xi32> to vector<256x2048xf32>
    %mul3A = vector.broadcast %convert_element_type3A_389 : vector<1x2048xf32> to vector<256x2048xf32>
    %mul3A_399 = arith.mulf %mul3A, %convert_element_type3A_398 : vector<256x2048xf32>
    %reduce_sum3A_400 = arith.constant dense<0.000000e+00> : vector<256xf32>
    %reduce_sum3A_401 = vector.multi_reduction <add>, %mul3A_399, %reduce_sum3A_400 [1] : vector<256x2048xf32> to vector<256xf32>
    %broadcast_in_dim3A_402 = vector.shape_cast %reduce_sum3A_401 : vector<256xf32> to vector<256x1xf32>
    %slice3A_403 = vector.extract_strided_slice %convert_element_type3A_387 {offsets = [0, 0], sizes = [256, 1], strides = [1, 1]} : vector<2048x1xf32> to vector<256x1xf32>
    %lt3A_404 = arith.cmpi slt, %add3A_395, %iota3A : vector<256x2048xi32>
    %convert_element_type3A_405 = arith.extui %lt3A_404 : vector<256x2048xi1> to vector<256x2048xi32>
    %convert_element_type3A_406 = arith.sitofp %convert_element_type3A_405 : vector<256x2048xi32> to vector<256x2048xf32>
    %mul3A_407 = vector.broadcast %slice3A_403 : vector<256x1xf32> to vector<256x2048xf32>
    %mul3A_408 = arith.mulf %mul3A_407, %convert_element_type3A_406 : vector<256x2048xf32>
    %reduce_sum3A_409 = arith.constant dense<0.000000e+00> : vector<2048xf32>
    %reduce_sum3A_410 = vector.multi_reduction <add>, %mul3A_408, %reduce_sum3A_409 [0] : vector<256x2048xf32> to vector<2048xf32>
    %broadcast_in_dim3A_411 = vector.shape_cast %reduce_sum3A_410 : vector<2048xf32> to vector<1x2048xf32>
    %add3A_412 = arith.addf %broadcast_in_dim3A_391, %broadcast_in_dim3A_411 : vector<1x2048xf32>
    %iota3A_413 = tpu.iota {dimensions = array<i32: 0>} : vector<256x2048xi32>
    %add3A_414 = arith.constant 256 : i32
    %add3A_415 = vector.broadcast %add3A_414 : i32 to vector<256x2048xi32>
    %add3A_416 = arith.addi %iota3A_413, %add3A_415 : vector<256x2048xi32>
    %lt3A_417 = arith.cmpi slt, %iota3A, %add3A_416 : vector<256x2048xi32>
    %convert_element_type3A_418 = arith.extui %lt3A_417 : vector<256x2048xi1> to vector<256x2048xi32>
    %convert_element_type3A_419 = arith.sitofp %convert_element_type3A_418 : vector<256x2048xi32> to vector<256x2048xf32>
    %mul3A_420 = vector.broadcast %convert_element_type3A_389 : vector<1x2048xf32> to vector<256x2048xf32>
    %mul3A_421 = arith.mulf %mul3A_420, %convert_element_type3A_419 : vector<256x2048xf32>
    %reduce_sum3A_422 = arith.constant dense<0.000000e+00> : vector<256xf32>
    %reduce_sum3A_423 = vector.multi_reduction <add>, %mul3A_421, %reduce_sum3A_422 [1] : vector<256x2048xf32> to vector<256xf32>
    %broadcast_in_dim3A_424 = vector.shape_cast %reduce_sum3A_423 : vector<256xf32> to vector<256x1xf32>
    %slice3A_425 = vector.extract_strided_slice %convert_element_type3A_387 {offsets = [256, 0], sizes = [256, 1], strides = [1, 1]} : vector<2048x1xf32> to vector<256x1xf32>
    %lt3A_426 = arith.cmpi slt, %add3A_416, %iota3A : vector<256x2048xi32>
    %convert_element_type3A_427 = arith.extui %lt3A_426 : vector<256x2048xi1> to vector<256x2048xi32>
    %convert_element_type3A_428 = arith.sitofp %convert_element_type3A_427 : vector<256x2048xi32> to vector<256x2048xf32>
    %mul3A_429 = vector.broadcast %slice3A_425 : vector<256x1xf32> to vector<256x2048xf32>
    %mul3A_430 = arith.mulf %mul3A_429, %convert_element_type3A_428 : vector<256x2048xf32>
    %reduce_sum3A_431 = arith.constant dense<0.000000e+00> : vector<2048xf32>
    %reduce_sum3A_432 = vector.multi_reduction <add>, %mul3A_430, %reduce_sum3A_431 [0] : vector<256x2048xf32> to vector<2048xf32>
    %broadcast_in_dim3A_433 = vector.shape_cast %reduce_sum3A_432 : vector<2048xf32> to vector<1x2048xf32>
    %add3A_434 = arith.addf %add3A_412, %broadcast_in_dim3A_433 : vector<1x2048xf32>
    %iota3A_435 = tpu.iota {dimensions = array<i32: 0>} : vector<256x2048xi32>
    %add3A_436 = arith.constant 512 : i32
    %add3A_437 = vector.broadcast %add3A_436 : i32 to vector<256x2048xi32>
    %add3A_438 = arith.addi %iota3A_435, %add3A_437 : vector<256x2048xi32>
    %lt3A_439 = arith.cmpi slt, %iota3A, %add3A_438 : vector<256x2048xi32>
    %convert_element_type3A_440 = arith.extui %lt3A_439 : vector<256x2048xi1> to vector<256x2048xi32>
    %convert_element_type3A_441 = arith.sitofp %convert_element_type3A_440 : vector<256x2048xi32> to vector<256x2048xf32>
    %mul3A_442 = vector.broadcast %convert_element_type3A_389 : vector<1x2048xf32> to vector<256x2048xf32>
    %mul3A_443 = arith.mulf %mul3A_442, %convert_element_type3A_441 : vector<256x2048xf32>
    %reduce_sum3A_444 = arith.constant dense<0.000000e+00> : vector<256xf32>
    %reduce_sum3A_445 = vector.multi_reduction <add>, %mul3A_443, %reduce_sum3A_444 [1] : vector<256x2048xf32> to vector<256xf32>
    %broadcast_in_dim3A_446 = vector.shape_cast %reduce_sum3A_445 : vector<256xf32> to vector<256x1xf32>
    %slice3A_447 = vector.extract_strided_slice %convert_element_type3A_387 {offsets = [512, 0], sizes = [256, 1], strides = [1, 1]} : vector<2048x1xf32> to vector<256x1xf32>
    %lt3A_448 = arith.cmpi slt, %add3A_438, %iota3A : vector<256x2048xi32>
    %convert_element_type3A_449 = arith.extui %lt3A_448 : vector<256x2048xi1> to vector<256x2048xi32>
    %convert_element_type3A_450 = arith.sitofp %convert_element_type3A_449 : vector<256x2048xi32> to vector<256x2048xf32>
    %mul3A_451 = vector.broadcast %slice3A_447 : vector<256x1xf32> to vector<256x2048xf32>
    %mul3A_452 = arith.mulf %mul3A_451, %convert_element_type3A_450 : vector<256x2048xf32>
    %reduce_sum3A_453 = arith.constant dense<0.000000e+00> : vector<2048xf32>
    %reduce_sum3A_454 = vector.multi_reduction <add>, %mul3A_452, %reduce_sum3A_453 [0] : vector<256x2048xf32> to vector<2048xf32>
    %broadcast_in_dim3A_455 = vector.shape_cast %reduce_sum3A_454 : vector<2048xf32> to vector<1x2048xf32>
    %add3A_456 = arith.addf %add3A_434, %broadcast_in_dim3A_455 : vector<1x2048xf32>
    %iota3A_457 = tpu.iota {dimensions = array<i32: 0>} : vector<256x2048xi32>
    %add3A_458 = arith.constant 768 : i32
    %add3A_459 = vector.broadcast %add3A_458 : i32 to vector<256x2048xi32>
    %add3A_460 = arith.addi %iota3A_457, %add3A_459 : vector<256x2048xi32>
    %lt3A_461 = arith.cmpi slt, %iota3A, %add3A_460 : vector<256x2048xi32>
    %convert_element_type3A_462 = arith.extui %lt3A_461 : vector<256x2048xi1> to vector<256x2048xi32>
    %convert_element_type3A_463 = arith.sitofp %convert_element_type3A_462 : vector<256x2048xi32> to vector<256x2048xf32>
    %mul3A_464 = vector.broadcast %convert_element_type3A_389 : vector<1x2048xf32> to vector<256x2048xf32>
    %mul3A_465 = arith.mulf %mul3A_464, %convert_element_type3A_463 : vector<256x2048xf32>
    %reduce_sum3A_466 = arith.constant dense<0.000000e+00> : vector<256xf32>
    %reduce_sum3A_467 = vector.multi_reduction <add>, %mul3A_465, %reduce_sum3A_466 [1] : vector<256x2048xf32> to vector<256xf32>
    %broadcast_in_dim3A_468 = vector.shape_cast %reduce_sum3A_467 : vector<256xf32> to vector<256x1xf32>
    %slice3A_469 = vector.extract_strided_slice %convert_element_type3A_387 {offsets = [768, 0], sizes = [256, 1], strides = [1, 1]} : vector<2048x1xf32> to vector<256x1xf32>
    %lt3A_470 = arith.cmpi slt, %add3A_460, %iota3A : vector<256x2048xi32>
    %convert_element_type3A_471 = arith.extui %lt3A_470 : vector<256x2048xi1> to vector<256x2048xi32>
    %convert_element_type3A_472 = arith.sitofp %convert_element_type3A_471 : vector<256x2048xi32> to vector<256x2048xf32>
    %mul3A_473 = vector.broadcast %slice3A_469 : vector<256x1xf32> to vector<256x2048xf32>
    %mul3A_474 = arith.mulf %mul3A_473, %convert_element_type3A_472 : vector<256x2048xf32>
    %reduce_sum3A_475 = arith.constant dense<0.000000e+00> : vector<2048xf32>
    %reduce_sum3A_476 = vector.multi_reduction <add>, %mul3A_474, %reduce_sum3A_475 [0] : vector<256x2048xf32> to vector<2048xf32>
    %broadcast_in_dim3A_477 = vector.shape_cast %reduce_sum3A_476 : vector<2048xf32> to vector<1x2048xf32>
    %add3A_478 = arith.addf %add3A_456, %broadcast_in_dim3A_477 : vector<1x2048xf32>
    %iota3A_479 = tpu.iota {dimensions = array<i32: 0>} : vector<256x2048xi32>
    %add3A_480 = arith.constant 1024 : i32
    %add3A_481 = vector.broadcast %add3A_480 : i32 to vector<256x2048xi32>
    %add3A_482 = arith.addi %iota3A_479, %add3A_481 : vector<256x2048xi32>
    %lt3A_483 = arith.cmpi slt, %iota3A, %add3A_482 : vector<256x2048xi32>
    %convert_element_type3A_484 = arith.extui %lt3A_483 : vector<256x2048xi1> to vector<256x2048xi32>
    %convert_element_type3A_485 = arith.sitofp %convert_element_type3A_484 : vector<256x2048xi32> to vector<256x2048xf32>
    %mul3A_486 = vector.broadcast %convert_element_type3A_389 : vector<1x2048xf32> to vector<256x2048xf32>
    %mul3A_487 = arith.mulf %mul3A_486, %convert_element_type3A_485 : vector<256x2048xf32>
    %reduce_sum3A_488 = arith.constant dense<0.000000e+00> : vector<256xf32>
    %reduce_sum3A_489 = vector.multi_reduction <add>, %mul3A_487, %reduce_sum3A_488 [1] : vector<256x2048xf32> to vector<256xf32>
    %broadcast_in_dim3A_490 = vector.shape_cast %reduce_sum3A_489 : vector<256xf32> to vector<256x1xf32>
    %slice3A_491 = vector.extract_strided_slice %convert_element_type3A_387 {offsets = [1024, 0], sizes = [256, 1], strides = [1, 1]} : vector<2048x1xf32> to vector<256x1xf32>
    %lt3A_492 = arith.cmpi slt, %add3A_482, %iota3A : vector<256x2048xi32>
    %convert_element_type3A_493 = arith.extui %lt3A_492 : vector<256x2048xi1> to vector<256x2048xi32>
    %convert_element_type3A_494 = arith.sitofp %convert_element_type3A_493 : vector<256x2048xi32> to vector<256x2048xf32>
    %mul3A_495 = vector.broadcast %slice3A_491 : vector<256x1xf32> to vector<256x2048xf32>
    %mul3A_496 = arith.mulf %mul3A_495, %convert_element_type3A_494 : vector<256x2048xf32>
    %reduce_sum3A_497 = arith.constant dense<0.000000e+00> : vector<2048xf32>
    %reduce_sum3A_498 = vector.multi_reduction <add>, %mul3A_496, %reduce_sum3A_497 [0] : vector<256x2048xf32> to vector<2048xf32>
    %broadcast_in_dim3A_499 = vector.shape_cast %reduce_sum3A_498 : vector<2048xf32> to vector<1x2048xf32>
    %add3A_500 = arith.addf %add3A_478, %broadcast_in_dim3A_499 : vector<1x2048xf32>
    %iota3A_501 = tpu.iota {dimensions = array<i32: 0>} : vector<256x2048xi32>
    %add3A_502 = arith.constant 1280 : i32
    %add3A_503 = vector.broadcast %add3A_502 : i32 to vector<256x2048xi32>
    %add3A_504 = arith.addi %iota3A_501, %add3A_503 : vector<256x2048xi32>
    %lt3A_505 = arith.cmpi slt, %iota3A, %add3A_504 : vector<256x2048xi32>
    %convert_element_type3A_506 = arith.extui %lt3A_505 : vector<256x2048xi1> to vector<256x2048xi32>
    %convert_element_type3A_507 = arith.sitofp %convert_element_type3A_506 : vector<256x2048xi32> to vector<256x2048xf32>
    %mul3A_508 = vector.broadcast %convert_element_type3A_389 : vector<1x2048xf32> to vector<256x2048xf32>
    %mul3A_509 = arith.mulf %mul3A_508, %convert_element_type3A_507 : vector<256x2048xf32>
    %reduce_sum3A_510 = arith.constant dense<0.000000e+00> : vector<256xf32>
    %reduce_sum3A_511 = vector.multi_reduction <add>, %mul3A_509, %reduce_sum3A_510 [1] : vector<256x2048xf32> to vector<256xf32>
    %broadcast_in_dim3A_512 = vector.shape_cast %reduce_sum3A_511 : vector<256xf32> to vector<256x1xf32>
    %slice3A_513 = vector.extract_strided_slice %convert_element_type3A_387 {offsets = [1280, 0], sizes = [256, 1], strides = [1, 1]} : vector<2048x1xf32> to vector<256x1xf32>
    %lt3A_514 = arith.cmpi slt, %add3A_504, %iota3A : vector<256x2048xi32>
    %convert_element_type3A_515 = arith.extui %lt3A_514 : vector<256x2048xi1> to vector<256x2048xi32>
    %convert_element_type3A_516 = arith.sitofp %convert_element_type3A_515 : vector<256x2048xi32> to vector<256x2048xf32>
    %mul3A_517 = vector.broadcast %slice3A_513 : vector<256x1xf32> to vector<256x2048xf32>
    %mul3A_518 = arith.mulf %mul3A_517, %convert_element_type3A_516 : vector<256x2048xf32>
    %reduce_sum3A_519 = arith.constant dense<0.000000e+00> : vector<2048xf32>
    %reduce_sum3A_520 = vector.multi_reduction <add>, %mul3A_518, %reduce_sum3A_519 [0] : vector<256x2048xf32> to vector<2048xf32>
    %broadcast_in_dim3A_521 = vector.shape_cast %reduce_sum3A_520 : vector<2048xf32> to vector<1x2048xf32>
    %add3A_522 = arith.addf %add3A_500, %broadcast_in_dim3A_521 : vector<1x2048xf32>
    %iota3A_523 = tpu.iota {dimensions = array<i32: 0>} : vector<256x2048xi32>
    %add3A_524 = arith.constant 1536 : i32
    %add3A_525 = vector.broadcast %add3A_524 : i32 to vector<256x2048xi32>
    %add3A_526 = arith.addi %iota3A_523, %add3A_525 : vector<256x2048xi32>
    %lt3A_527 = arith.cmpi slt, %iota3A, %add3A_526 : vector<256x2048xi32>
    %convert_element_type3A_528 = arith.extui %lt3A_527 : vector<256x2048xi1> to vector<256x2048xi32>
    %convert_element_type3A_529 = arith.sitofp %convert_element_type3A_528 : vector<256x2048xi32> to vector<256x2048xf32>
    %mul3A_530 = vector.broadcast %convert_element_type3A_389 : vector<1x2048xf32> to vector<256x2048xf32>
    %mul3A_531 = arith.mulf %mul3A_530, %convert_element_type3A_529 : vector<256x2048xf32>
    %reduce_sum3A_532 = arith.constant dense<0.000000e+00> : vector<256xf32>
    %reduce_sum3A_533 = vector.multi_reduction <add>, %mul3A_531, %reduce_sum3A_532 [1] : vector<256x2048xf32> to vector<256xf32>
    %broadcast_in_dim3A_534 = vector.shape_cast %reduce_sum3A_533 : vector<256xf32> to vector<256x1xf32>
    %slice3A_535 = vector.extract_strided_slice %convert_element_type3A_387 {offsets = [1536, 0], sizes = [256, 1], strides = [1, 1]} : vector<2048x1xf32> to vector<256x1xf32>
    %lt3A_536 = arith.cmpi slt, %add3A_526, %iota3A : vector<256x2048xi32>
    %convert_element_type3A_537 = arith.extui %lt3A_536 : vector<256x2048xi1> to vector<256x2048xi32>
    %convert_element_type3A_538 = arith.sitofp %convert_element_type3A_537 : vector<256x2048xi32> to vector<256x2048xf32>
    %mul3A_539 = vector.broadcast %slice3A_535 : vector<256x1xf32> to vector<256x2048xf32>
    %mul3A_540 = arith.mulf %mul3A_539, %convert_element_type3A_538 : vector<256x2048xf32>
    %reduce_sum3A_541 = arith.constant dense<0.000000e+00> : vector<2048xf32>
    %reduce_sum3A_542 = vector.multi_reduction <add>, %mul3A_540, %reduce_sum3A_541 [0] : vector<256x2048xf32> to vector<2048xf32>
    %broadcast_in_dim3A_543 = vector.shape_cast %reduce_sum3A_542 : vector<2048xf32> to vector<1x2048xf32>
    %add3A_544 = arith.addf %add3A_522, %broadcast_in_dim3A_543 : vector<1x2048xf32>
    %iota3A_545 = tpu.iota {dimensions = array<i32: 0>} : vector<256x2048xi32>
    %add3A_546 = arith.constant 1792 : i32
    %add3A_547 = vector.broadcast %add3A_546 : i32 to vector<256x2048xi32>
    %add3A_548 = arith.addi %iota3A_545, %add3A_547 : vector<256x2048xi32>
    %lt3A_549 = arith.cmpi slt, %iota3A, %add3A_548 : vector<256x2048xi32>
    %convert_element_type3A_550 = arith.extui %lt3A_549 : vector<256x2048xi1> to vector<256x2048xi32>
    %convert_element_type3A_551 = arith.sitofp %convert_element_type3A_550 : vector<256x2048xi32> to vector<256x2048xf32>
    %mul3A_552 = vector.broadcast %convert_element_type3A_389 : vector<1x2048xf32> to vector<256x2048xf32>
    %mul3A_553 = arith.mulf %mul3A_552, %convert_element_type3A_551 : vector<256x2048xf32>
    %reduce_sum3A_554 = arith.constant dense<0.000000e+00> : vector<256xf32>
    %reduce_sum3A_555 = vector.multi_reduction <add>, %mul3A_553, %reduce_sum3A_554 [1] : vector<256x2048xf32> to vector<256xf32>
    %broadcast_in_dim3A_556 = vector.shape_cast %reduce_sum3A_555 : vector<256xf32> to vector<256x1xf32>
    %slice3A_557 = vector.extract_strided_slice %convert_element_type3A_387 {offsets = [1792, 0], sizes = [256, 1], strides = [1, 1]} : vector<2048x1xf32> to vector<256x1xf32>
    %lt3A_558 = arith.cmpi slt, %add3A_548, %iota3A : vector<256x2048xi32>
    %convert_element_type3A_559 = arith.extui %lt3A_558 : vector<256x2048xi1> to vector<256x2048xi32>
    %convert_element_type3A_560 = arith.sitofp %convert_element_type3A_559 : vector<256x2048xi32> to vector<256x2048xf32>
    %mul3A_561 = vector.broadcast %slice3A_557 : vector<256x1xf32> to vector<256x2048xf32>
    %mul3A_562 = arith.mulf %mul3A_561, %convert_element_type3A_560 : vector<256x2048xf32>
    %reduce_sum3A_563 = arith.constant dense<0.000000e+00> : vector<2048xf32>
    %reduce_sum3A_564 = vector.multi_reduction <add>, %mul3A_562, %reduce_sum3A_563 [0] : vector<256x2048xf32> to vector<2048xf32>
    %broadcast_in_dim3A_565 = vector.shape_cast %reduce_sum3A_564 : vector<2048xf32> to vector<1x2048xf32>
    %add3A_566 = arith.addf %add3A_544, %broadcast_in_dim3A_565 : vector<1x2048xf32>
    %concatenate3A_567 = tpu.concatenate %broadcast_in_dim3A_402, %broadcast_in_dim3A_424, %broadcast_in_dim3A_446, %broadcast_in_dim3A_468, %broadcast_in_dim3A_490, %broadcast_in_dim3A_512, %broadcast_in_dim3A_534, %broadcast_in_dim3A_556 in 0 : vector<256x1xf32>, vector<256x1xf32>, vector<256x1xf32>, vector<256x1xf32>, vector<256x1xf32>, vector<256x1xf32>, vector<256x1xf32>, vector<256x1xf32> -> vector<2048x1xf32>
    %slice3A_568 = vector.extract_strided_slice %iota3A {offsets = [0, 0], sizes = [1, 2048], strides = [1, 1]} : vector<256x2048xi32> to vector<1x2048xi32>
    %convert_element_type3A_569 = arith.sitofp %slice3A_568 : vector<1x2048xi32> to vector<1x2048xf32>
    %iota3A_570 = tpu.iota {dimensions = array<i32: 0>} : vector<256x2048xi32>
    %add3A_571 = arith.constant 0 : i32
    %add3A_572 = vector.broadcast %add3A_571 : i32 to vector<256x2048xi32>
    %add3A_573 = arith.addi %iota3A_570, %add3A_572 : vector<256x2048xi32>
    %convert_element_type3A_574 = arith.fptosi %add3A_566 : vector<1x2048xf32> to vector<1x2048xi32>
    %eq3A_575 = vector.broadcast %convert_element_type3A_574 : vector<1x2048xi32> to vector<256x2048xi32>
    %eq3A_576 = arith.cmpi eq, %eq3A_575, %add3A_573 : vector<256x2048xi32>
    %and3A_577 = vector.broadcast %lt3A_385 : vector<1x2048xi1> to vector<256x2048xi1>
    %and3A_578 = arith.andi %and3A_577, %eq3A_576 : vector<256x2048xi1>
    %convert_element_type3A_579 = arith.extui %and3A_578 : vector<256x2048xi1> to vector<256x2048xi32>
    %convert_element_type3A_580 = arith.sitofp %convert_element_type3A_579 : vector<256x2048xi32> to vector<256x2048xf32>
    %mul3A_581 = vector.broadcast %convert_element_type3A_569 : vector<1x2048xf32> to vector<256x2048xf32>
    %mul3A_582 = arith.mulf %convert_element_type3A_580, %mul3A_581 : vector<256x2048xf32>
    %reduce_sum3A_583 = arith.constant dense<0.000000e+00> : vector<256xf32>
    %reduce_sum3A_584 = vector.multi_reduction <add>, %mul3A_582, %reduce_sum3A_583 [1] : vector<256x2048xf32> to vector<256xf32>
    %broadcast_in_dim3A_585 = vector.shape_cast %reduce_sum3A_584 : vector<256xf32> to vector<256x1xf32>
    %mul3A_586 = vector.broadcast %add3A_378 : vector<1x2048xf32> to vector<256x2048xf32>
    %mul3A_587 = arith.mulf %convert_element_type3A_580, %mul3A_586 : vector<256x2048xf32>
    %reduce_sum3A_588 = arith.constant dense<0.000000e+00> : vector<256xf32>
    %reduce_sum3A_589 = vector.multi_reduction <add>, %mul3A_587, %reduce_sum3A_588 [1] : vector<256x2048xf32> to vector<256xf32>
    %broadcast_in_dim3A_590 = vector.shape_cast %reduce_sum3A_589 : vector<256xf32> to vector<256x1xf32>
    %iota3A_591 = tpu.iota {dimensions = array<i32: 0>} : vector<256x2048xi32>
    %add3A_592 = arith.constant 256 : i32
    %add3A_593 = vector.broadcast %add3A_592 : i32 to vector<256x2048xi32>
    %add3A_594 = arith.addi %iota3A_591, %add3A_593 : vector<256x2048xi32>
    %convert_element_type3A_595 = arith.fptosi %add3A_566 : vector<1x2048xf32> to vector<1x2048xi32>
    %eq3A_596 = vector.broadcast %convert_element_type3A_595 : vector<1x2048xi32> to vector<256x2048xi32>
    %eq3A_597 = arith.cmpi eq, %eq3A_596, %add3A_594 : vector<256x2048xi32>
    %and3A_598 = vector.broadcast %lt3A_385 : vector<1x2048xi1> to vector<256x2048xi1>
    %and3A_599 = arith.andi %and3A_598, %eq3A_597 : vector<256x2048xi1>
    %convert_element_type3A_600 = arith.extui %and3A_599 : vector<256x2048xi1> to vector<256x2048xi32>
    %convert_element_type3A_601 = arith.sitofp %convert_element_type3A_600 : vector<256x2048xi32> to vector<256x2048xf32>
    %mul3A_602 = vector.broadcast %convert_element_type3A_569 : vector<1x2048xf32> to vector<256x2048xf32>
    %mul3A_603 = arith.mulf %convert_element_type3A_601, %mul3A_602 : vector<256x2048xf32>
    %reduce_sum3A_604 = arith.constant dense<0.000000e+00> : vector<256xf32>
    %reduce_sum3A_605 = vector.multi_reduction <add>, %mul3A_603, %reduce_sum3A_604 [1] : vector<256x2048xf32> to vector<256xf32>
    %broadcast_in_dim3A_606 = vector.shape_cast %reduce_sum3A_605 : vector<256xf32> to vector<256x1xf32>
    %mul3A_607 = vector.broadcast %add3A_378 : vector<1x2048xf32> to vector<256x2048xf32>
    %mul3A_608 = arith.mulf %convert_element_type3A_601, %mul3A_607 : vector<256x2048xf32>
    %reduce_sum3A_609 = arith.constant dense<0.000000e+00> : vector<256xf32>
    %reduce_sum3A_610 = vector.multi_reduction <add>, %mul3A_608, %reduce_sum3A_609 [1] : vector<256x2048xf32> to vector<256xf32>
    %broadcast_in_dim3A_611 = vector.shape_cast %reduce_sum3A_610 : vector<256xf32> to vector<256x1xf32>
    %iota3A_612 = tpu.iota {dimensions = array<i32: 0>} : vector<256x2048xi32>
    %add3A_613 = arith.constant 512 : i32
    %add3A_614 = vector.broadcast %add3A_613 : i32 to vector<256x2048xi32>
    %add3A_615 = arith.addi %iota3A_612, %add3A_614 : vector<256x2048xi32>
    %convert_element_type3A_616 = arith.fptosi %add3A_566 : vector<1x2048xf32> to vector<1x2048xi32>
    %eq3A_617 = vector.broadcast %convert_element_type3A_616 : vector<1x2048xi32> to vector<256x2048xi32>
    %eq3A_618 = arith.cmpi eq, %eq3A_617, %add3A_615 : vector<256x2048xi32>
    %and3A_619 = vector.broadcast %lt3A_385 : vector<1x2048xi1> to vector<256x2048xi1>
    %and3A_620 = arith.andi %and3A_619, %eq3A_618 : vector<256x2048xi1>
    %convert_element_type3A_621 = arith.extui %and3A_620 : vector<256x2048xi1> to vector<256x2048xi32>
    %convert_element_type3A_622 = arith.sitofp %convert_element_type3A_621 : vector<256x2048xi32> to vector<256x2048xf32>
    %mul3A_623 = vector.broadcast %convert_element_type3A_569 : vector<1x2048xf32> to vector<256x2048xf32>
    %mul3A_624 = arith.mulf %convert_element_type3A_622, %mul3A_623 : vector<256x2048xf32>
    %reduce_sum3A_625 = arith.constant dense<0.000000e+00> : vector<256xf32>
    %reduce_sum3A_626 = vector.multi_reduction <add>, %mul3A_624, %reduce_sum3A_625 [1] : vector<256x2048xf32> to vector<256xf32>
    %broadcast_in_dim3A_627 = vector.shape_cast %reduce_sum3A_626 : vector<256xf32> to vector<256x1xf32>
    %mul3A_628 = vector.broadcast %add3A_378 : vector<1x2048xf32> to vector<256x2048xf32>
    %mul3A_629 = arith.mulf %convert_element_type3A_622, %mul3A_628 : vector<256x2048xf32>
    %reduce_sum3A_630 = arith.constant dense<0.000000e+00> : vector<256xf32>
    %reduce_sum3A_631 = vector.multi_reduction <add>, %mul3A_629, %reduce_sum3A_630 [1] : vector<256x2048xf32> to vector<256xf32>
    %broadcast_in_dim3A_632 = vector.shape_cast %reduce_sum3A_631 : vector<256xf32> to vector<256x1xf32>
    %iota3A_633 = tpu.iota {dimensions = array<i32: 0>} : vector<256x2048xi32>
    %add3A_634 = arith.constant 768 : i32
    %add3A_635 = vector.broadcast %add3A_634 : i32 to vector<256x2048xi32>
    %add3A_636 = arith.addi %iota3A_633, %add3A_635 : vector<256x2048xi32>
    %convert_element_type3A_637 = arith.fptosi %add3A_566 : vector<1x2048xf32> to vector<1x2048xi32>
    %eq3A_638 = vector.broadcast %convert_element_type3A_637 : vector<1x2048xi32> to vector<256x2048xi32>
    %eq3A_639 = arith.cmpi eq, %eq3A_638, %add3A_636 : vector<256x2048xi32>
    %and3A_640 = vector.broadcast %lt3A_385 : vector<1x2048xi1> to vector<256x2048xi1>
    %and3A_641 = arith.andi %and3A_640, %eq3A_639 : vector<256x2048xi1>
    %convert_element_type3A_642 = arith.extui %and3A_641 : vector<256x2048xi1> to vector<256x2048xi32>
    %convert_element_type3A_643 = arith.sitofp %convert_element_type3A_642 : vector<256x2048xi32> to vector<256x2048xf32>
    %mul3A_644 = vector.broadcast %convert_element_type3A_569 : vector<1x2048xf32> to vector<256x2048xf32>
    %mul3A_645 = arith.mulf %convert_element_type3A_643, %mul3A_644 : vector<256x2048xf32>
    %reduce_sum3A_646 = arith.constant dense<0.000000e+00> : vector<256xf32>
    %reduce_sum3A_647 = vector.multi_reduction <add>, %mul3A_645, %reduce_sum3A_646 [1] : vector<256x2048xf32> to vector<256xf32>
    %broadcast_in_dim3A_648 = vector.shape_cast %reduce_sum3A_647 : vector<256xf32> to vector<256x1xf32>
    %mul3A_649 = vector.broadcast %add3A_378 : vector<1x2048xf32> to vector<256x2048xf32>
    %mul3A_650 = arith.mulf %convert_element_type3A_643, %mul3A_649 : vector<256x2048xf32>
    %reduce_sum3A_651 = arith.constant dense<0.000000e+00> : vector<256xf32>
    %reduce_sum3A_652 = vector.multi_reduction <add>, %mul3A_650, %reduce_sum3A_651 [1] : vector<256x2048xf32> to vector<256xf32>
    %broadcast_in_dim3A_653 = vector.shape_cast %reduce_sum3A_652 : vector<256xf32> to vector<256x1xf32>
    %concatenate3A_654 = tpu.concatenate %broadcast_in_dim3A_585, %broadcast_in_dim3A_606, %broadcast_in_dim3A_627, %broadcast_in_dim3A_648 in 0 : vector<256x1xf32>, vector<256x1xf32>, vector<256x1xf32>, vector<256x1xf32> -> vector<1024x1xf32>
    %concatenate3A_655 = tpu.concatenate %broadcast_in_dim3A_590, %broadcast_in_dim3A_611, %broadcast_in_dim3A_632, %broadcast_in_dim3A_653 in 0 : vector<256x1xf32>, vector<256x1xf32>, vector<256x1xf32>, vector<256x1xf32> -> vector<1024x1xf32>
    %slice3A_656 = vector.extract_strided_slice %concatenate3A_655 {offsets = [0, 0], sizes = [256, 1], strides = [1, 1]} : vector<1024x1xf32> to vector<256x1xf32>
    %convert_element_type3A_657 = arith.fptosi %slice3A_656 : vector<256x1xf32> to vector<256x1xi32>
    %eq3A_658 = vector.broadcast %convert_element_type3A_657 : vector<256x1xi32> to vector<256x2048xi32>
    %eq3A_659 = arith.cmpi eq, %iota3A, %eq3A_658 : vector<256x2048xi32>
    %convert_element_type3A_660 = arith.extui %eq3A_659 : vector<256x2048xi1> to vector<256x2048xi32>
    %convert_element_type3A_661 = arith.sitofp %convert_element_type3A_660 : vector<256x2048xi32> to vector<256x2048xf32>
    %mul3A_662 = vector.broadcast %logistic3A_12 : vector<1x2048xf32> to vector<256x2048xf32>
    %mul3A_663 = arith.mulf %convert_element_type3A_661, %mul3A_662 : vector<256x2048xf32>
    %reduce_sum3A_664 = arith.constant dense<0.000000e+00> : vector<256xf32>
    %reduce_sum3A_665 = vector.multi_reduction <add>, %mul3A_663, %reduce_sum3A_664 [1] : vector<256x2048xf32> to vector<256xf32>
    %broadcast_in_dim3A_666 = vector.shape_cast %reduce_sum3A_665 : vector<256xf32> to vector<256x1xf32>
    %slice3A_667 = vector.extract_strided_slice %concatenate3A_655 {offsets = [256, 0], sizes = [256, 1], strides = [1, 1]} : vector<1024x1xf32> to vector<256x1xf32>
    %convert_element_type3A_668 = arith.fptosi %slice3A_667 : vector<256x1xf32> to vector<256x1xi32>
    %eq3A_669 = vector.broadcast %convert_element_type3A_668 : vector<256x1xi32> to vector<256x2048xi32>
    %eq3A_670 = arith.cmpi eq, %iota3A, %eq3A_669 : vector<256x2048xi32>
    %convert_element_type3A_671 = arith.extui %eq3A_670 : vector<256x2048xi1> to vector<256x2048xi32>
    %convert_element_type3A_672 = arith.sitofp %convert_element_type3A_671 : vector<256x2048xi32> to vector<256x2048xf32>
    %mul3A_673 = vector.broadcast %logistic3A_12 : vector<1x2048xf32> to vector<256x2048xf32>
    %mul3A_674 = arith.mulf %convert_element_type3A_672, %mul3A_673 : vector<256x2048xf32>
    %reduce_sum3A_675 = arith.constant dense<0.000000e+00> : vector<256xf32>
    %reduce_sum3A_676 = vector.multi_reduction <add>, %mul3A_674, %reduce_sum3A_675 [1] : vector<256x2048xf32> to vector<256xf32>
    %broadcast_in_dim3A_677 = vector.shape_cast %reduce_sum3A_676 : vector<256xf32> to vector<256x1xf32>
    %slice3A_678 = vector.extract_strided_slice %concatenate3A_655 {offsets = [512, 0], sizes = [256, 1], strides = [1, 1]} : vector<1024x1xf32> to vector<256x1xf32>
    %convert_element_type3A_679 = arith.fptosi %slice3A_678 : vector<256x1xf32> to vector<256x1xi32>
    %eq3A_680 = vector.broadcast %convert_element_type3A_679 : vector<256x1xi32> to vector<256x2048xi32>
    %eq3A_681 = arith.cmpi eq, %iota3A, %eq3A_680 : vector<256x2048xi32>
    %convert_element_type3A_682 = arith.extui %eq3A_681 : vector<256x2048xi1> to vector<256x2048xi32>
    %convert_element_type3A_683 = arith.sitofp %convert_element_type3A_682 : vector<256x2048xi32> to vector<256x2048xf32>
    %mul3A_684 = vector.broadcast %logistic3A_12 : vector<1x2048xf32> to vector<256x2048xf32>
    %mul3A_685 = arith.mulf %convert_element_type3A_683, %mul3A_684 : vector<256x2048xf32>
    %reduce_sum3A_686 = arith.constant dense<0.000000e+00> : vector<256xf32>
    %reduce_sum3A_687 = vector.multi_reduction <add>, %mul3A_685, %reduce_sum3A_686 [1] : vector<256x2048xf32> to vector<256xf32>
    %broadcast_in_dim3A_688 = vector.shape_cast %reduce_sum3A_687 : vector<256xf32> to vector<256x1xf32>
    %slice3A_689 = vector.extract_strided_slice %concatenate3A_655 {offsets = [768, 0], sizes = [256, 1], strides = [1, 1]} : vector<1024x1xf32> to vector<256x1xf32>
    %convert_element_type3A_690 = arith.fptosi %slice3A_689 : vector<256x1xf32> to vector<256x1xi32>
    %eq3A_691 = vector.broadcast %convert_element_type3A_690 : vector<256x1xi32> to vector<256x2048xi32>
    %eq3A_692 = arith.cmpi eq, %iota3A, %eq3A_691 : vector<256x2048xi32>
    %convert_element_type3A_693 = arith.extui %eq3A_692 : vector<256x2048xi1> to vector<256x2048xi32>
    %convert_element_type3A_694 = arith.sitofp %convert_element_type3A_693 : vector<256x2048xi32> to vector<256x2048xf32>
    %mul3A_695 = vector.broadcast %logistic3A_12 : vector<1x2048xf32> to vector<256x2048xf32>
    %mul3A_696 = arith.mulf %convert_element_type3A_694, %mul3A_695 : vector<256x2048xf32>
    %reduce_sum3A_697 = arith.constant dense<0.000000e+00> : vector<256xf32>
    %reduce_sum3A_698 = vector.multi_reduction <add>, %mul3A_696, %reduce_sum3A_697 [1] : vector<256x2048xf32> to vector<256xf32>
    %broadcast_in_dim3A_699 = vector.shape_cast %reduce_sum3A_698 : vector<256xf32> to vector<256x1xf32>
    %concatenate3A_700 = tpu.concatenate %broadcast_in_dim3A_666, %broadcast_in_dim3A_677, %broadcast_in_dim3A_688, %broadcast_in_dim3A_699 in 0 : vector<256x1xf32>, vector<256x1xf32>, vector<256x1xf32>, vector<256x1xf32> -> vector<1024x1xf32>
    %swap3A = arith.constant 0 : index
    %swap3A_701 = arith.constant 0 : index
    %swap3A_702 = arith.constant 0 : index
    %swap3A_703 = vector.load %arg3[%swap3A, %swap3A_701, %swap3A_702] : memref<1x2048x1xf32, #tpu.memory_space<vmem>>, vector<1x2048x1xf32>
    %swap3A_704 = vector.shape_cast %swap3A_703 : vector<1x2048x1xf32> to vector<2048x1xf32>
    %swap3A_705 = vector.shape_cast %concatenate3A : vector<2048x1xf32> to vector<1x2048x1xf32>
    tpu.vector_store %arg3[%swap3A, %swap3A_701, %swap3A_702], %swap3A_705 {strides = array<i32>} : memref<1x2048x1xf32, #tpu.memory_space<vmem>>, vector<1x2048x1xf32>,
    %swap3A_706 = arith.constant 0 : index
    %swap3A_707 = arith.constant 0 : index
    %swap3A_708 = arith.constant 0 : index
    %swap3A_709 = vector.load %arg4[%swap3A_706, %swap3A_707, %swap3A_708] : memref<1x2048x1xf32, #tpu.memory_space<vmem>>, vector<1x2048x1xf32>
    %swap3A_710 = vector.shape_cast %swap3A_709 : vector<1x2048x1xf32> to vector<2048x1xf32>
    %swap3A_711 = vector.shape_cast %convert_element_type3A_387 : vector<2048x1xf32> to vector<1x2048x1xf32>
    tpu.vector_store %arg4[%swap3A_706, %swap3A_707, %swap3A_708], %swap3A_711 {strides = array<i32>} : memref<1x2048x1xf32, #tpu.memory_space<vmem>>, vector<1x2048x1xf32>,
    %convert_element_type3A_712 = arith.fptosi %concatenate3A_654 : vector<1024x1xf32> to vector<1024x1xi32>
    %mul3A_713 = arith.constant 2048 : i32
    %mul3A_714 = arith.muli %arg0, %mul3A_713 : i32
    %add3A_715 = vector.broadcast %mul3A_714 : i32 to vector<1024x1xi32>
    %add3A_716 = arith.addi %convert_element_type3A_712, %add3A_715 : vector<1024x1xi32>
    %swap3A_717 = arith.constant 0 : index
    %swap3A_718 = arith.constant 0 : index
    %swap3A_719 = arith.constant 0 : index
    %swap3A_720 = vector.load %arg5[%swap3A_717, %swap3A_718, %swap3A_719] : memref<1x1024x1xi32, #tpu.memory_space<vmem>>, vector<1x1024x1xi32>
    %swap3A_721 = vector.shape_cast %swap3A_720 : vector<1x1024x1xi32> to vector<1024x1xi32>
    %swap3A_722 = vector.shape_cast %add3A_716 : vector<1024x1xi32> to vector<1x1024x1xi32>
    tpu.vector_store %arg5[%swap3A_717, %swap3A_718, %swap3A_719], %swap3A_722 {strides = array<i32>} : memref<1x1024x1xi32, #tpu.memory_space<vmem>>, vector<1x1024x1xi32>,
    %jit3A_723 = arith.constant 1.024000e+03 : f32
    %broadcast_in_dim3A_724 = vector.broadcast %jit3A_723 : f32 to vector<2048x1xf32>
    %select_n3A_725 = arith.select %lt3A_382, %concatenate3A_567, %broadcast_in_dim3A_724 : vector<2048x1xi1>, vector<2048x1xf32>
    %convert_element_type3A_726 = arith.fptosi %select_n3A_725 : vector<2048x1xf32> to vector<2048x1xi32>
    %mul3A_727 = arith.constant 1025 : i32
    %mul3A_728 = arith.muli %arg0, %mul3A_727 : i32
    %add3A_729 = vector.broadcast %mul3A_728 : i32 to vector<2048x1xi32>
    %add3A_730 = arith.addi %convert_element_type3A_726, %add3A_729 : vector<2048x1xi32>
    %swap3A_731 = arith.constant 0 : index
    %swap3A_732 = arith.constant 0 : index
    %swap3A_733 = arith.constant 0 : index
    %swap3A_734 = vector.load %arg6[%swap3A_731, %swap3A_732, %swap3A_733] : memref<1x2048x1xi32, #tpu.memory_space<vmem>>, vector<1x2048x1xi32>
    %swap3A_735 = vector.shape_cast %swap3A_734 : vector<1x2048x1xi32> to vector<2048x1xi32>
    %swap3A_736 = vector.shape_cast %add3A_730 : vector<2048x1xi32> to vector<1x2048x1xi32>
    tpu.vector_store %arg6[%swap3A_731, %swap3A_732, %swap3A_733], %swap3A_736 {strides = array<i32>} : memref<1x2048x1xi32, #tpu.memory_space<vmem>>, vector<1x2048x1xi32>,
    %swap3A_737 = arith.constant 0 : index
    %swap3A_738 = arith.constant 0 : index
    %swap3A_739 = arith.constant 0 : index
    %swap3A_740 = vector.load %arg7[%swap3A_737, %swap3A_738, %swap3A_739] : memref<1x1024x1xf32, #tpu.memory_space<vmem>>, vector<1x1024x1xf32>
    %swap3A_741 = vector.shape_cast %swap3A_740 : vector<1x1024x1xf32> to vector<1024x1xf32>
    %swap3A_742 = vector.shape_cast %concatenate3A_700 : vector<1024x1xf32> to vector<1x1024x1xf32>
    tpu.vector_store %arg7[%swap3A_737, %swap3A_738, %swap3A_739], %swap3A_742 {strides = array<i32>} : memref<1x1024x1xf32, #tpu.memory_space<vmem>>, vector<1x1024x1xf32>,
    return
  }
  func.func @transform_0(%arg0: i32) -> (i32, i32, i32) {
    %c0_i32 = arith.constant 0 : i32
    %c0_i32_0 = arith.constant 0 : i32
    %c0_i32_1 = arith.constant 0 : i32
    return %arg0, %c0_i32, %c0_i32_0 : i32, i32, i32
  }
  func.func @transform_1(%arg0: i32) -> (i32, i32) {
    %c0_i32 = arith.constant 0 : i32
    %c0_i32_0 = arith.constant 0 : i32
    %c0_i32_1 = arith.constant 0 : i32
    return %c0_i32, %c0_i32_0 : i32, i32
  }
  func.func @transform_2(%arg0: i32) -> (i32, i32, i32) {
    %c0_i32 = arith.constant 0 : i32
    %c0_i32_0 = arith.constant 0 : i32
    %c0_i32_1 = arith.constant 0 : i32
    return %arg0, %c0_i32, %c0_i32_0 : i32, i32, i32
  }
  func.func @transform_3(%arg0: i32) -> (i32, i32, i32) {
    %c0_i32 = arith.constant 0 : i32
    %c0_i32_0 = arith.constant 0 : i32
    %c0_i32_1 = arith.constant 0 : i32
    return %arg0, %c0_i32, %c0_i32_0 : i32, i32, i32
  }
  func.func @transform_4(%arg0: i32) -> (i32, i32, i32) {
    %c0_i32 = arith.constant 0 : i32
    %c0_i32_0 = arith.constant 0 : i32
    %c0_i32_1 = arith.constant 0 : i32
    return %arg0, %c0_i32, %c0_i32_0 : i32, i32, i32
  }
  func.func @transform_5(%arg0: i32) -> (i32, i32, i32) {
    %c0_i32 = arith.constant 0 : i32
    %c0_i32_0 = arith.constant 0 : i32
    %c0_i32_1 = arith.constant 0 : i32
    return %arg0, %c0_i32, %c0_i32_0 : i32, i32, i32
  }
  func.func @transform_6(%arg0: i32) -> (i32, i32, i32) {
    %c0_i32 = arith.constant 0 : i32
    %c0_i32_0 = arith.constant 0 : i32
    %c0_i32_1 = arith.constant 0 : i32
    return %arg0, %c0_i32, %c0_i32_0 : i32, i32, i32
  }
}

module attributes {stable_mosaic.version = 14 : i64} {
  func.func @_qkv_body(%arg0: i32, %arg1: i32, %arg2: memref<1x256x1024xf32, #tpu.memory_space<vmem>>, %arg3: memref<1x1024xf32, #tpu.memory_space<vmem>>, %arg4: memref<1536x1024xbf16, #tpu.memory_space<vmem>>, %arg5: memref<1x256x1536xbf16, #tpu.memory_space<vmem>>) attributes {dimension_semantics = [#tpu.dimension_semantics<arbitrary>, #tpu.dimension_semantics<arbitrary>], iteration_bounds = array<i64: 2, 4>, scalar_prefetch = 0 : i64, scratch_operands = 0 : i64, tpu.core_type = #tpu.core_type<tc>, window_params = [{transform_indices = @transform_0, window_bounds = array<i64: 1, 256, 1024>}, {pipeline_mode = #tpu.pipeline_mode<synchronous>, transform_indices = @transform_1, window_bounds = array<i64: 1, 1024>}, {pipeline_mode = #tpu.pipeline_mode<synchronous>, transform_indices = @transform_2, window_bounds = array<i64: 1536, 1024>}, {transform_indices = @transform_3, window_bounds = array<i64: 1, 256, 1536>}]} {
    %get3A = arith.constant 0 : index
    %get3A_0 = arith.constant 0 : index
    %get3A_1 = arith.constant 0 : index
    %get3A_2 = vector.load %arg2[%get3A, %get3A_0, %get3A_1] : memref<1x256x1024xf32, #tpu.memory_space<vmem>>, vector<1x256x1024xf32>
    %get3A_3 = vector.shape_cast %get3A_2 : vector<1x256x1024xf32> to vector<256x1024xf32>
    %mul3A = arith.mulf %get3A_3, %get3A_3 : vector<256x1024xf32>
    %reduce_sum3A = arith.constant dense<0.000000e+00> : vector<256xf32>
    %reduce_sum3A_4 = vector.multi_reduction <add>, %mul3A, %reduce_sum3A [1] : vector<256x1024xf32> to vector<256xf32>
    %broadcast_in_dim3A = vector.shape_cast %reduce_sum3A_4 : vector<256xf32> to vector<256x1xf32>
    %div3A = arith.constant 1.024000e+03 : f32
    %div3A_5 = vector.broadcast %div3A : f32 to vector<256x1xf32>
    %div3A_6 = arith.divf %broadcast_in_dim3A, %div3A_5 : vector<256x1xf32>
    %add3A = arith.constant 9.99999997E-7 : f32
    %add3A_7 = vector.broadcast %add3A : f32 to vector<256x1xf32>
    %add3A_8 = arith.addf %div3A_6, %add3A_7 : vector<256x1xf32>
    %rsqrt3A = math.rsqrt %add3A_8 : vector<256x1xf32>
    %mul3A_9 = vector.broadcast %rsqrt3A : vector<256x1xf32> to vector<256x1024xf32>
    %mul3A_10 = arith.mulf %get3A_3, %mul3A_9 : vector<256x1024xf32>
    %get3A_11 = arith.constant 0 : index
    %get3A_12 = arith.constant 0 : index
    %get3A_13 = vector.load %arg3[%get3A_11, %get3A_12] : memref<1x1024xf32, #tpu.memory_space<vmem>>, vector<1x1024xf32>
    %mul3A_14 = vector.broadcast %get3A_13 : vector<1x1024xf32> to vector<256x1024xf32>
    %mul3A_15 = arith.mulf %mul3A_10, %mul3A_14 : vector<256x1024xf32>
    %convert_element_type3A = arith.truncf %mul3A_15 : vector<256x1024xf32> to vector<256x1024xbf16>
    %get3A_16 = arith.constant 0 : index
    %get3A_17 = arith.constant 0 : index
    %get3A_18 = vector.load %arg4[%get3A_16, %get3A_17] : memref<1536x1024xbf16, #tpu.memory_space<vmem>>, vector<1536x1024xbf16>
    %dot_general3A = arith.constant dense<0.000000e+00> : vector<256x1536xf32>
    %dot_general3A_19 = tpu.matmul %convert_element_type3A, %get3A_18, %dot_general3A {dimension_numbers = #tpu.dot_dimension_numbers<[1], [1], [0], [0], [0, 0, 1, 0], [], []>, transpose_lhs_hint = false} : vector<256x1024xbf16>, vector<1536x1024xbf16>, vector<256x1536xf32> -> vector<256x1536xf32>
    %convert_element_type3A_20 = arith.truncf %dot_general3A_19 : vector<256x1536xf32> to vector<256x1536xbf16>
    %swap3A = arith.constant 0 : index
    %swap3A_21 = arith.constant 0 : index
    %swap3A_22 = arith.constant 0 : index
    %swap3A_23 = vector.load %arg5[%swap3A, %swap3A_21, %swap3A_22] : memref<1x256x1536xbf16, #tpu.memory_space<vmem>>, vector<1x256x1536xbf16>
    %swap3A_24 = vector.shape_cast %swap3A_23 : vector<1x256x1536xbf16> to vector<256x1536xbf16>
    %swap3A_25 = vector.shape_cast %convert_element_type3A_20 : vector<256x1536xbf16> to vector<1x256x1536xbf16>
    tpu.vector_store %arg5[%swap3A, %swap3A_21, %swap3A_22], %swap3A_25 {strides = array<i32>} : memref<1x256x1536xbf16, #tpu.memory_space<vmem>>, vector<1x256x1536xbf16>,
    return
  }
  func.func @transform_0(%arg0: i32, %arg1: i32) -> (i32, i32, i32) {
    %c0_i32 = arith.constant 0 : i32
    %c0_i32_0 = arith.constant 0 : i32
    return %arg0, %arg1, %c0_i32 : i32, i32, i32
  }
  func.func @transform_1(%arg0: i32, %arg1: i32) -> (i32, i32) {
    %c0_i32 = arith.constant 0 : i32
    %c0_i32_0 = arith.constant 0 : i32
    %c0_i32_1 = arith.constant 0 : i32
    return %c0_i32, %c0_i32_0 : i32, i32
  }
  func.func @transform_2(%arg0: i32, %arg1: i32) -> (i32, i32) {
    %c0_i32 = arith.constant 0 : i32
    %c0_i32_0 = arith.constant 0 : i32
    %c0_i32_1 = arith.constant 0 : i32
    return %c0_i32, %c0_i32_0 : i32, i32
  }
  func.func @transform_3(%arg0: i32, %arg1: i32) -> (i32, i32, i32) {
    %c0_i32 = arith.constant 0 : i32
    %c0_i32_0 = arith.constant 0 : i32
    return %arg0, %arg1, %c0_i32 : i32, i32, i32
  }
}

module attributes {stable_mosaic.version = 14 : i64} {
  func.func @_attn_body(%arg0: i32, %arg1: i32, %arg2: memref<1x1024x256xbf16, #tpu.memory_space<vmem>>, %arg3: memref<1x1024x128xbf16, #tpu.memory_space<vmem>>, %arg4: memref<1x1024x256xbf16, #tpu.memory_space<vmem>>) attributes {dimension_semantics = [#tpu.dimension_semantics<arbitrary>, #tpu.dimension_semantics<arbitrary>], iteration_bounds = array<i64: 2, 4>, scalar_prefetch = 0 : i64, scratch_operands = 0 : i64, tpu.core_type = #tpu.core_type<tc>, window_params = [{transform_indices = @transform_0, window_bounds = array<i64: 1, 1024, 256>}, {transform_indices = @transform_1, window_bounds = array<i64: 1, 1024, 128>}, {transform_indices = @transform_2, window_bounds = array<i64: 1, 1024, 256>}]} {
    %get3A = arith.constant 0 : index
    %get3A_0 = arith.constant 0 : index
    %get3A_1 = arith.constant 0 : index
    %get3A_2 = vector.load %arg2[%get3A, %get3A_0, %get3A_1] : memref<1x1024x256xbf16, #tpu.memory_space<vmem>>, vector<1x1024x256xbf16>
    %get3A_3 = vector.shape_cast %get3A_2 : vector<1x1024x256xbf16> to vector<1024x256xbf16>
    %mul3A = arith.constant 1.250000e-01 : bf16
    %mul3A_4 = vector.broadcast %mul3A : bf16 to vector<1024x256xbf16>
    %mul3A_5 = arith.mulf %get3A_3, %mul3A_4 : vector<1024x256xbf16>
    %get3A_6 = arith.constant 0 : index
    %get3A_7 = arith.constant 0 : index
    %get3A_8 = arith.constant 0 : index
    %get3A_9 = vector.load %arg3[%get3A_6, %get3A_7, %get3A_8] : memref<1x1024x128xbf16, #tpu.memory_space<vmem>>, vector<1x1024x128xbf16>
    %get3A_10 = vector.shape_cast %get3A_9 : vector<1x1024x128xbf16> to vector<1024x128xbf16>
    %slice3A = vector.extract_strided_slice %get3A_10 {offsets = [0, 0], sizes = [1024, 64], strides = [1, 1]} : vector<1024x128xbf16> to vector<1024x64xbf16>
    %slice3A_11 = vector.extract_strided_slice %get3A_10 {offsets = [0, 64], sizes = [1024, 64], strides = [1, 1]} : vector<1024x128xbf16> to vector<1024x64xbf16>
    %convert_element_type3A = arith.sitofp %arg1 : i32 to f32
    %iota3A = tpu.iota {dimensions = array<i32: 0>} : vector<256x256xi32>
    %add3A = arith.constant 0 : i32
    %add3A_12 = vector.broadcast %add3A : i32 to vector<256x256xi32>
    %add3A_13 = arith.addi %iota3A, %add3A_12 : vector<256x256xi32>
    %iota3A_14 = tpu.iota {dimensions = array<i32: 1>} : vector<256x256xi32>
    %le3A = arith.cmpi sle, %iota3A_14, %add3A_13 : vector<256x256xi32>
    %sub3A = arith.subi %iota3A_14, %add3A_13 : vector<256x256xi32>
    %convert_element_type3A_15 = arith.sitofp %sub3A : vector<256x256xi32> to vector<256x256xf32>
    %slice3A_16 = vector.extract_strided_slice %slice3A {offsets = [0, 0], sizes = [256, 64], strides = [1, 1]} : vector<1024x64xbf16> to vector<256x64xbf16>
    %slice3A_17 = vector.extract_strided_slice %slice3A_11 {offsets = [0, 0], sizes = [256, 64], strides = [1, 1]} : vector<1024x64xbf16> to vector<256x64xbf16>
    %mul3A_18 = arith.constant 4.000000e+00 : f32
    %mul3A_19 = arith.mulf %convert_element_type3A, %mul3A_18 : f32
    %add3A_20 = arith.constant 0.000000e+00 : f32
    %add3A_21 = arith.addf %mul3A_19, %add3A_20 : f32
    %add3A_22 = arith.constant 1.000000e+00 : f32
    %add3A_23 = arith.addf %add3A_21, %add3A_22 : f32
    %mul3A_24 = arith.constant -0.346573591 : f32
    %mul3A_25 = arith.mulf %add3A_23, %mul3A_24 : f32
    %exp3A = math.exp %mul3A_25 : f32
    %slice3A_26 = vector.extract_strided_slice %mul3A_5 {offsets = [0, 0], sizes = [256, 64], strides = [1, 1]} : vector<1024x256xbf16> to vector<256x64xbf16>
    %dot_general3A = arith.constant dense<0.000000e+00> : vector<256x256xf32>
    %dot_general3A_27 = tpu.matmul %slice3A_26, %slice3A_16, %dot_general3A {dimension_numbers = #tpu.dot_dimension_numbers<[1], [1], [0], [0], [0, 0, 1, 0], [], []>, transpose_lhs_hint = false} : vector<256x64xbf16>, vector<256x64xbf16>, vector<256x256xf32> -> vector<256x256xf32>
    %mul3A_28 = vector.broadcast %exp3A : f32 to vector<256x256xf32>
    %mul3A_29 = arith.mulf %mul3A_28, %convert_element_type3A_15 : vector<256x256xf32>
    %sub3A_30 = arith.constant 4.200000e+01 : f32
    %sub3A_31 = vector.broadcast %sub3A_30 : f32 to vector<256x256xf32>
    %sub3A_32 = arith.subf %mul3A_29, %sub3A_31 : vector<256x256xf32>
    %jit3A = arith.constant -1.000000e+30 : f32
    %broadcast_in_dim3A = vector.broadcast %jit3A : f32 to vector<256x256xf32>
    %select_n3A = arith.select %le3A, %sub3A_32, %broadcast_in_dim3A : vector<256x256xi1>, vector<256x256xf32>
    %add3A_33 = arith.addf %dot_general3A_27, %select_n3A : vector<256x256xf32>
    %jit3A_34 = arith.constant -8.000000e+01 : f32
    %jit3A_35 = arith.constant 4.300000e+01 : f32
    %max3A = vector.broadcast %jit3A_34 : f32 to vector<256x256xf32>
    %max3A_36 = arith.maximumf %max3A, %add3A_33 : vector<256x256xf32>
    %min3A = vector.broadcast %jit3A_35 : f32 to vector<256x256xf32>
    %min3A_37 = arith.minimumf %min3A, %max3A_36 : vector<256x256xf32>
    %exp3A_38 = math.exp %min3A_37 : vector<256x256xf32>
    %reduce_sum3A = arith.constant dense<0.000000e+00> : vector<256xf32>
    %reduce_sum3A_39 = vector.multi_reduction <add>, %exp3A_38, %reduce_sum3A [1] : vector<256x256xf32> to vector<256xf32>
    %broadcast_in_dim3A_40 = vector.shape_cast %reduce_sum3A_39 : vector<256xf32> to vector<256x1xf32>
    %convert_element_type3A_41 = arith.truncf %exp3A_38 : vector<256x256xf32> to vector<256x256xbf16>
    %dot_general3A_42 = arith.constant dense<0.000000e+00> : vector<256x64xf32>
    %dot_general3A_43 = tpu.matmul %convert_element_type3A_41, %slice3A_17, %dot_general3A_42 {dimension_numbers = #tpu.dot_dimension_numbers<[1], [0], [0], [1], [0, 0, 1, 1], [], []>, transpose_lhs_hint = false} : vector<256x256xbf16>, vector<256x64xbf16>, vector<256x64xf32> -> vector<256x64xf32>
    %div3A = vector.broadcast %broadcast_in_dim3A_40 : vector<256x1xf32> to vector<256x64xf32>
    %div3A_44 = arith.divf %dot_general3A_43, %div3A : vector<256x64xf32>
    %convert_element_type3A_45 = arith.truncf %div3A_44 : vector<256x64xf32> to vector<256x64xbf16>
    %mul3A_46 = arith.constant 4.000000e+00 : f32
    %mul3A_47 = arith.mulf %convert_element_type3A, %mul3A_46 : f32
    %add3A_48 = arith.constant 1.000000e+00 : f32
    %add3A_49 = arith.addf %mul3A_47, %add3A_48 : f32
    %add3A_50 = arith.constant 1.000000e+00 : f32
    %add3A_51 = arith.addf %add3A_49, %add3A_50 : f32
    %mul3A_52 = arith.constant -0.346573591 : f32
    %mul3A_53 = arith.mulf %add3A_51, %mul3A_52 : f32
    %exp3A_54 = math.exp %mul3A_53 : f32
    %slice3A_55 = vector.extract_strided_slice %mul3A_5 {offsets = [0, 64], sizes = [256, 64], strides = [1, 1]} : vector<1024x256xbf16> to vector<256x64xbf16>
    %dot_general3A_56 = arith.constant dense<0.000000e+00> : vector<256x256xf32>
    %dot_general3A_57 = tpu.matmul %slice3A_55, %slice3A_16, %dot_general3A_56 {dimension_numbers = #tpu.dot_dimension_numbers<[1], [1], [0], [0], [0, 0, 1, 0], [], []>, transpose_lhs_hint = false} : vector<256x64xbf16>, vector<256x64xbf16>, vector<256x256xf32> -> vector<256x256xf32>
    %mul3A_58 = vector.broadcast %exp3A_54 : f32 to vector<256x256xf32>
    %mul3A_59 = arith.mulf %mul3A_58, %convert_element_type3A_15 : vector<256x256xf32>
    %sub3A_60 = arith.constant 4.200000e+01 : f32
    %sub3A_61 = vector.broadcast %sub3A_60 : f32 to vector<256x256xf32>
    %sub3A_62 = arith.subf %mul3A_59, %sub3A_61 : vector<256x256xf32>
    %jit3A_63 = arith.constant -1.000000e+30 : f32
    %broadcast_in_dim3A_64 = vector.broadcast %jit3A_63 : f32 to vector<256x256xf32>
    %select_n3A_65 = arith.select %le3A, %sub3A_62, %broadcast_in_dim3A_64 : vector<256x256xi1>, vector<256x256xf32>
    %add3A_66 = arith.addf %dot_general3A_57, %select_n3A_65 : vector<256x256xf32>
    %jit3A_67 = arith.constant -8.000000e+01 : f32
    %jit3A_68 = arith.constant 4.300000e+01 : f32
    %max3A_69 = vector.broadcast %jit3A_67 : f32 to vector<256x256xf32>
    %max3A_70 = arith.maximumf %max3A_69, %add3A_66 : vector<256x256xf32>
    %min3A_71 = vector.broadcast %jit3A_68 : f32 to vector<256x256xf32>
    %min3A_72 = arith.minimumf %min3A_71, %max3A_70 : vector<256x256xf32>
    %exp3A_73 = math.exp %min3A_72 : vector<256x256xf32>
    %reduce_sum3A_74 = arith.constant dense<0.000000e+00> : vector<256xf32>
    %reduce_sum3A_75 = vector.multi_reduction <add>, %exp3A_73, %reduce_sum3A_74 [1] : vector<256x256xf32> to vector<256xf32>
    %broadcast_in_dim3A_76 = vector.shape_cast %reduce_sum3A_75 : vector<256xf32> to vector<256x1xf32>
    %convert_element_type3A_77 = arith.truncf %exp3A_73 : vector<256x256xf32> to vector<256x256xbf16>
    %dot_general3A_78 = arith.constant dense<0.000000e+00> : vector<256x64xf32>
    %dot_general3A_79 = tpu.matmul %convert_element_type3A_77, %slice3A_17, %dot_general3A_78 {dimension_numbers = #tpu.dot_dimension_numbers<[1], [0], [0], [1], [0, 0, 1, 1], [], []>, transpose_lhs_hint = false} : vector<256x256xbf16>, vector<256x64xbf16>, vector<256x64xf32> -> vector<256x64xf32>
    %div3A_80 = vector.broadcast %broadcast_in_dim3A_76 : vector<256x1xf32> to vector<256x64xf32>
    %div3A_81 = arith.divf %dot_general3A_79, %div3A_80 : vector<256x64xf32>
    %convert_element_type3A_82 = arith.truncf %div3A_81 : vector<256x64xf32> to vector<256x64xbf16>
    %mul3A_83 = arith.constant 4.000000e+00 : f32
    %mul3A_84 = arith.mulf %convert_element_type3A, %mul3A_83 : f32
    %add3A_85 = arith.constant 2.000000e+00 : f32
    %add3A_86 = arith.addf %mul3A_84, %add3A_85 : f32
    %add3A_87 = arith.constant 1.000000e+00 : f32
    %add3A_88 = arith.addf %add3A_86, %add3A_87 : f32
    %mul3A_89 = arith.constant -0.346573591 : f32
    %mul3A_90 = arith.mulf %add3A_88, %mul3A_89 : f32
    %exp3A_91 = math.exp %mul3A_90 : f32
    %slice3A_92 = vector.extract_strided_slice %mul3A_5 {offsets = [0, 128], sizes = [256, 64], strides = [1, 1]} : vector<1024x256xbf16> to vector<256x64xbf16>
    %dot_general3A_93 = arith.constant dense<0.000000e+00> : vector<256x256xf32>
    %dot_general3A_94 = tpu.matmul %slice3A_92, %slice3A_16, %dot_general3A_93 {dimension_numbers = #tpu.dot_dimension_numbers<[1], [1], [0], [0], [0, 0, 1, 0], [], []>, transpose_lhs_hint = false} : vector<256x64xbf16>, vector<256x64xbf16>, vector<256x256xf32> -> vector<256x256xf32>
    %mul3A_95 = vector.broadcast %exp3A_91 : f32 to vector<256x256xf32>
    %mul3A_96 = arith.mulf %mul3A_95, %convert_element_type3A_15 : vector<256x256xf32>
    %sub3A_97 = arith.constant 4.200000e+01 : f32
    %sub3A_98 = vector.broadcast %sub3A_97 : f32 to vector<256x256xf32>
    %sub3A_99 = arith.subf %mul3A_96, %sub3A_98 : vector<256x256xf32>
    %jit3A_100 = arith.constant -1.000000e+30 : f32
    %broadcast_in_dim3A_101 = vector.broadcast %jit3A_100 : f32 to vector<256x256xf32>
    %select_n3A_102 = arith.select %le3A, %sub3A_99, %broadcast_in_dim3A_101 : vector<256x256xi1>, vector<256x256xf32>
    %add3A_103 = arith.addf %dot_general3A_94, %select_n3A_102 : vector<256x256xf32>
    %jit3A_104 = arith.constant -8.000000e+01 : f32
    %jit3A_105 = arith.constant 4.300000e+01 : f32
    %max3A_106 = vector.broadcast %jit3A_104 : f32 to vector<256x256xf32>
    %max3A_107 = arith.maximumf %max3A_106, %add3A_103 : vector<256x256xf32>
    %min3A_108 = vector.broadcast %jit3A_105 : f32 to vector<256x256xf32>
    %min3A_109 = arith.minimumf %min3A_108, %max3A_107 : vector<256x256xf32>
    %exp3A_110 = math.exp %min3A_109 : vector<256x256xf32>
    %reduce_sum3A_111 = arith.constant dense<0.000000e+00> : vector<256xf32>
    %reduce_sum3A_112 = vector.multi_reduction <add>, %exp3A_110, %reduce_sum3A_111 [1] : vector<256x256xf32> to vector<256xf32>
    %broadcast_in_dim3A_113 = vector.shape_cast %reduce_sum3A_112 : vector<256xf32> to vector<256x1xf32>
    %convert_element_type3A_114 = arith.truncf %exp3A_110 : vector<256x256xf32> to vector<256x256xbf16>
    %dot_general3A_115 = arith.constant dense<0.000000e+00> : vector<256x64xf32>
    %dot_general3A_116 = tpu.matmul %convert_element_type3A_114, %slice3A_17, %dot_general3A_115 {dimension_numbers = #tpu.dot_dimension_numbers<[1], [0], [0], [1], [0, 0, 1, 1], [], []>, transpose_lhs_hint = false} : vector<256x256xbf16>, vector<256x64xbf16>, vector<256x64xf32> -> vector<256x64xf32>
    %div3A_117 = vector.broadcast %broadcast_in_dim3A_113 : vector<256x1xf32> to vector<256x64xf32>
    %div3A_118 = arith.divf %dot_general3A_116, %div3A_117 : vector<256x64xf32>
    %convert_element_type3A_119 = arith.truncf %div3A_118 : vector<256x64xf32> to vector<256x64xbf16>
    %mul3A_120 = arith.constant 4.000000e+00 : f32
    %mul3A_121 = arith.mulf %convert_element_type3A, %mul3A_120 : f32
    %add3A_122 = arith.constant 3.000000e+00 : f32
    %add3A_123 = arith.addf %mul3A_121, %add3A_122 : f32
    %add3A_124 = arith.constant 1.000000e+00 : f32
    %add3A_125 = arith.addf %add3A_123, %add3A_124 : f32
    %mul3A_126 = arith.constant -0.346573591 : f32
    %mul3A_127 = arith.mulf %add3A_125, %mul3A_126 : f32
    %exp3A_128 = math.exp %mul3A_127 : f32
    %slice3A_129 = vector.extract_strided_slice %mul3A_5 {offsets = [0, 192], sizes = [256, 64], strides = [1, 1]} : vector<1024x256xbf16> to vector<256x64xbf16>
    %dot_general3A_130 = arith.constant dense<0.000000e+00> : vector<256x256xf32>
    %dot_general3A_131 = tpu.matmul %slice3A_129, %slice3A_16, %dot_general3A_130 {dimension_numbers = #tpu.dot_dimension_numbers<[1], [1], [0], [0], [0, 0, 1, 0], [], []>, transpose_lhs_hint = false} : vector<256x64xbf16>, vector<256x64xbf16>, vector<256x256xf32> -> vector<256x256xf32>
    %mul3A_132 = vector.broadcast %exp3A_128 : f32 to vector<256x256xf32>
    %mul3A_133 = arith.mulf %mul3A_132, %convert_element_type3A_15 : vector<256x256xf32>
    %sub3A_134 = arith.constant 4.200000e+01 : f32
    %sub3A_135 = vector.broadcast %sub3A_134 : f32 to vector<256x256xf32>
    %sub3A_136 = arith.subf %mul3A_133, %sub3A_135 : vector<256x256xf32>
    %jit3A_137 = arith.constant -1.000000e+30 : f32
    %broadcast_in_dim3A_138 = vector.broadcast %jit3A_137 : f32 to vector<256x256xf32>
    %select_n3A_139 = arith.select %le3A, %sub3A_136, %broadcast_in_dim3A_138 : vector<256x256xi1>, vector<256x256xf32>
    %add3A_140 = arith.addf %dot_general3A_131, %select_n3A_139 : vector<256x256xf32>
    %jit3A_141 = arith.constant -8.000000e+01 : f32
    %jit3A_142 = arith.constant 4.300000e+01 : f32
    %max3A_143 = vector.broadcast %jit3A_141 : f32 to vector<256x256xf32>
    %max3A_144 = arith.maximumf %max3A_143, %add3A_140 : vector<256x256xf32>
    %min3A_145 = vector.broadcast %jit3A_142 : f32 to vector<256x256xf32>
    %min3A_146 = arith.minimumf %min3A_145, %max3A_144 : vector<256x256xf32>
    %exp3A_147 = math.exp %min3A_146 : vector<256x256xf32>
    %reduce_sum3A_148 = arith.constant dense<0.000000e+00> : vector<256xf32>
    %reduce_sum3A_149 = vector.multi_reduction <add>, %exp3A_147, %reduce_sum3A_148 [1] : vector<256x256xf32> to vector<256xf32>
    %broadcast_in_dim3A_150 = vector.shape_cast %reduce_sum3A_149 : vector<256xf32> to vector<256x1xf32>
    %convert_element_type3A_151 = arith.truncf %exp3A_147 : vector<256x256xf32> to vector<256x256xbf16>
    %dot_general3A_152 = arith.constant dense<0.000000e+00> : vector<256x64xf32>
    %dot_general3A_153 = tpu.matmul %convert_element_type3A_151, %slice3A_17, %dot_general3A_152 {dimension_numbers = #tpu.dot_dimension_numbers<[1], [0], [0], [1], [0, 0, 1, 1], [], []>, transpose_lhs_hint = false} : vector<256x256xbf16>, vector<256x64xbf16>, vector<256x64xf32> -> vector<256x64xf32>
    %div3A_154 = vector.broadcast %broadcast_in_dim3A_150 : vector<256x1xf32> to vector<256x64xf32>
    %div3A_155 = arith.divf %dot_general3A_153, %div3A_154 : vector<256x64xf32>
    %convert_element_type3A_156 = arith.truncf %div3A_155 : vector<256x64xf32> to vector<256x64xbf16>
    %iota3A_157 = tpu.iota {dimensions = array<i32: 0>} : vector<256x512xi32>
    %add3A_158 = arith.constant 256 : i32
    %add3A_159 = vector.broadcast %add3A_158 : i32 to vector<256x512xi32>
    %add3A_160 = arith.addi %iota3A_157, %add3A_159 : vector<256x512xi32>
    %iota3A_161 = tpu.iota {dimensions = array<i32: 1>} : vector<256x512xi32>
    %le3A_162 = arith.cmpi sle, %iota3A_161, %add3A_160 : vector<256x512xi32>
    %sub3A_163 = arith.subi %iota3A_161, %add3A_160 : vector<256x512xi32>
    %convert_element_type3A_164 = arith.sitofp %sub3A_163 : vector<256x512xi32> to vector<256x512xf32>
    %slice3A_165 = vector.extract_strided_slice %slice3A {offsets = [0, 0], sizes = [512, 64], strides = [1, 1]} : vector<1024x64xbf16> to vector<512x64xbf16>
    %slice3A_166 = vector.extract_strided_slice %slice3A_11 {offsets = [0, 0], sizes = [512, 64], strides = [1, 1]} : vector<1024x64xbf16> to vector<512x64xbf16>
    %mul3A_167 = arith.constant 4.000000e+00 : f32
    %mul3A_168 = arith.mulf %convert_element_type3A, %mul3A_167 : f32
    %add3A_169 = arith.constant 0.000000e+00 : f32
    %add3A_170 = arith.addf %mul3A_168, %add3A_169 : f32
    %add3A_171 = arith.constant 1.000000e+00 : f32
    %add3A_172 = arith.addf %add3A_170, %add3A_171 : f32
    %mul3A_173 = arith.constant -0.346573591 : f32
    %mul3A_174 = arith.mulf %add3A_172, %mul3A_173 : f32
    %exp3A_175 = math.exp %mul3A_174 : f32
    %slice3A_176 = vector.extract_strided_slice %mul3A_5 {offsets = [256, 0], sizes = [256, 64], strides = [1, 1]} : vector<1024x256xbf16> to vector<256x64xbf16>
    %dot_general3A_177 = arith.constant dense<0.000000e+00> : vector<256x512xf32>
    %dot_general3A_178 = tpu.matmul %slice3A_176, %slice3A_165, %dot_general3A_177 {dimension_numbers = #tpu.dot_dimension_numbers<[1], [1], [0], [0], [0, 0, 1, 0], [], []>, transpose_lhs_hint = false} : vector<256x64xbf16>, vector<512x64xbf16>, vector<256x512xf32> -> vector<256x512xf32>
    %mul3A_179 = vector.broadcast %exp3A_175 : f32 to vector<256x512xf32>
    %mul3A_180 = arith.mulf %mul3A_179, %convert_element_type3A_164 : vector<256x512xf32>
    %sub3A_181 = arith.constant 4.200000e+01 : f32
    %sub3A_182 = vector.broadcast %sub3A_181 : f32 to vector<256x512xf32>
    %sub3A_183 = arith.subf %mul3A_180, %sub3A_182 : vector<256x512xf32>
    %jit3A_184 = arith.constant -1.000000e+30 : f32
    %broadcast_in_dim3A_185 = vector.broadcast %jit3A_184 : f32 to vector<256x512xf32>
    %select_n3A_186 = arith.select %le3A_162, %sub3A_183, %broadcast_in_dim3A_185 : vector<256x512xi1>, vector<256x512xf32>
    %add3A_187 = arith.addf %dot_general3A_178, %select_n3A_186 : vector<256x512xf32>
    %jit3A_188 = arith.constant -8.000000e+01 : f32
    %jit3A_189 = arith.constant 4.300000e+01 : f32
    %max3A_190 = vector.broadcast %jit3A_188 : f32 to vector<256x512xf32>
    %max3A_191 = arith.maximumf %max3A_190, %add3A_187 : vector<256x512xf32>
    %min3A_192 = vector.broadcast %jit3A_189 : f32 to vector<256x512xf32>
    %min3A_193 = arith.minimumf %min3A_192, %max3A_191 : vector<256x512xf32>
    %exp3A_194 = math.exp %min3A_193 : vector<256x512xf32>
    %reduce_sum3A_195 = arith.constant dense<0.000000e+00> : vector<256xf32>
    %reduce_sum3A_196 = vector.multi_reduction <add>, %exp3A_194, %reduce_sum3A_195 [1] : vector<256x512xf32> to vector<256xf32>
    %broadcast_in_dim3A_197 = vector.shape_cast %reduce_sum3A_196 : vector<256xf32> to vector<256x1xf32>
    %convert_element_type3A_198 = arith.truncf %exp3A_194 : vector<256x512xf32> to vector<256x512xbf16>
    %dot_general3A_199 = arith.constant dense<0.000000e+00> : vector<256x64xf32>
    %dot_general3A_200 = tpu.matmul %convert_element_type3A_198, %slice3A_166, %dot_general3A_199 {dimension_numbers = #tpu.dot_dimension_numbers<[1], [0], [0], [1], [0, 0, 1, 1], [], []>, transpose_lhs_hint = false} : vector<256x512xbf16>, vector<512x64xbf16>, vector<256x64xf32> -> vector<256x64xf32>
    %div3A_201 = vector.broadcast %broadcast_in_dim3A_197 : vector<256x1xf32> to vector<256x64xf32>
    %div3A_202 = arith.divf %dot_general3A_200, %div3A_201 : vector<256x64xf32>
    %convert_element_type3A_203 = arith.truncf %div3A_202 : vector<256x64xf32> to vector<256x64xbf16>
    %mul3A_204 = arith.constant 4.000000e+00 : f32
    %mul3A_205 = arith.mulf %convert_element_type3A, %mul3A_204 : f32
    %add3A_206 = arith.constant 1.000000e+00 : f32
    %add3A_207 = arith.addf %mul3A_205, %add3A_206 : f32
    %add3A_208 = arith.constant 1.000000e+00 : f32
    %add3A_209 = arith.addf %add3A_207, %add3A_208 : f32
    %mul3A_210 = arith.constant -0.346573591 : f32
    %mul3A_211 = arith.mulf %add3A_209, %mul3A_210 : f32
    %exp3A_212 = math.exp %mul3A_211 : f32
    %slice3A_213 = vector.extract_strided_slice %mul3A_5 {offsets = [256, 64], sizes = [256, 64], strides = [1, 1]} : vector<1024x256xbf16> to vector<256x64xbf16>
    %dot_general3A_214 = arith.constant dense<0.000000e+00> : vector<256x512xf32>
    %dot_general3A_215 = tpu.matmul %slice3A_213, %slice3A_165, %dot_general3A_214 {dimension_numbers = #tpu.dot_dimension_numbers<[1], [1], [0], [0], [0, 0, 1, 0], [], []>, transpose_lhs_hint = false} : vector<256x64xbf16>, vector<512x64xbf16>, vector<256x512xf32> -> vector<256x512xf32>
    %mul3A_216 = vector.broadcast %exp3A_212 : f32 to vector<256x512xf32>
    %mul3A_217 = arith.mulf %mul3A_216, %convert_element_type3A_164 : vector<256x512xf32>
    %sub3A_218 = arith.constant 4.200000e+01 : f32
    %sub3A_219 = vector.broadcast %sub3A_218 : f32 to vector<256x512xf32>
    %sub3A_220 = arith.subf %mul3A_217, %sub3A_219 : vector<256x512xf32>
    %jit3A_221 = arith.constant -1.000000e+30 : f32
    %broadcast_in_dim3A_222 = vector.broadcast %jit3A_221 : f32 to vector<256x512xf32>
    %select_n3A_223 = arith.select %le3A_162, %sub3A_220, %broadcast_in_dim3A_222 : vector<256x512xi1>, vector<256x512xf32>
    %add3A_224 = arith.addf %dot_general3A_215, %select_n3A_223 : vector<256x512xf32>
    %jit3A_225 = arith.constant -8.000000e+01 : f32
    %jit3A_226 = arith.constant 4.300000e+01 : f32
    %max3A_227 = vector.broadcast %jit3A_225 : f32 to vector<256x512xf32>
    %max3A_228 = arith.maximumf %max3A_227, %add3A_224 : vector<256x512xf32>
    %min3A_229 = vector.broadcast %jit3A_226 : f32 to vector<256x512xf32>
    %min3A_230 = arith.minimumf %min3A_229, %max3A_228 : vector<256x512xf32>
    %exp3A_231 = math.exp %min3A_230 : vector<256x512xf32>
    %reduce_sum3A_232 = arith.constant dense<0.000000e+00> : vector<256xf32>
    %reduce_sum3A_233 = vector.multi_reduction <add>, %exp3A_231, %reduce_sum3A_232 [1] : vector<256x512xf32> to vector<256xf32>
    %broadcast_in_dim3A_234 = vector.shape_cast %reduce_sum3A_233 : vector<256xf32> to vector<256x1xf32>
    %convert_element_type3A_235 = arith.truncf %exp3A_231 : vector<256x512xf32> to vector<256x512xbf16>
    %dot_general3A_236 = arith.constant dense<0.000000e+00> : vector<256x64xf32>
    %dot_general3A_237 = tpu.matmul %convert_element_type3A_235, %slice3A_166, %dot_general3A_236 {dimension_numbers = #tpu.dot_dimension_numbers<[1], [0], [0], [1], [0, 0, 1, 1], [], []>, transpose_lhs_hint = false} : vector<256x512xbf16>, vector<512x64xbf16>, vector<256x64xf32> -> vector<256x64xf32>
    %div3A_238 = vector.broadcast %broadcast_in_dim3A_234 : vector<256x1xf32> to vector<256x64xf32>
    %div3A_239 = arith.divf %dot_general3A_237, %div3A_238 : vector<256x64xf32>
    %convert_element_type3A_240 = arith.truncf %div3A_239 : vector<256x64xf32> to vector<256x64xbf16>
    %mul3A_241 = arith.constant 4.000000e+00 : f32
    %mul3A_242 = arith.mulf %convert_element_type3A, %mul3A_241 : f32
    %add3A_243 = arith.constant 2.000000e+00 : f32
    %add3A_244 = arith.addf %mul3A_242, %add3A_243 : f32
    %add3A_245 = arith.constant 1.000000e+00 : f32
    %add3A_246 = arith.addf %add3A_244, %add3A_245 : f32
    %mul3A_247 = arith.constant -0.346573591 : f32
    %mul3A_248 = arith.mulf %add3A_246, %mul3A_247 : f32
    %exp3A_249 = math.exp %mul3A_248 : f32
    %slice3A_250 = vector.extract_strided_slice %mul3A_5 {offsets = [256, 128], sizes = [256, 64], strides = [1, 1]} : vector<1024x256xbf16> to vector<256x64xbf16>
    %dot_general3A_251 = arith.constant dense<0.000000e+00> : vector<256x512xf32>
    %dot_general3A_252 = tpu.matmul %slice3A_250, %slice3A_165, %dot_general3A_251 {dimension_numbers = #tpu.dot_dimension_numbers<[1], [1], [0], [0], [0, 0, 1, 0], [], []>, transpose_lhs_hint = false} : vector<256x64xbf16>, vector<512x64xbf16>, vector<256x512xf32> -> vector<256x512xf32>
    %mul3A_253 = vector.broadcast %exp3A_249 : f32 to vector<256x512xf32>
    %mul3A_254 = arith.mulf %mul3A_253, %convert_element_type3A_164 : vector<256x512xf32>
    %sub3A_255 = arith.constant 4.200000e+01 : f32
    %sub3A_256 = vector.broadcast %sub3A_255 : f32 to vector<256x512xf32>
    %sub3A_257 = arith.subf %mul3A_254, %sub3A_256 : vector<256x512xf32>
    %jit3A_258 = arith.constant -1.000000e+30 : f32
    %broadcast_in_dim3A_259 = vector.broadcast %jit3A_258 : f32 to vector<256x512xf32>
    %select_n3A_260 = arith.select %le3A_162, %sub3A_257, %broadcast_in_dim3A_259 : vector<256x512xi1>, vector<256x512xf32>
    %add3A_261 = arith.addf %dot_general3A_252, %select_n3A_260 : vector<256x512xf32>
    %jit3A_262 = arith.constant -8.000000e+01 : f32
    %jit3A_263 = arith.constant 4.300000e+01 : f32
    %max3A_264 = vector.broadcast %jit3A_262 : f32 to vector<256x512xf32>
    %max3A_265 = arith.maximumf %max3A_264, %add3A_261 : vector<256x512xf32>
    %min3A_266 = vector.broadcast %jit3A_263 : f32 to vector<256x512xf32>
    %min3A_267 = arith.minimumf %min3A_266, %max3A_265 : vector<256x512xf32>
    %exp3A_268 = math.exp %min3A_267 : vector<256x512xf32>
    %reduce_sum3A_269 = arith.constant dense<0.000000e+00> : vector<256xf32>
    %reduce_sum3A_270 = vector.multi_reduction <add>, %exp3A_268, %reduce_sum3A_269 [1] : vector<256x512xf32> to vector<256xf32>
    %broadcast_in_dim3A_271 = vector.shape_cast %reduce_sum3A_270 : vector<256xf32> to vector<256x1xf32>
    %convert_element_type3A_272 = arith.truncf %exp3A_268 : vector<256x512xf32> to vector<256x512xbf16>
    %dot_general3A_273 = arith.constant dense<0.000000e+00> : vector<256x64xf32>
    %dot_general3A_274 = tpu.matmul %convert_element_type3A_272, %slice3A_166, %dot_general3A_273 {dimension_numbers = #tpu.dot_dimension_numbers<[1], [0], [0], [1], [0, 0, 1, 1], [], []>, transpose_lhs_hint = false} : vector<256x512xbf16>, vector<512x64xbf16>, vector<256x64xf32> -> vector<256x64xf32>
    %div3A_275 = vector.broadcast %broadcast_in_dim3A_271 : vector<256x1xf32> to vector<256x64xf32>
    %div3A_276 = arith.divf %dot_general3A_274, %div3A_275 : vector<256x64xf32>
    %convert_element_type3A_277 = arith.truncf %div3A_276 : vector<256x64xf32> to vector<256x64xbf16>
    %mul3A_278 = arith.constant 4.000000e+00 : f32
    %mul3A_279 = arith.mulf %convert_element_type3A, %mul3A_278 : f32
    %add3A_280 = arith.constant 3.000000e+00 : f32
    %add3A_281 = arith.addf %mul3A_279, %add3A_280 : f32
    %add3A_282 = arith.constant 1.000000e+00 : f32
    %add3A_283 = arith.addf %add3A_281, %add3A_282 : f32
    %mul3A_284 = arith.constant -0.346573591 : f32
    %mul3A_285 = arith.mulf %add3A_283, %mul3A_284 : f32
    %exp3A_286 = math.exp %mul3A_285 : f32
    %slice3A_287 = vector.extract_strided_slice %mul3A_5 {offsets = [256, 192], sizes = [256, 64], strides = [1, 1]} : vector<1024x256xbf16> to vector<256x64xbf16>
    %dot_general3A_288 = arith.constant dense<0.000000e+00> : vector<256x512xf32>
    %dot_general3A_289 = tpu.matmul %slice3A_287, %slice3A_165, %dot_general3A_288 {dimension_numbers = #tpu.dot_dimension_numbers<[1], [1], [0], [0], [0, 0, 1, 0], [], []>, transpose_lhs_hint = false} : vector<256x64xbf16>, vector<512x64xbf16>, vector<256x512xf32> -> vector<256x512xf32>
    %mul3A_290 = vector.broadcast %exp3A_286 : f32 to vector<256x512xf32>
    %mul3A_291 = arith.mulf %mul3A_290, %convert_element_type3A_164 : vector<256x512xf32>
    %sub3A_292 = arith.constant 4.200000e+01 : f32
    %sub3A_293 = vector.broadcast %sub3A_292 : f32 to vector<256x512xf32>
    %sub3A_294 = arith.subf %mul3A_291, %sub3A_293 : vector<256x512xf32>
    %jit3A_295 = arith.constant -1.000000e+30 : f32
    %broadcast_in_dim3A_296 = vector.broadcast %jit3A_295 : f32 to vector<256x512xf32>
    %select_n3A_297 = arith.select %le3A_162, %sub3A_294, %broadcast_in_dim3A_296 : vector<256x512xi1>, vector<256x512xf32>
    %add3A_298 = arith.addf %dot_general3A_289, %select_n3A_297 : vector<256x512xf32>
    %jit3A_299 = arith.constant -8.000000e+01 : f32
    %jit3A_300 = arith.constant 4.300000e+01 : f32
    %max3A_301 = vector.broadcast %jit3A_299 : f32 to vector<256x512xf32>
    %max3A_302 = arith.maximumf %max3A_301, %add3A_298 : vector<256x512xf32>
    %min3A_303 = vector.broadcast %jit3A_300 : f32 to vector<256x512xf32>
    %min3A_304 = arith.minimumf %min3A_303, %max3A_302 : vector<256x512xf32>
    %exp3A_305 = math.exp %min3A_304 : vector<256x512xf32>
    %reduce_sum3A_306 = arith.constant dense<0.000000e+00> : vector<256xf32>
    %reduce_sum3A_307 = vector.multi_reduction <add>, %exp3A_305, %reduce_sum3A_306 [1] : vector<256x512xf32> to vector<256xf32>
    %broadcast_in_dim3A_308 = vector.shape_cast %reduce_sum3A_307 : vector<256xf32> to vector<256x1xf32>
    %convert_element_type3A_309 = arith.truncf %exp3A_305 : vector<256x512xf32> to vector<256x512xbf16>
    %dot_general3A_310 = arith.constant dense<0.000000e+00> : vector<256x64xf32>
    %dot_general3A_311 = tpu.matmul %convert_element_type3A_309, %slice3A_166, %dot_general3A_310 {dimension_numbers = #tpu.dot_dimension_numbers<[1], [0], [0], [1], [0, 0, 1, 1], [], []>, transpose_lhs_hint = false} : vector<256x512xbf16>, vector<512x64xbf16>, vector<256x64xf32> -> vector<256x64xf32>
    %div3A_312 = vector.broadcast %broadcast_in_dim3A_308 : vector<256x1xf32> to vector<256x64xf32>
    %div3A_313 = arith.divf %dot_general3A_311, %div3A_312 : vector<256x64xf32>
    %convert_element_type3A_314 = arith.truncf %div3A_313 : vector<256x64xf32> to vector<256x64xbf16>
    %iota3A_315 = tpu.iota {dimensions = array<i32: 0>} : vector<256x768xi32>
    %add3A_316 = arith.constant 512 : i32
    %add3A_317 = vector.broadcast %add3A_316 : i32 to vector<256x768xi32>
    %add3A_318 = arith.addi %iota3A_315, %add3A_317 : vector<256x768xi32>
    %iota3A_319 = tpu.iota {dimensions = array<i32: 1>} : vector<256x768xi32>
    %le3A_320 = arith.cmpi sle, %iota3A_319, %add3A_318 : vector<256x768xi32>
    %sub3A_321 = arith.subi %iota3A_319, %add3A_318 : vector<256x768xi32>
    %convert_element_type3A_322 = arith.sitofp %sub3A_321 : vector<256x768xi32> to vector<256x768xf32>
    %slice3A_323 = vector.extract_strided_slice %slice3A {offsets = [0, 0], sizes = [768, 64], strides = [1, 1]} : vector<1024x64xbf16> to vector<768x64xbf16>
    %slice3A_324 = vector.extract_strided_slice %slice3A_11 {offsets = [0, 0], sizes = [768, 64], strides = [1, 1]} : vector<1024x64xbf16> to vector<768x64xbf16>
    %mul3A_325 = arith.constant 4.000000e+00 : f32
    %mul3A_326 = arith.mulf %convert_element_type3A, %mul3A_325 : f32
    %add3A_327 = arith.constant 0.000000e+00 : f32
    %add3A_328 = arith.addf %mul3A_326, %add3A_327 : f32
    %add3A_329 = arith.constant 1.000000e+00 : f32
    %add3A_330 = arith.addf %add3A_328, %add3A_329 : f32
    %mul3A_331 = arith.constant -0.346573591 : f32
    %mul3A_332 = arith.mulf %add3A_330, %mul3A_331 : f32
    %exp3A_333 = math.exp %mul3A_332 : f32
    %slice3A_334 = vector.extract_strided_slice %mul3A_5 {offsets = [512, 0], sizes = [256, 64], strides = [1, 1]} : vector<1024x256xbf16> to vector<256x64xbf16>
    %dot_general3A_335 = arith.constant dense<0.000000e+00> : vector<256x768xf32>
    %dot_general3A_336 = tpu.matmul %slice3A_334, %slice3A_323, %dot_general3A_335 {dimension_numbers = #tpu.dot_dimension_numbers<[1], [1], [0], [0], [0, 0, 1, 0], [], []>, transpose_lhs_hint = false} : vector<256x64xbf16>, vector<768x64xbf16>, vector<256x768xf32> -> vector<256x768xf32>
    %mul3A_337 = vector.broadcast %exp3A_333 : f32 to vector<256x768xf32>
    %mul3A_338 = arith.mulf %mul3A_337, %convert_element_type3A_322 : vector<256x768xf32>
    %sub3A_339 = arith.constant 4.200000e+01 : f32
    %sub3A_340 = vector.broadcast %sub3A_339 : f32 to vector<256x768xf32>
    %sub3A_341 = arith.subf %mul3A_338, %sub3A_340 : vector<256x768xf32>
    %jit3A_342 = arith.constant -1.000000e+30 : f32
    %broadcast_in_dim3A_343 = vector.broadcast %jit3A_342 : f32 to vector<256x768xf32>
    %select_n3A_344 = arith.select %le3A_320, %sub3A_341, %broadcast_in_dim3A_343 : vector<256x768xi1>, vector<256x768xf32>
    %add3A_345 = arith.addf %dot_general3A_336, %select_n3A_344 : vector<256x768xf32>
    %jit3A_346 = arith.constant -8.000000e+01 : f32
    %jit3A_347 = arith.constant 4.300000e+01 : f32
    %max3A_348 = vector.broadcast %jit3A_346 : f32 to vector<256x768xf32>
    %max3A_349 = arith.maximumf %max3A_348, %add3A_345 : vector<256x768xf32>
    %min3A_350 = vector.broadcast %jit3A_347 : f32 to vector<256x768xf32>
    %min3A_351 = arith.minimumf %min3A_350, %max3A_349 : vector<256x768xf32>
    %exp3A_352 = math.exp %min3A_351 : vector<256x768xf32>
    %reduce_sum3A_353 = arith.constant dense<0.000000e+00> : vector<256xf32>
    %reduce_sum3A_354 = vector.multi_reduction <add>, %exp3A_352, %reduce_sum3A_353 [1] : vector<256x768xf32> to vector<256xf32>
    %broadcast_in_dim3A_355 = vector.shape_cast %reduce_sum3A_354 : vector<256xf32> to vector<256x1xf32>
    %convert_element_type3A_356 = arith.truncf %exp3A_352 : vector<256x768xf32> to vector<256x768xbf16>
    %dot_general3A_357 = arith.constant dense<0.000000e+00> : vector<256x64xf32>
    %dot_general3A_358 = tpu.matmul %convert_element_type3A_356, %slice3A_324, %dot_general3A_357 {dimension_numbers = #tpu.dot_dimension_numbers<[1], [0], [0], [1], [0, 0, 1, 1], [], []>, transpose_lhs_hint = false} : vector<256x768xbf16>, vector<768x64xbf16>, vector<256x64xf32> -> vector<256x64xf32>
    %div3A_359 = vector.broadcast %broadcast_in_dim3A_355 : vector<256x1xf32> to vector<256x64xf32>
    %div3A_360 = arith.divf %dot_general3A_358, %div3A_359 : vector<256x64xf32>
    %convert_element_type3A_361 = arith.truncf %div3A_360 : vector<256x64xf32> to vector<256x64xbf16>
    %mul3A_362 = arith.constant 4.000000e+00 : f32
    %mul3A_363 = arith.mulf %convert_element_type3A, %mul3A_362 : f32
    %add3A_364 = arith.constant 1.000000e+00 : f32
    %add3A_365 = arith.addf %mul3A_363, %add3A_364 : f32
    %add3A_366 = arith.constant 1.000000e+00 : f32
    %add3A_367 = arith.addf %add3A_365, %add3A_366 : f32
    %mul3A_368 = arith.constant -0.346573591 : f32
    %mul3A_369 = arith.mulf %add3A_367, %mul3A_368 : f32
    %exp3A_370 = math.exp %mul3A_369 : f32
    %slice3A_371 = vector.extract_strided_slice %mul3A_5 {offsets = [512, 64], sizes = [256, 64], strides = [1, 1]} : vector<1024x256xbf16> to vector<256x64xbf16>
    %dot_general3A_372 = arith.constant dense<0.000000e+00> : vector<256x768xf32>
    %dot_general3A_373 = tpu.matmul %slice3A_371, %slice3A_323, %dot_general3A_372 {dimension_numbers = #tpu.dot_dimension_numbers<[1], [1], [0], [0], [0, 0, 1, 0], [], []>, transpose_lhs_hint = false} : vector<256x64xbf16>, vector<768x64xbf16>, vector<256x768xf32> -> vector<256x768xf32>
    %mul3A_374 = vector.broadcast %exp3A_370 : f32 to vector<256x768xf32>
    %mul3A_375 = arith.mulf %mul3A_374, %convert_element_type3A_322 : vector<256x768xf32>
    %sub3A_376 = arith.constant 4.200000e+01 : f32
    %sub3A_377 = vector.broadcast %sub3A_376 : f32 to vector<256x768xf32>
    %sub3A_378 = arith.subf %mul3A_375, %sub3A_377 : vector<256x768xf32>
    %jit3A_379 = arith.constant -1.000000e+30 : f32
    %broadcast_in_dim3A_380 = vector.broadcast %jit3A_379 : f32 to vector<256x768xf32>
    %select_n3A_381 = arith.select %le3A_320, %sub3A_378, %broadcast_in_dim3A_380 : vector<256x768xi1>, vector<256x768xf32>
    %add3A_382 = arith.addf %dot_general3A_373, %select_n3A_381 : vector<256x768xf32>
    %jit3A_383 = arith.constant -8.000000e+01 : f32
    %jit3A_384 = arith.constant 4.300000e+01 : f32
    %max3A_385 = vector.broadcast %jit3A_383 : f32 to vector<256x768xf32>
    %max3A_386 = arith.maximumf %max3A_385, %add3A_382 : vector<256x768xf32>
    %min3A_387 = vector.broadcast %jit3A_384 : f32 to vector<256x768xf32>
    %min3A_388 = arith.minimumf %min3A_387, %max3A_386 : vector<256x768xf32>
    %exp3A_389 = math.exp %min3A_388 : vector<256x768xf32>
    %reduce_sum3A_390 = arith.constant dense<0.000000e+00> : vector<256xf32>
    %reduce_sum3A_391 = vector.multi_reduction <add>, %exp3A_389, %reduce_sum3A_390 [1] : vector<256x768xf32> to vector<256xf32>
    %broadcast_in_dim3A_392 = vector.shape_cast %reduce_sum3A_391 : vector<256xf32> to vector<256x1xf32>
    %convert_element_type3A_393 = arith.truncf %exp3A_389 : vector<256x768xf32> to vector<256x768xbf16>
    %dot_general3A_394 = arith.constant dense<0.000000e+00> : vector<256x64xf32>
    %dot_general3A_395 = tpu.matmul %convert_element_type3A_393, %slice3A_324, %dot_general3A_394 {dimension_numbers = #tpu.dot_dimension_numbers<[1], [0], [0], [1], [0, 0, 1, 1], [], []>, transpose_lhs_hint = false} : vector<256x768xbf16>, vector<768x64xbf16>, vector<256x64xf32> -> vector<256x64xf32>
    %div3A_396 = vector.broadcast %broadcast_in_dim3A_392 : vector<256x1xf32> to vector<256x64xf32>
    %div3A_397 = arith.divf %dot_general3A_395, %div3A_396 : vector<256x64xf32>
    %convert_element_type3A_398 = arith.truncf %div3A_397 : vector<256x64xf32> to vector<256x64xbf16>
    %mul3A_399 = arith.constant 4.000000e+00 : f32
    %mul3A_400 = arith.mulf %convert_element_type3A, %mul3A_399 : f32
    %add3A_401 = arith.constant 2.000000e+00 : f32
    %add3A_402 = arith.addf %mul3A_400, %add3A_401 : f32
    %add3A_403 = arith.constant 1.000000e+00 : f32
    %add3A_404 = arith.addf %add3A_402, %add3A_403 : f32
    %mul3A_405 = arith.constant -0.346573591 : f32
    %mul3A_406 = arith.mulf %add3A_404, %mul3A_405 : f32
    %exp3A_407 = math.exp %mul3A_406 : f32
    %slice3A_408 = vector.extract_strided_slice %mul3A_5 {offsets = [512, 128], sizes = [256, 64], strides = [1, 1]} : vector<1024x256xbf16> to vector<256x64xbf16>
    %dot_general3A_409 = arith.constant dense<0.000000e+00> : vector<256x768xf32>
    %dot_general3A_410 = tpu.matmul %slice3A_408, %slice3A_323, %dot_general3A_409 {dimension_numbers = #tpu.dot_dimension_numbers<[1], [1], [0], [0], [0, 0, 1, 0], [], []>, transpose_lhs_hint = false} : vector<256x64xbf16>, vector<768x64xbf16>, vector<256x768xf32> -> vector<256x768xf32>
    %mul3A_411 = vector.broadcast %exp3A_407 : f32 to vector<256x768xf32>
    %mul3A_412 = arith.mulf %mul3A_411, %convert_element_type3A_322 : vector<256x768xf32>
    %sub3A_413 = arith.constant 4.200000e+01 : f32
    %sub3A_414 = vector.broadcast %sub3A_413 : f32 to vector<256x768xf32>
    %sub3A_415 = arith.subf %mul3A_412, %sub3A_414 : vector<256x768xf32>
    %jit3A_416 = arith.constant -1.000000e+30 : f32
    %broadcast_in_dim3A_417 = vector.broadcast %jit3A_416 : f32 to vector<256x768xf32>
    %select_n3A_418 = arith.select %le3A_320, %sub3A_415, %broadcast_in_dim3A_417 : vector<256x768xi1>, vector<256x768xf32>
    %add3A_419 = arith.addf %dot_general3A_410, %select_n3A_418 : vector<256x768xf32>
    %jit3A_420 = arith.constant -8.000000e+01 : f32
    %jit3A_421 = arith.constant 4.300000e+01 : f32
    %max3A_422 = vector.broadcast %jit3A_420 : f32 to vector<256x768xf32>
    %max3A_423 = arith.maximumf %max3A_422, %add3A_419 : vector<256x768xf32>
    %min3A_424 = vector.broadcast %jit3A_421 : f32 to vector<256x768xf32>
    %min3A_425 = arith.minimumf %min3A_424, %max3A_423 : vector<256x768xf32>
    %exp3A_426 = math.exp %min3A_425 : vector<256x768xf32>
    %reduce_sum3A_427 = arith.constant dense<0.000000e+00> : vector<256xf32>
    %reduce_sum3A_428 = vector.multi_reduction <add>, %exp3A_426, %reduce_sum3A_427 [1] : vector<256x768xf32> to vector<256xf32>
    %broadcast_in_dim3A_429 = vector.shape_cast %reduce_sum3A_428 : vector<256xf32> to vector<256x1xf32>
    %convert_element_type3A_430 = arith.truncf %exp3A_426 : vector<256x768xf32> to vector<256x768xbf16>
    %dot_general3A_431 = arith.constant dense<0.000000e+00> : vector<256x64xf32>
    %dot_general3A_432 = tpu.matmul %convert_element_type3A_430, %slice3A_324, %dot_general3A_431 {dimension_numbers = #tpu.dot_dimension_numbers<[1], [0], [0], [1], [0, 0, 1, 1], [], []>, transpose_lhs_hint = false} : vector<256x768xbf16>, vector<768x64xbf16>, vector<256x64xf32> -> vector<256x64xf32>
    %div3A_433 = vector.broadcast %broadcast_in_dim3A_429 : vector<256x1xf32> to vector<256x64xf32>
    %div3A_434 = arith.divf %dot_general3A_432, %div3A_433 : vector<256x64xf32>
    %convert_element_type3A_435 = arith.truncf %div3A_434 : vector<256x64xf32> to vector<256x64xbf16>
    %mul3A_436 = arith.constant 4.000000e+00 : f32
    %mul3A_437 = arith.mulf %convert_element_type3A, %mul3A_436 : f32
    %add3A_438 = arith.constant 3.000000e+00 : f32
    %add3A_439 = arith.addf %mul3A_437, %add3A_438 : f32
    %add3A_440 = arith.constant 1.000000e+00 : f32
    %add3A_441 = arith.addf %add3A_439, %add3A_440 : f32
    %mul3A_442 = arith.constant -0.346573591 : f32
    %mul3A_443 = arith.mulf %add3A_441, %mul3A_442 : f32
    %exp3A_444 = math.exp %mul3A_443 : f32
    %slice3A_445 = vector.extract_strided_slice %mul3A_5 {offsets = [512, 192], sizes = [256, 64], strides = [1, 1]} : vector<1024x256xbf16> to vector<256x64xbf16>
    %dot_general3A_446 = arith.constant dense<0.000000e+00> : vector<256x768xf32>
    %dot_general3A_447 = tpu.matmul %slice3A_445, %slice3A_323, %dot_general3A_446 {dimension_numbers = #tpu.dot_dimension_numbers<[1], [1], [0], [0], [0, 0, 1, 0], [], []>, transpose_lhs_hint = false} : vector<256x64xbf16>, vector<768x64xbf16>, vector<256x768xf32> -> vector<256x768xf32>
    %mul3A_448 = vector.broadcast %exp3A_444 : f32 to vector<256x768xf32>
    %mul3A_449 = arith.mulf %mul3A_448, %convert_element_type3A_322 : vector<256x768xf32>
    %sub3A_450 = arith.constant 4.200000e+01 : f32
    %sub3A_451 = vector.broadcast %sub3A_450 : f32 to vector<256x768xf32>
    %sub3A_452 = arith.subf %mul3A_449, %sub3A_451 : vector<256x768xf32>
    %jit3A_453 = arith.constant -1.000000e+30 : f32
    %broadcast_in_dim3A_454 = vector.broadcast %jit3A_453 : f32 to vector<256x768xf32>
    %select_n3A_455 = arith.select %le3A_320, %sub3A_452, %broadcast_in_dim3A_454 : vector<256x768xi1>, vector<256x768xf32>
    %add3A_456 = arith.addf %dot_general3A_447, %select_n3A_455 : vector<256x768xf32>
    %jit3A_457 = arith.constant -8.000000e+01 : f32
    %jit3A_458 = arith.constant 4.300000e+01 : f32
    %max3A_459 = vector.broadcast %jit3A_457 : f32 to vector<256x768xf32>
    %max3A_460 = arith.maximumf %max3A_459, %add3A_456 : vector<256x768xf32>
    %min3A_461 = vector.broadcast %jit3A_458 : f32 to vector<256x768xf32>
    %min3A_462 = arith.minimumf %min3A_461, %max3A_460 : vector<256x768xf32>
    %exp3A_463 = math.exp %min3A_462 : vector<256x768xf32>
    %reduce_sum3A_464 = arith.constant dense<0.000000e+00> : vector<256xf32>
    %reduce_sum3A_465 = vector.multi_reduction <add>, %exp3A_463, %reduce_sum3A_464 [1] : vector<256x768xf32> to vector<256xf32>
    %broadcast_in_dim3A_466 = vector.shape_cast %reduce_sum3A_465 : vector<256xf32> to vector<256x1xf32>
    %convert_element_type3A_467 = arith.truncf %exp3A_463 : vector<256x768xf32> to vector<256x768xbf16>
    %dot_general3A_468 = arith.constant dense<0.000000e+00> : vector<256x64xf32>
    %dot_general3A_469 = tpu.matmul %convert_element_type3A_467, %slice3A_324, %dot_general3A_468 {dimension_numbers = #tpu.dot_dimension_numbers<[1], [0], [0], [1], [0, 0, 1, 1], [], []>, transpose_lhs_hint = false} : vector<256x768xbf16>, vector<768x64xbf16>, vector<256x64xf32> -> vector<256x64xf32>
    %div3A_470 = vector.broadcast %broadcast_in_dim3A_466 : vector<256x1xf32> to vector<256x64xf32>
    %div3A_471 = arith.divf %dot_general3A_469, %div3A_470 : vector<256x64xf32>
    %convert_element_type3A_472 = arith.truncf %div3A_471 : vector<256x64xf32> to vector<256x64xbf16>
    %iota3A_473 = tpu.iota {dimensions = array<i32: 0>} : vector<256x1024xi32>
    %add3A_474 = arith.constant 768 : i32
    %add3A_475 = vector.broadcast %add3A_474 : i32 to vector<256x1024xi32>
    %add3A_476 = arith.addi %iota3A_473, %add3A_475 : vector<256x1024xi32>
    %iota3A_477 = tpu.iota {dimensions = array<i32: 1>} : vector<256x1024xi32>
    %le3A_478 = arith.cmpi sle, %iota3A_477, %add3A_476 : vector<256x1024xi32>
    %sub3A_479 = arith.subi %iota3A_477, %add3A_476 : vector<256x1024xi32>
    %convert_element_type3A_480 = arith.sitofp %sub3A_479 : vector<256x1024xi32> to vector<256x1024xf32>
    %mul3A_481 = arith.constant 4.000000e+00 : f32
    %mul3A_482 = arith.mulf %convert_element_type3A, %mul3A_481 : f32
    %add3A_483 = arith.constant 0.000000e+00 : f32
    %add3A_484 = arith.addf %mul3A_482, %add3A_483 : f32
    %add3A_485 = arith.constant 1.000000e+00 : f32
    %add3A_486 = arith.addf %add3A_484, %add3A_485 : f32
    %mul3A_487 = arith.constant -0.346573591 : f32
    %mul3A_488 = arith.mulf %add3A_486, %mul3A_487 : f32
    %exp3A_489 = math.exp %mul3A_488 : f32
    %slice3A_490 = vector.extract_strided_slice %mul3A_5 {offsets = [768, 0], sizes = [256, 64], strides = [1, 1]} : vector<1024x256xbf16> to vector<256x64xbf16>
    %dot_general3A_491 = arith.constant dense<0.000000e+00> : vector<256x1024xf32>
    %dot_general3A_492 = tpu.matmul %slice3A_490, %slice3A, %dot_general3A_491 {dimension_numbers = #tpu.dot_dimension_numbers<[1], [1], [0], [0], [0, 0, 1, 0], [], []>, transpose_lhs_hint = false} : vector<256x64xbf16>, vector<1024x64xbf16>, vector<256x1024xf32> -> vector<256x1024xf32>
    %mul3A_493 = vector.broadcast %exp3A_489 : f32 to vector<256x1024xf32>
    %mul3A_494 = arith.mulf %mul3A_493, %convert_element_type3A_480 : vector<256x1024xf32>
    %sub3A_495 = arith.constant 4.200000e+01 : f32
    %sub3A_496 = vector.broadcast %sub3A_495 : f32 to vector<256x1024xf32>
    %sub3A_497 = arith.subf %mul3A_494, %sub3A_496 : vector<256x1024xf32>
    %jit3A_498 = arith.constant -1.000000e+30 : f32
    %broadcast_in_dim3A_499 = vector.broadcast %jit3A_498 : f32 to vector<256x1024xf32>
    %select_n3A_500 = arith.select %le3A_478, %sub3A_497, %broadcast_in_dim3A_499 : vector<256x1024xi1>, vector<256x1024xf32>
    %add3A_501 = arith.addf %dot_general3A_492, %select_n3A_500 : vector<256x1024xf32>
    %jit3A_502 = arith.constant -8.000000e+01 : f32
    %jit3A_503 = arith.constant 4.300000e+01 : f32
    %max3A_504 = vector.broadcast %jit3A_502 : f32 to vector<256x1024xf32>
    %max3A_505 = arith.maximumf %max3A_504, %add3A_501 : vector<256x1024xf32>
    %min3A_506 = vector.broadcast %jit3A_503 : f32 to vector<256x1024xf32>
    %min3A_507 = arith.minimumf %min3A_506, %max3A_505 : vector<256x1024xf32>
    %exp3A_508 = math.exp %min3A_507 : vector<256x1024xf32>
    %reduce_sum3A_509 = arith.constant dense<0.000000e+00> : vector<256xf32>
    %reduce_sum3A_510 = vector.multi_reduction <add>, %exp3A_508, %reduce_sum3A_509 [1] : vector<256x1024xf32> to vector<256xf32>
    %broadcast_in_dim3A_511 = vector.shape_cast %reduce_sum3A_510 : vector<256xf32> to vector<256x1xf32>
    %convert_element_type3A_512 = arith.truncf %exp3A_508 : vector<256x1024xf32> to vector<256x1024xbf16>
    %dot_general3A_513 = arith.constant dense<0.000000e+00> : vector<256x64xf32>
    %dot_general3A_514 = tpu.matmul %convert_element_type3A_512, %slice3A_11, %dot_general3A_513 {dimension_numbers = #tpu.dot_dimension_numbers<[1], [0], [0], [1], [0, 0, 1, 1], [], []>, transpose_lhs_hint = false} : vector<256x1024xbf16>, vector<1024x64xbf16>, vector<256x64xf32> -> vector<256x64xf32>
    %div3A_515 = vector.broadcast %broadcast_in_dim3A_511 : vector<256x1xf32> to vector<256x64xf32>
    %div3A_516 = arith.divf %dot_general3A_514, %div3A_515 : vector<256x64xf32>
    %convert_element_type3A_517 = arith.truncf %div3A_516 : vector<256x64xf32> to vector<256x64xbf16>
    %mul3A_518 = arith.constant 4.000000e+00 : f32
    %mul3A_519 = arith.mulf %convert_element_type3A, %mul3A_518 : f32
    %add3A_520 = arith.constant 1.000000e+00 : f32
    %add3A_521 = arith.addf %mul3A_519, %add3A_520 : f32
    %add3A_522 = arith.constant 1.000000e+00 : f32
    %add3A_523 = arith.addf %add3A_521, %add3A_522 : f32
    %mul3A_524 = arith.constant -0.346573591 : f32
    %mul3A_525 = arith.mulf %add3A_523, %mul3A_524 : f32
    %exp3A_526 = math.exp %mul3A_525 : f32
    %slice3A_527 = vector.extract_strided_slice %mul3A_5 {offsets = [768, 64], sizes = [256, 64], strides = [1, 1]} : vector<1024x256xbf16> to vector<256x64xbf16>
    %dot_general3A_528 = arith.constant dense<0.000000e+00> : vector<256x1024xf32>
    %dot_general3A_529 = tpu.matmul %slice3A_527, %slice3A, %dot_general3A_528 {dimension_numbers = #tpu.dot_dimension_numbers<[1], [1], [0], [0], [0, 0, 1, 0], [], []>, transpose_lhs_hint = false} : vector<256x64xbf16>, vector<1024x64xbf16>, vector<256x1024xf32> -> vector<256x1024xf32>
    %mul3A_530 = vector.broadcast %exp3A_526 : f32 to vector<256x1024xf32>
    %mul3A_531 = arith.mulf %mul3A_530, %convert_element_type3A_480 : vector<256x1024xf32>
    %sub3A_532 = arith.constant 4.200000e+01 : f32
    %sub3A_533 = vector.broadcast %sub3A_532 : f32 to vector<256x1024xf32>
    %sub3A_534 = arith.subf %mul3A_531, %sub3A_533 : vector<256x1024xf32>
    %jit3A_535 = arith.constant -1.000000e+30 : f32
    %broadcast_in_dim3A_536 = vector.broadcast %jit3A_535 : f32 to vector<256x1024xf32>
    %select_n3A_537 = arith.select %le3A_478, %sub3A_534, %broadcast_in_dim3A_536 : vector<256x1024xi1>, vector<256x1024xf32>
    %add3A_538 = arith.addf %dot_general3A_529, %select_n3A_537 : vector<256x1024xf32>
    %jit3A_539 = arith.constant -8.000000e+01 : f32
    %jit3A_540 = arith.constant 4.300000e+01 : f32
    %max3A_541 = vector.broadcast %jit3A_539 : f32 to vector<256x1024xf32>
    %max3A_542 = arith.maximumf %max3A_541, %add3A_538 : vector<256x1024xf32>
    %min3A_543 = vector.broadcast %jit3A_540 : f32 to vector<256x1024xf32>
    %min3A_544 = arith.minimumf %min3A_543, %max3A_542 : vector<256x1024xf32>
    %exp3A_545 = math.exp %min3A_544 : vector<256x1024xf32>
    %reduce_sum3A_546 = arith.constant dense<0.000000e+00> : vector<256xf32>
    %reduce_sum3A_547 = vector.multi_reduction <add>, %exp3A_545, %reduce_sum3A_546 [1] : vector<256x1024xf32> to vector<256xf32>
    %broadcast_in_dim3A_548 = vector.shape_cast %reduce_sum3A_547 : vector<256xf32> to vector<256x1xf32>
    %convert_element_type3A_549 = arith.truncf %exp3A_545 : vector<256x1024xf32> to vector<256x1024xbf16>
    %dot_general3A_550 = arith.constant dense<0.000000e+00> : vector<256x64xf32>
    %dot_general3A_551 = tpu.matmul %convert_element_type3A_549, %slice3A_11, %dot_general3A_550 {dimension_numbers = #tpu.dot_dimension_numbers<[1], [0], [0], [1], [0, 0, 1, 1], [], []>, transpose_lhs_hint = false} : vector<256x1024xbf16>, vector<1024x64xbf16>, vector<256x64xf32> -> vector<256x64xf32>
    %div3A_552 = vector.broadcast %broadcast_in_dim3A_548 : vector<256x1xf32> to vector<256x64xf32>
    %div3A_553 = arith.divf %dot_general3A_551, %div3A_552 : vector<256x64xf32>
    %convert_element_type3A_554 = arith.truncf %div3A_553 : vector<256x64xf32> to vector<256x64xbf16>
    %mul3A_555 = arith.constant 4.000000e+00 : f32
    %mul3A_556 = arith.mulf %convert_element_type3A, %mul3A_555 : f32
    %add3A_557 = arith.constant 2.000000e+00 : f32
    %add3A_558 = arith.addf %mul3A_556, %add3A_557 : f32
    %add3A_559 = arith.constant 1.000000e+00 : f32
    %add3A_560 = arith.addf %add3A_558, %add3A_559 : f32
    %mul3A_561 = arith.constant -0.346573591 : f32
    %mul3A_562 = arith.mulf %add3A_560, %mul3A_561 : f32
    %exp3A_563 = math.exp %mul3A_562 : f32
    %slice3A_564 = vector.extract_strided_slice %mul3A_5 {offsets = [768, 128], sizes = [256, 64], strides = [1, 1]} : vector<1024x256xbf16> to vector<256x64xbf16>
    %dot_general3A_565 = arith.constant dense<0.000000e+00> : vector<256x1024xf32>
    %dot_general3A_566 = tpu.matmul %slice3A_564, %slice3A, %dot_general3A_565 {dimension_numbers = #tpu.dot_dimension_numbers<[1], [1], [0], [0], [0, 0, 1, 0], [], []>, transpose_lhs_hint = false} : vector<256x64xbf16>, vector<1024x64xbf16>, vector<256x1024xf32> -> vector<256x1024xf32>
    %mul3A_567 = vector.broadcast %exp3A_563 : f32 to vector<256x1024xf32>
    %mul3A_568 = arith.mulf %mul3A_567, %convert_element_type3A_480 : vector<256x1024xf32>
    %sub3A_569 = arith.constant 4.200000e+01 : f32
    %sub3A_570 = vector.broadcast %sub3A_569 : f32 to vector<256x1024xf32>
    %sub3A_571 = arith.subf %mul3A_568, %sub3A_570 : vector<256x1024xf32>
    %jit3A_572 = arith.constant -1.000000e+30 : f32
    %broadcast_in_dim3A_573 = vector.broadcast %jit3A_572 : f32 to vector<256x1024xf32>
    %select_n3A_574 = arith.select %le3A_478, %sub3A_571, %broadcast_in_dim3A_573 : vector<256x1024xi1>, vector<256x1024xf32>
    %add3A_575 = arith.addf %dot_general3A_566, %select_n3A_574 : vector<256x1024xf32>
    %jit3A_576 = arith.constant -8.000000e+01 : f32
    %jit3A_577 = arith.constant 4.300000e+01 : f32
    %max3A_578 = vector.broadcast %jit3A_576 : f32 to vector<256x1024xf32>
    %max3A_579 = arith.maximumf %max3A_578, %add3A_575 : vector<256x1024xf32>
    %min3A_580 = vector.broadcast %jit3A_577 : f32 to vector<256x1024xf32>
    %min3A_581 = arith.minimumf %min3A_580, %max3A_579 : vector<256x1024xf32>
    %exp3A_582 = math.exp %min3A_581 : vector<256x1024xf32>
    %reduce_sum3A_583 = arith.constant dense<0.000000e+00> : vector<256xf32>
    %reduce_sum3A_584 = vector.multi_reduction <add>, %exp3A_582, %reduce_sum3A_583 [1] : vector<256x1024xf32> to vector<256xf32>
    %broadcast_in_dim3A_585 = vector.shape_cast %reduce_sum3A_584 : vector<256xf32> to vector<256x1xf32>
    %convert_element_type3A_586 = arith.truncf %exp3A_582 : vector<256x1024xf32> to vector<256x1024xbf16>
    %dot_general3A_587 = arith.constant dense<0.000000e+00> : vector<256x64xf32>
    %dot_general3A_588 = tpu.matmul %convert_element_type3A_586, %slice3A_11, %dot_general3A_587 {dimension_numbers = #tpu.dot_dimension_numbers<[1], [0], [0], [1], [0, 0, 1, 1], [], []>, transpose_lhs_hint = false} : vector<256x1024xbf16>, vector<1024x64xbf16>, vector<256x64xf32> -> vector<256x64xf32>
    %div3A_589 = vector.broadcast %broadcast_in_dim3A_585 : vector<256x1xf32> to vector<256x64xf32>
    %div3A_590 = arith.divf %dot_general3A_588, %div3A_589 : vector<256x64xf32>
    %convert_element_type3A_591 = arith.truncf %div3A_590 : vector<256x64xf32> to vector<256x64xbf16>
    %mul3A_592 = arith.constant 4.000000e+00 : f32
    %mul3A_593 = arith.mulf %convert_element_type3A, %mul3A_592 : f32
    %add3A_594 = arith.constant 3.000000e+00 : f32
    %add3A_595 = arith.addf %mul3A_593, %add3A_594 : f32
    %add3A_596 = arith.constant 1.000000e+00 : f32
    %add3A_597 = arith.addf %add3A_595, %add3A_596 : f32
    %mul3A_598 = arith.constant -0.346573591 : f32
    %mul3A_599 = arith.mulf %add3A_597, %mul3A_598 : f32
    %exp3A_600 = math.exp %mul3A_599 : f32
    %slice3A_601 = vector.extract_strided_slice %mul3A_5 {offsets = [768, 192], sizes = [256, 64], strides = [1, 1]} : vector<1024x256xbf16> to vector<256x64xbf16>
    %dot_general3A_602 = arith.constant dense<0.000000e+00> : vector<256x1024xf32>
    %dot_general3A_603 = tpu.matmul %slice3A_601, %slice3A, %dot_general3A_602 {dimension_numbers = #tpu.dot_dimension_numbers<[1], [1], [0], [0], [0, 0, 1, 0], [], []>, transpose_lhs_hint = false} : vector<256x64xbf16>, vector<1024x64xbf16>, vector<256x1024xf32> -> vector<256x1024xf32>
    %mul3A_604 = vector.broadcast %exp3A_600 : f32 to vector<256x1024xf32>
    %mul3A_605 = arith.mulf %mul3A_604, %convert_element_type3A_480 : vector<256x1024xf32>
    %sub3A_606 = arith.constant 4.200000e+01 : f32
    %sub3A_607 = vector.broadcast %sub3A_606 : f32 to vector<256x1024xf32>
    %sub3A_608 = arith.subf %mul3A_605, %sub3A_607 : vector<256x1024xf32>
    %jit3A_609 = arith.constant -1.000000e+30 : f32
    %broadcast_in_dim3A_610 = vector.broadcast %jit3A_609 : f32 to vector<256x1024xf32>
    %select_n3A_611 = arith.select %le3A_478, %sub3A_608, %broadcast_in_dim3A_610 : vector<256x1024xi1>, vector<256x1024xf32>
    %add3A_612 = arith.addf %dot_general3A_603, %select_n3A_611 : vector<256x1024xf32>
    %jit3A_613 = arith.constant -8.000000e+01 : f32
    %jit3A_614 = arith.constant 4.300000e+01 : f32
    %max3A_615 = vector.broadcast %jit3A_613 : f32 to vector<256x1024xf32>
    %max3A_616 = arith.maximumf %max3A_615, %add3A_612 : vector<256x1024xf32>
    %min3A_617 = vector.broadcast %jit3A_614 : f32 to vector<256x1024xf32>
    %min3A_618 = arith.minimumf %min3A_617, %max3A_616 : vector<256x1024xf32>
    %exp3A_619 = math.exp %min3A_618 : vector<256x1024xf32>
    %reduce_sum3A_620 = arith.constant dense<0.000000e+00> : vector<256xf32>
    %reduce_sum3A_621 = vector.multi_reduction <add>, %exp3A_619, %reduce_sum3A_620 [1] : vector<256x1024xf32> to vector<256xf32>
    %broadcast_in_dim3A_622 = vector.shape_cast %reduce_sum3A_621 : vector<256xf32> to vector<256x1xf32>
    %convert_element_type3A_623 = arith.truncf %exp3A_619 : vector<256x1024xf32> to vector<256x1024xbf16>
    %dot_general3A_624 = arith.constant dense<0.000000e+00> : vector<256x64xf32>
    %dot_general3A_625 = tpu.matmul %convert_element_type3A_623, %slice3A_11, %dot_general3A_624 {dimension_numbers = #tpu.dot_dimension_numbers<[1], [0], [0], [1], [0, 0, 1, 1], [], []>, transpose_lhs_hint = false} : vector<256x1024xbf16>, vector<1024x64xbf16>, vector<256x64xf32> -> vector<256x64xf32>
    %div3A_626 = vector.broadcast %broadcast_in_dim3A_622 : vector<256x1xf32> to vector<256x64xf32>
    %div3A_627 = arith.divf %dot_general3A_625, %div3A_626 : vector<256x64xf32>
    %convert_element_type3A_628 = arith.truncf %div3A_627 : vector<256x64xf32> to vector<256x64xbf16>
    %concatenate3A = tpu.concatenate %convert_element_type3A_45, %convert_element_type3A_203, %convert_element_type3A_361, %convert_element_type3A_517 in 0 : vector<256x64xbf16>, vector<256x64xbf16>, vector<256x64xbf16>, vector<256x64xbf16> -> vector<1024x64xbf16>
    %concatenate3A_629 = tpu.concatenate %convert_element_type3A_82, %convert_element_type3A_240, %convert_element_type3A_398, %convert_element_type3A_554 in 0 : vector<256x64xbf16>, vector<256x64xbf16>, vector<256x64xbf16>, vector<256x64xbf16> -> vector<1024x64xbf16>
    %concatenate3A_630 = tpu.concatenate %convert_element_type3A_119, %convert_element_type3A_277, %convert_element_type3A_435, %convert_element_type3A_591 in 0 : vector<256x64xbf16>, vector<256x64xbf16>, vector<256x64xbf16>, vector<256x64xbf16> -> vector<1024x64xbf16>
    %concatenate3A_631 = tpu.concatenate %convert_element_type3A_156, %convert_element_type3A_314, %convert_element_type3A_472, %convert_element_type3A_628 in 0 : vector<256x64xbf16>, vector<256x64xbf16>, vector<256x64xbf16>, vector<256x64xbf16> -> vector<1024x64xbf16>
    %concatenate3A_632 = tpu.concatenate %concatenate3A, %concatenate3A_629, %concatenate3A_630, %concatenate3A_631 in 1 : vector<1024x64xbf16>, vector<1024x64xbf16>, vector<1024x64xbf16>, vector<1024x64xbf16> -> vector<1024x256xbf16>
    %swap3A = arith.constant 0 : index
    %swap3A_633 = arith.constant 0 : index
    %swap3A_634 = arith.constant 0 : index
    %swap3A_635 = vector.load %arg4[%swap3A, %swap3A_633, %swap3A_634] : memref<1x1024x256xbf16, #tpu.memory_space<vmem>>, vector<1x1024x256xbf16>
    %swap3A_636 = vector.shape_cast %swap3A_635 : vector<1x1024x256xbf16> to vector<1024x256xbf16>
    %swap3A_637 = vector.shape_cast %concatenate3A_632 : vector<1024x256xbf16> to vector<1x1024x256xbf16>
    tpu.vector_store %arg4[%swap3A, %swap3A_633, %swap3A_634], %swap3A_637 {strides = array<i32>} : memref<1x1024x256xbf16, #tpu.memory_space<vmem>>, vector<1x1024x256xbf16>,
    return
  }
  func.func @transform_0(%arg0: i32, %arg1: i32) -> (i32, i32, i32) {
    %c0_i32 = arith.constant 0 : i32
    %c0_i32_0 = arith.constant 0 : i32
    return %arg0, %c0_i32, %arg1 : i32, i32, i32
  }
  func.func @transform_1(%arg0: i32, %arg1: i32) -> (i32, i32, i32) {
    %add3A = arith.constant 8 : i32
    %add3A_0 = arith.addi %add3A, %arg1 : i32
    %c0_i32 = arith.constant 0 : i32
    %c0_i32_1 = arith.constant 0 : i32
    return %arg0, %c0_i32, %add3A_0 : i32, i32, i32
  }
  func.func @transform_2(%arg0: i32, %arg1: i32) -> (i32, i32, i32) {
    %c0_i32 = arith.constant 0 : i32
    %c0_i32_0 = arith.constant 0 : i32
    return %arg0, %c0_i32, %arg1 : i32, i32, i32
  }
}

module attributes {stable_mosaic.version = 14 : i64} {
  func.func @_blockend_body(%arg0: i32, %arg1: i32, %arg2: memref<1x256x1024xbf16, #tpu.memory_space<vmem>>, %arg3: memref<1x256x1024xf32, #tpu.memory_space<vmem>>, %arg4: memref<1024x1024xbf16, #tpu.memory_space<vmem>>, %arg5: memref<1x1024xf32, #tpu.memory_space<vmem>>, %arg6: memref<2048x1024xbf16, #tpu.memory_space<vmem>>, %arg7: memref<1024x1024xbf16, #tpu.memory_space<vmem>>, %arg8: memref<1x256x1xf32, #tpu.memory_space<vmem>>, %arg9: memref<1x1024xf32, #tpu.memory_space<vmem>>, %arg10: memref<1536x1024xbf16, #tpu.memory_space<vmem>>, %arg11: memref<1x256x1024xf32, #tpu.memory_space<vmem>>, %arg12: memref<1x256x1536xbf16, #tpu.memory_space<vmem>>) attributes {dimension_semantics = [#tpu.dimension_semantics<arbitrary>, #tpu.dimension_semantics<arbitrary>], iteration_bounds = array<i64: 2, 4>, scalar_prefetch = 0 : i64, scratch_operands = 0 : i64, tpu.core_type = #tpu.core_type<tc>, window_params = [{transform_indices = @transform_0, window_bounds = array<i64: 1, 256, 1024>}, {transform_indices = @transform_1, window_bounds = array<i64: 1, 256, 1024>}, {pipeline_mode = #tpu.pipeline_mode<synchronous>, transform_indices = @transform_2, window_bounds = array<i64: 1024, 1024>}, {pipeline_mode = #tpu.pipeline_mode<synchronous>, transform_indices = @transform_3, window_bounds = array<i64: 1, 1024>}, {pipeline_mode = #tpu.pipeline_mode<synchronous>, transform_indices = @transform_4, window_bounds = array<i64: 2048, 1024>}, {pipeline_mode = #tpu.pipeline_mode<synchronous>, transform_indices = @transform_5, window_bounds = array<i64: 1024, 1024>}, {transform_indices = @transform_6, window_bounds = array<i64: 1, 256, 1>}, {pipeline_mode = #tpu.pipeline_mode<synchronous>, transform_indices = @transform_7, window_bounds = array<i64: 1, 1024>}, {pipeline_mode = #tpu.pipeline_mode<synchronous>, transform_indices = @transform_8, window_bounds = array<i64: 1536, 1024>}, {transform_indices = @transform_9, window_bounds = array<i64: 1, 256, 1024>}, {transform_indices = @transform_10, window_bounds = array<i64: 1, 256, 1536>}]} {
    %get3A = arith.constant 0 : index
    %get3A_0 = arith.constant 0 : index
    %get3A_1 = arith.constant 0 : index
    %get3A_2 = vector.load %arg3[%get3A, %get3A_0, %get3A_1] : memref<1x256x1024xf32, #tpu.memory_space<vmem>>, vector<1x256x1024xf32>
    %get3A_3 = vector.shape_cast %get3A_2 : vector<1x256x1024xf32> to vector<256x1024xf32>
    %get3A_4 = arith.constant 0 : index
    %get3A_5 = arith.constant 0 : index
    %get3A_6 = arith.constant 0 : index
    %get3A_7 = vector.load %arg2[%get3A_4, %get3A_5, %get3A_6] : memref<1x256x1024xbf16, #tpu.memory_space<vmem>>, vector<1x256x1024xbf16>
    %get3A_8 = vector.shape_cast %get3A_7 : vector<1x256x1024xbf16> to vector<256x1024xbf16>
    %get3A_9 = arith.constant 0 : index
    %get3A_10 = arith.constant 0 : index
    %get3A_11 = vector.load %arg4[%get3A_9, %get3A_10] : memref<1024x1024xbf16, #tpu.memory_space<vmem>>, vector<1024x1024xbf16>
    %dot_general3A = arith.constant dense<0.000000e+00> : vector<256x1024xf32>
    %dot_general3A_12 = tpu.matmul %get3A_8, %get3A_11, %dot_general3A {dimension_numbers = #tpu.dot_dimension_numbers<[1], [1], [0], [0], [0, 0, 1, 0], [], []>, transpose_lhs_hint = false} : vector<256x1024xbf16>, vector<1024x1024xbf16>, vector<256x1024xf32> -> vector<256x1024xf32>
    %add3A = arith.addf %get3A_3, %dot_general3A_12 : vector<256x1024xf32>
    %mul3A = arith.mulf %add3A, %add3A : vector<256x1024xf32>
    %reduce_sum3A = arith.constant dense<0.000000e+00> : vector<256xf32>
    %reduce_sum3A_13 = vector.multi_reduction <add>, %mul3A, %reduce_sum3A [1] : vector<256x1024xf32> to vector<256xf32>
    %broadcast_in_dim3A = vector.shape_cast %reduce_sum3A_13 : vector<256xf32> to vector<256x1xf32>
    %div3A = arith.constant 1.024000e+03 : f32
    %div3A_14 = vector.broadcast %div3A : f32 to vector<256x1xf32>
    %div3A_15 = arith.divf %broadcast_in_dim3A, %div3A_14 : vector<256x1xf32>
    %add3A_16 = arith.constant 9.99999997E-7 : f32
    %add3A_17 = vector.broadcast %add3A_16 : f32 to vector<256x1xf32>
    %add3A_18 = arith.addf %div3A_15, %add3A_17 : vector<256x1xf32>
    %rsqrt3A = math.rsqrt %add3A_18 : vector<256x1xf32>
    %mul3A_19 = vector.broadcast %rsqrt3A : vector<256x1xf32> to vector<256x1024xf32>
    %mul3A_20 = arith.mulf %add3A, %mul3A_19 : vector<256x1024xf32>
    %get3A_21 = arith.constant 0 : index
    %get3A_22 = arith.constant 0 : index
    %get3A_23 = vector.load %arg5[%get3A_21, %get3A_22] : memref<1x1024xf32, #tpu.memory_space<vmem>>, vector<1x1024xf32>
    %mul3A_24 = vector.broadcast %get3A_23 : vector<1x1024xf32> to vector<256x1024xf32>
    %mul3A_25 = arith.mulf %mul3A_20, %mul3A_24 : vector<256x1024xf32>
    %convert_element_type3A = arith.truncf %mul3A_25 : vector<256x1024xf32> to vector<256x1024xbf16>
    %get3A_26 = arith.constant 0 : index
    %get3A_27 = arith.constant 0 : index
    %get3A_28 = vector.load %arg6[%get3A_26, %get3A_27] : memref<2048x1024xbf16, #tpu.memory_space<vmem>>, vector<2048x1024xbf16>
    %dot_general3A_29 = arith.constant dense<0.000000e+00> : vector<256x2048xf32>
    %dot_general3A_30 = tpu.matmul %convert_element_type3A, %get3A_28, %dot_general3A_29 {dimension_numbers = #tpu.dot_dimension_numbers<[1], [1], [0], [0], [0, 0, 1, 0], [], []>, transpose_lhs_hint = false} : vector<256x1024xbf16>, vector<2048x1024xbf16>, vector<256x2048xf32> -> vector<256x2048xf32>
    %slice3A = vector.extract_strided_slice %dot_general3A_30 {offsets = [0, 0], sizes = [256, 1024], strides = [1, 1]} : vector<256x2048xf32> to vector<256x1024xf32>
    %slice3A_31 = vector.extract_strided_slice %dot_general3A_30 {offsets = [0, 1024], sizes = [256, 1024], strides = [1, 1]} : vector<256x2048xf32> to vector<256x1024xf32>
    %logistic3A = arith.negf %slice3A_31 : vector<256x1024xf32>
    %logistic3A_32 = math.exp %logistic3A : vector<256x1024xf32>
    %logistic3A_33 = arith.constant 1.000000e+00 : f32
    %logistic3A_34 = vector.broadcast %logistic3A_33 : f32 to vector<256x1024xf32>
    %logistic3A_35 = arith.addf %logistic3A_34, %logistic3A_32 : vector<256x1024xf32>
    %logistic3A_36 = arith.divf %logistic3A_34, %logistic3A_35 : vector<256x1024xf32>
    %mul3A_37 = arith.mulf %slice3A_31, %logistic3A_36 : vector<256x1024xf32>
    %mul3A_38 = arith.mulf %slice3A, %mul3A_37 : vector<256x1024xf32>
    %convert_element_type3A_39 = arith.truncf %mul3A_38 : vector<256x1024xf32> to vector<256x1024xbf16>
    %get3A_40 = arith.constant 0 : index
    %get3A_41 = arith.constant 0 : index
    %get3A_42 = vector.load %arg7[%get3A_40, %get3A_41] : memref<1024x1024xbf16, #tpu.memory_space<vmem>>, vector<1024x1024xbf16>
    %dot_general3A_43 = arith.constant dense<0.000000e+00> : vector<256x1024xf32>
    %dot_general3A_44 = tpu.matmul %convert_element_type3A_39, %get3A_42, %dot_general3A_43 {dimension_numbers = #tpu.dot_dimension_numbers<[1], [1], [0], [0], [0, 0, 1, 0], [], []>, transpose_lhs_hint = false} : vector<256x1024xbf16>, vector<1024x1024xbf16>, vector<256x1024xf32> -> vector<256x1024xf32>
    %add3A_45 = arith.addf %add3A, %dot_general3A_44 : vector<256x1024xf32>
    %get3A_46 = arith.constant 0 : index
    %get3A_47 = arith.constant 0 : index
    %get3A_48 = arith.constant 0 : index
    %get3A_49 = vector.load %arg8[%get3A_46, %get3A_47, %get3A_48] : memref<1x256x1xf32, #tpu.memory_space<vmem>>, vector<1x256x1xf32>
    %get3A_50 = vector.shape_cast %get3A_49 : vector<1x256x1xf32> to vector<256x1xf32>
    %mul3A_51 = vector.broadcast %get3A_50 : vector<256x1xf32> to vector<256x1024xf32>
    %mul3A_52 = arith.mulf %add3A_45, %mul3A_51 : vector<256x1024xf32>
    %swap3A = arith.constant 0 : index
    %swap3A_53 = arith.constant 0 : index
    %swap3A_54 = arith.constant 0 : index
    %swap3A_55 = vector.load %arg11[%swap3A, %swap3A_53, %swap3A_54] : memref<1x256x1024xf32, #tpu.memory_space<vmem>>, vector<1x256x1024xf32>
    %swap3A_56 = vector.shape_cast %swap3A_55 : vector<1x256x1024xf32> to vector<256x1024xf32>
    %swap3A_57 = vector.shape_cast %mul3A_52 : vector<256x1024xf32> to vector<1x256x1024xf32>
    tpu.vector_store %arg11[%swap3A, %swap3A_53, %swap3A_54], %swap3A_57 {strides = array<i32>} : memref<1x256x1024xf32, #tpu.memory_space<vmem>>, vector<1x256x1024xf32>,
    %mul3A_58 = arith.mulf %mul3A_52, %mul3A_52 : vector<256x1024xf32>
    %reduce_sum3A_59 = arith.constant dense<0.000000e+00> : vector<256xf32>
    %reduce_sum3A_60 = vector.multi_reduction <add>, %mul3A_58, %reduce_sum3A_59 [1] : vector<256x1024xf32> to vector<256xf32>
    %broadcast_in_dim3A_61 = vector.shape_cast %reduce_sum3A_60 : vector<256xf32> to vector<256x1xf32>
    %div3A_62 = arith.constant 1.024000e+03 : f32
    %div3A_63 = vector.broadcast %div3A_62 : f32 to vector<256x1xf32>
    %div3A_64 = arith.divf %broadcast_in_dim3A_61, %div3A_63 : vector<256x1xf32>
    %add3A_65 = arith.constant 9.99999997E-7 : f32
    %add3A_66 = vector.broadcast %add3A_65 : f32 to vector<256x1xf32>
    %add3A_67 = arith.addf %div3A_64, %add3A_66 : vector<256x1xf32>
    %rsqrt3A_68 = math.rsqrt %add3A_67 : vector<256x1xf32>
    %mul3A_69 = vector.broadcast %rsqrt3A_68 : vector<256x1xf32> to vector<256x1024xf32>
    %mul3A_70 = arith.mulf %mul3A_52, %mul3A_69 : vector<256x1024xf32>
    %get3A_71 = arith.constant 0 : index
    %get3A_72 = arith.constant 0 : index
    %get3A_73 = vector.load %arg9[%get3A_71, %get3A_72] : memref<1x1024xf32, #tpu.memory_space<vmem>>, vector<1x1024xf32>
    %mul3A_74 = vector.broadcast %get3A_73 : vector<1x1024xf32> to vector<256x1024xf32>
    %mul3A_75 = arith.mulf %mul3A_70, %mul3A_74 : vector<256x1024xf32>
    %convert_element_type3A_76 = arith.truncf %mul3A_75 : vector<256x1024xf32> to vector<256x1024xbf16>
    %get3A_77 = arith.constant 0 : index
    %get3A_78 = arith.constant 0 : index
    %get3A_79 = vector.load %arg10[%get3A_77, %get3A_78] : memref<1536x1024xbf16, #tpu.memory_space<vmem>>, vector<1536x1024xbf16>
    %dot_general3A_80 = arith.constant dense<0.000000e+00> : vector<256x1536xf32>
    %dot_general3A_81 = tpu.matmul %convert_element_type3A_76, %get3A_79, %dot_general3A_80 {dimension_numbers = #tpu.dot_dimension_numbers<[1], [1], [0], [0], [0, 0, 1, 0], [], []>, transpose_lhs_hint = false} : vector<256x1024xbf16>, vector<1536x1024xbf16>, vector<256x1536xf32> -> vector<256x1536xf32>
    %convert_element_type3A_82 = arith.truncf %dot_general3A_81 : vector<256x1536xf32> to vector<256x1536xbf16>
    %swap3A_83 = arith.constant 0 : index
    %swap3A_84 = arith.constant 0 : index
    %swap3A_85 = arith.constant 0 : index
    %swap3A_86 = vector.load %arg12[%swap3A_83, %swap3A_84, %swap3A_85] : memref<1x256x1536xbf16, #tpu.memory_space<vmem>>, vector<1x256x1536xbf16>
    %swap3A_87 = vector.shape_cast %swap3A_86 : vector<1x256x1536xbf16> to vector<256x1536xbf16>
    %swap3A_88 = vector.shape_cast %convert_element_type3A_82 : vector<256x1536xbf16> to vector<1x256x1536xbf16>
    tpu.vector_store %arg12[%swap3A_83, %swap3A_84, %swap3A_85], %swap3A_88 {strides = array<i32>} : memref<1x256x1536xbf16, #tpu.memory_space<vmem>>, vector<1x256x1536xbf16>,
    return
  }
  func.func @transform_0(%arg0: i32, %arg1: i32) -> (i32, i32, i32) {
    %c0_i32 = arith.constant 0 : i32
    %c0_i32_0 = arith.constant 0 : i32
    return %arg0, %arg1, %c0_i32 : i32, i32, i32
  }
  func.func @transform_1(%arg0: i32, %arg1: i32) -> (i32, i32, i32) {
    %c0_i32 = arith.constant 0 : i32
    %c0_i32_0 = arith.constant 0 : i32
    return %arg0, %arg1, %c0_i32 : i32, i32, i32
  }
  func.func @transform_2(%arg0: i32, %arg1: i32) -> (i32, i32) {
    %c0_i32 = arith.constant 0 : i32
    %c0_i32_0 = arith.constant 0 : i32
    %c0_i32_1 = arith.constant 0 : i32
    return %c0_i32, %c0_i32_0 : i32, i32
  }
  func.func @transform_3(%arg0: i32, %arg1: i32) -> (i32, i32) {
    %c0_i32 = arith.constant 0 : i32
    %c0_i32_0 = arith.constant 0 : i32
    %c0_i32_1 = arith.constant 0 : i32
    return %c0_i32, %c0_i32_0 : i32, i32
  }
  func.func @transform_4(%arg0: i32, %arg1: i32) -> (i32, i32) {
    %c0_i32 = arith.constant 0 : i32
    %c0_i32_0 = arith.constant 0 : i32
    %c0_i32_1 = arith.constant 0 : i32
    return %c0_i32, %c0_i32_0 : i32, i32
  }
  func.func @transform_5(%arg0: i32, %arg1: i32) -> (i32, i32) {
    %c0_i32 = arith.constant 0 : i32
    %c0_i32_0 = arith.constant 0 : i32
    %c0_i32_1 = arith.constant 0 : i32
    return %c0_i32, %c0_i32_0 : i32, i32
  }
  func.func @transform_6(%arg0: i32, %arg1: i32) -> (i32, i32, i32) {
    %c0_i32 = arith.constant 0 : i32
    %c0_i32_0 = arith.constant 0 : i32
    return %arg0, %arg1, %c0_i32 : i32, i32, i32
  }
  func.func @transform_7(%arg0: i32, %arg1: i32) -> (i32, i32) {
    %c0_i32 = arith.constant 0 : i32
    %c0_i32_0 = arith.constant 0 : i32
    %c0_i32_1 = arith.constant 0 : i32
    return %c0_i32, %c0_i32_0 : i32, i32
  }
  func.func @transform_8(%arg0: i32, %arg1: i32) -> (i32, i32) {
    %c0_i32 = arith.constant 0 : i32
    %c0_i32_0 = arith.constant 0 : i32
    %c0_i32_1 = arith.constant 0 : i32
    return %c0_i32, %c0_i32_0 : i32, i32
  }
  func.func @transform_9(%arg0: i32, %arg1: i32) -> (i32, i32, i32) {
    %c0_i32 = arith.constant 0 : i32
    %c0_i32_0 = arith.constant 0 : i32
    return %arg0, %arg1, %c0_i32 : i32, i32, i32
  }
  func.func @transform_10(%arg0: i32, %arg1: i32) -> (i32, i32, i32) {
    %c0_i32 = arith.constant 0 : i32
    %c0_i32_0 = arith.constant 0 : i32
    return %arg0, %arg1, %c0_i32 : i32, i32, i32
  }
}

module attributes {stable_mosaic.version = 14 : i64} {
  func.func @_blockend_body(%arg0: i32, %arg1: i32, %arg2: memref<1x256x1024xbf16, #tpu.memory_space<vmem>>, %arg3: memref<1x256x1024xf32, #tpu.memory_space<vmem>>, %arg4: memref<1024x1024xbf16, #tpu.memory_space<vmem>>, %arg5: memref<1x1024xf32, #tpu.memory_space<vmem>>, %arg6: memref<2048x1024xbf16, #tpu.memory_space<vmem>>, %arg7: memref<1024x1024xbf16, #tpu.memory_space<vmem>>, %arg8: memref<1x256x1xf32, #tpu.memory_space<vmem>>, %arg9: memref<1x256x1024xf32, #tpu.memory_space<vmem>>) attributes {dimension_semantics = [#tpu.dimension_semantics<arbitrary>, #tpu.dimension_semantics<arbitrary>], iteration_bounds = array<i64: 2, 4>, scalar_prefetch = 0 : i64, scratch_operands = 0 : i64, tpu.core_type = #tpu.core_type<tc>, window_params = [{transform_indices = @transform_0, window_bounds = array<i64: 1, 256, 1024>}, {transform_indices = @transform_1, window_bounds = array<i64: 1, 256, 1024>}, {pipeline_mode = #tpu.pipeline_mode<synchronous>, transform_indices = @transform_2, window_bounds = array<i64: 1024, 1024>}, {pipeline_mode = #tpu.pipeline_mode<synchronous>, transform_indices = @transform_3, window_bounds = array<i64: 1, 1024>}, {pipeline_mode = #tpu.pipeline_mode<synchronous>, transform_indices = @transform_4, window_bounds = array<i64: 2048, 1024>}, {pipeline_mode = #tpu.pipeline_mode<synchronous>, transform_indices = @transform_5, window_bounds = array<i64: 1024, 1024>}, {transform_indices = @transform_6, window_bounds = array<i64: 1, 256, 1>}, {transform_indices = @transform_7, window_bounds = array<i64: 1, 256, 1024>}]} {
    %get3A = arith.constant 0 : index
    %get3A_0 = arith.constant 0 : index
    %get3A_1 = arith.constant 0 : index
    %get3A_2 = vector.load %arg3[%get3A, %get3A_0, %get3A_1] : memref<1x256x1024xf32, #tpu.memory_space<vmem>>, vector<1x256x1024xf32>
    %get3A_3 = vector.shape_cast %get3A_2 : vector<1x256x1024xf32> to vector<256x1024xf32>
    %get3A_4 = arith.constant 0 : index
    %get3A_5 = arith.constant 0 : index
    %get3A_6 = arith.constant 0 : index
    %get3A_7 = vector.load %arg2[%get3A_4, %get3A_5, %get3A_6] : memref<1x256x1024xbf16, #tpu.memory_space<vmem>>, vector<1x256x1024xbf16>
    %get3A_8 = vector.shape_cast %get3A_7 : vector<1x256x1024xbf16> to vector<256x1024xbf16>
    %get3A_9 = arith.constant 0 : index
    %get3A_10 = arith.constant 0 : index
    %get3A_11 = vector.load %arg4[%get3A_9, %get3A_10] : memref<1024x1024xbf16, #tpu.memory_space<vmem>>, vector<1024x1024xbf16>
    %dot_general3A = arith.constant dense<0.000000e+00> : vector<256x1024xf32>
    %dot_general3A_12 = tpu.matmul %get3A_8, %get3A_11, %dot_general3A {dimension_numbers = #tpu.dot_dimension_numbers<[1], [1], [0], [0], [0, 0, 1, 0], [], []>, transpose_lhs_hint = false} : vector<256x1024xbf16>, vector<1024x1024xbf16>, vector<256x1024xf32> -> vector<256x1024xf32>
    %add3A = arith.addf %get3A_3, %dot_general3A_12 : vector<256x1024xf32>
    %mul3A = arith.mulf %add3A, %add3A : vector<256x1024xf32>
    %reduce_sum3A = arith.constant dense<0.000000e+00> : vector<256xf32>
    %reduce_sum3A_13 = vector.multi_reduction <add>, %mul3A, %reduce_sum3A [1] : vector<256x1024xf32> to vector<256xf32>
    %broadcast_in_dim3A = vector.shape_cast %reduce_sum3A_13 : vector<256xf32> to vector<256x1xf32>
    %div3A = arith.constant 1.024000e+03 : f32
    %div3A_14 = vector.broadcast %div3A : f32 to vector<256x1xf32>
    %div3A_15 = arith.divf %broadcast_in_dim3A, %div3A_14 : vector<256x1xf32>
    %add3A_16 = arith.constant 9.99999997E-7 : f32
    %add3A_17 = vector.broadcast %add3A_16 : f32 to vector<256x1xf32>
    %add3A_18 = arith.addf %div3A_15, %add3A_17 : vector<256x1xf32>
    %rsqrt3A = math.rsqrt %add3A_18 : vector<256x1xf32>
    %mul3A_19 = vector.broadcast %rsqrt3A : vector<256x1xf32> to vector<256x1024xf32>
    %mul3A_20 = arith.mulf %add3A, %mul3A_19 : vector<256x1024xf32>
    %get3A_21 = arith.constant 0 : index
    %get3A_22 = arith.constant 0 : index
    %get3A_23 = vector.load %arg5[%get3A_21, %get3A_22] : memref<1x1024xf32, #tpu.memory_space<vmem>>, vector<1x1024xf32>
    %mul3A_24 = vector.broadcast %get3A_23 : vector<1x1024xf32> to vector<256x1024xf32>
    %mul3A_25 = arith.mulf %mul3A_20, %mul3A_24 : vector<256x1024xf32>
    %convert_element_type3A = arith.truncf %mul3A_25 : vector<256x1024xf32> to vector<256x1024xbf16>
    %get3A_26 = arith.constant 0 : index
    %get3A_27 = arith.constant 0 : index
    %get3A_28 = vector.load %arg6[%get3A_26, %get3A_27] : memref<2048x1024xbf16, #tpu.memory_space<vmem>>, vector<2048x1024xbf16>
    %dot_general3A_29 = arith.constant dense<0.000000e+00> : vector<256x2048xf32>
    %dot_general3A_30 = tpu.matmul %convert_element_type3A, %get3A_28, %dot_general3A_29 {dimension_numbers = #tpu.dot_dimension_numbers<[1], [1], [0], [0], [0, 0, 1, 0], [], []>, transpose_lhs_hint = false} : vector<256x1024xbf16>, vector<2048x1024xbf16>, vector<256x2048xf32> -> vector<256x2048xf32>
    %slice3A = vector.extract_strided_slice %dot_general3A_30 {offsets = [0, 0], sizes = [256, 1024], strides = [1, 1]} : vector<256x2048xf32> to vector<256x1024xf32>
    %slice3A_31 = vector.extract_strided_slice %dot_general3A_30 {offsets = [0, 1024], sizes = [256, 1024], strides = [1, 1]} : vector<256x2048xf32> to vector<256x1024xf32>
    %logistic3A = arith.negf %slice3A_31 : vector<256x1024xf32>
    %logistic3A_32 = math.exp %logistic3A : vector<256x1024xf32>
    %logistic3A_33 = arith.constant 1.000000e+00 : f32
    %logistic3A_34 = vector.broadcast %logistic3A_33 : f32 to vector<256x1024xf32>
    %logistic3A_35 = arith.addf %logistic3A_34, %logistic3A_32 : vector<256x1024xf32>
    %logistic3A_36 = arith.divf %logistic3A_34, %logistic3A_35 : vector<256x1024xf32>
    %mul3A_37 = arith.mulf %slice3A_31, %logistic3A_36 : vector<256x1024xf32>
    %mul3A_38 = arith.mulf %slice3A, %mul3A_37 : vector<256x1024xf32>
    %convert_element_type3A_39 = arith.truncf %mul3A_38 : vector<256x1024xf32> to vector<256x1024xbf16>
    %get3A_40 = arith.constant 0 : index
    %get3A_41 = arith.constant 0 : index
    %get3A_42 = vector.load %arg7[%get3A_40, %get3A_41] : memref<1024x1024xbf16, #tpu.memory_space<vmem>>, vector<1024x1024xbf16>
    %dot_general3A_43 = arith.constant dense<0.000000e+00> : vector<256x1024xf32>
    %dot_general3A_44 = tpu.matmul %convert_element_type3A_39, %get3A_42, %dot_general3A_43 {dimension_numbers = #tpu.dot_dimension_numbers<[1], [1], [0], [0], [0, 0, 1, 0], [], []>, transpose_lhs_hint = false} : vector<256x1024xbf16>, vector<1024x1024xbf16>, vector<256x1024xf32> -> vector<256x1024xf32>
    %add3A_45 = arith.addf %add3A, %dot_general3A_44 : vector<256x1024xf32>
    %get3A_46 = arith.constant 0 : index
    %get3A_47 = arith.constant 0 : index
    %get3A_48 = arith.constant 0 : index
    %get3A_49 = vector.load %arg8[%get3A_46, %get3A_47, %get3A_48] : memref<1x256x1xf32, #tpu.memory_space<vmem>>, vector<1x256x1xf32>
    %get3A_50 = vector.shape_cast %get3A_49 : vector<1x256x1xf32> to vector<256x1xf32>
    %mul3A_51 = vector.broadcast %get3A_50 : vector<256x1xf32> to vector<256x1024xf32>
    %mul3A_52 = arith.mulf %add3A_45, %mul3A_51 : vector<256x1024xf32>
    %swap3A = arith.constant 0 : index
    %swap3A_53 = arith.constant 0 : index
    %swap3A_54 = arith.constant 0 : index
    %swap3A_55 = vector.load %arg9[%swap3A, %swap3A_53, %swap3A_54] : memref<1x256x1024xf32, #tpu.memory_space<vmem>>, vector<1x256x1024xf32>
    %swap3A_56 = vector.shape_cast %swap3A_55 : vector<1x256x1024xf32> to vector<256x1024xf32>
    %swap3A_57 = vector.shape_cast %mul3A_52 : vector<256x1024xf32> to vector<1x256x1024xf32>
    tpu.vector_store %arg9[%swap3A, %swap3A_53, %swap3A_54], %swap3A_57 {strides = array<i32>} : memref<1x256x1024xf32, #tpu.memory_space<vmem>>, vector<1x256x1024xf32>,
    return
  }
  func.func @transform_0(%arg0: i32, %arg1: i32) -> (i32, i32, i32) {
    %c0_i32 = arith.constant 0 : i32
    %c0_i32_0 = arith.constant 0 : i32
    return %arg0, %arg1, %c0_i32 : i32, i32, i32
  }
  func.func @transform_1(%arg0: i32, %arg1: i32) -> (i32, i32, i32) {
    %c0_i32 = arith.constant 0 : i32
    %c0_i32_0 = arith.constant 0 : i32
    return %arg0, %arg1, %c0_i32 : i32, i32, i32
  }
  func.func @transform_2(%arg0: i32, %arg1: i32) -> (i32, i32) {
    %c0_i32 = arith.constant 0 : i32
    %c0_i32_0 = arith.constant 0 : i32
    %c0_i32_1 = arith.constant 0 : i32
    return %c0_i32, %c0_i32_0 : i32, i32
  }
  func.func @transform_3(%arg0: i32, %arg1: i32) -> (i32, i32) {
    %c0_i32 = arith.constant 0 : i32
    %c0_i32_0 = arith.constant 0 : i32
    %c0_i32_1 = arith.constant 0 : i32
    return %c0_i32, %c0_i32_0 : i32, i32
  }
  func.func @transform_4(%arg0: i32, %arg1: i32) -> (i32, i32) {
    %c0_i32 = arith.constant 0 : i32
    %c0_i32_0 = arith.constant 0 : i32
    %c0_i32_1 = arith.constant 0 : i32
    return %c0_i32, %c0_i32_0 : i32, i32
  }
  func.func @transform_5(%arg0: i32, %arg1: i32) -> (i32, i32) {
    %c0_i32 = arith.constant 0 : i32
    %c0_i32_0 = arith.constant 0 : i32
    %c0_i32_1 = arith.constant 0 : i32
    return %c0_i32, %c0_i32_0 : i32, i32
  }
  func.func @transform_6(%arg0: i32, %arg1: i32) -> (i32, i32, i32) {
    %c0_i32 = arith.constant 0 : i32
    %c0_i32_0 = arith.constant 0 : i32
    return %arg0, %arg1, %c0_i32 : i32, i32, i32
  }
  func.func @transform_7(%arg0: i32, %arg1: i32) -> (i32, i32, i32) {
    %c0_i32 = arith.constant 0 : i32
    %c0_i32_0 = arith.constant 0 : i32
    return %arg0, %arg1, %c0_i32 : i32, i32, i32
  }
}

</mosaic_0001>

<sc_bundles>
// kernel: kernel.10.cloned.1.call-start
scs
__scs_entry_jumppad:
0x0: {  	(pc) =	sbr.rel $0x88, $3  }
0x1: {  	(tag) =	ssettag $0x0;
	lr =	simm.s32 $0x1  }
0x2: {  	[smem:$0x3F99] =	sst lr;
	_ =	strace $0xD0000000  }
0x3: {  	_ = 	snop  }
0x4: {  	_ = 	snop  }
0x5: {  	_ = 	snop  }
0x6: {  	_ = 	snop  }
0x7: {  	_ = 	snop  }
__scs_overlays_trampoline_lowered:
0x8: {  	[smem:$0x3FA8] =	sst s0  }
0x9: {  	[smem:$0x3FA9] =	sst s1  }
0xa: {  	[smem:$0x3FAA] =	sst s2  }
0xb: {  	[smem:$0x3FAB] =	sst s3  }
0xc: {  	[smem:$0x3FAC] =	sst s4  }
0xd: {  	[smem:$0x3FAD] =	sst s5  }
0xe: {  	[smem:$0x3FAE] =	sst s6  }
0xf: {  	[smem:$0x3FAF] =	sst s7  }
0x10: {  	[smem:$0x3FB0] =	sst s8  }
0x11: {  	[smem:$0x3FB1] =	sst s9;
	s0 =	simm.s32 @!p0 $0x0  }
0x12: {  	s1 =	sld [smem:$0x3F97];
	s0 =	simm.s32 @p0 $0x1  }
0x13: {  	[smem:$0x3FB2] =	sst s0;
	s0 =	simm.s32 @!p1 $0x0  }
0x14: {  	s2 =	sld [smem:$0x3F96];
	s0 =	simm.s32 @p1 $0x1  }
0x15: {  	[smem:$0x3FB3] =	sst s0;
	s0 =	simm.s32 @!p2 $0x0  }
0x16: {  	s3 =	sld [smem:$0x3FDB];
	s0 =	simm.s32 @p2 $0x1  }
0x17: {  	s4 =	simm.s32 $0x1BF5;
	[smem:$0x3FB5] =	sst s0  }
0x18: {  	s0 =	sld [smem:$0x3F98];
	_ =	swait.ge [sflag:s4], $0x0  }
0x19: {  	s7 =	sld [smem:$0x3F99]  }
0x1a: {  	s8 =	sadd.s32 $0xFFFFE003, lr  }
0x1b: {  	s9 =	sadd.s32 $0xFFFFFEF7, lr;
	s5 =	simm.s32 $0xFFFFFFFF;
	p2 =	slt.u32 s8, $0xFFFFF086  }
0x1c: {  	p1 =	slt.u32 s9, $0xF7A;
	s5 =	simm.s32 @!p2 $0x0  }
0x1d: {  	s5 =	simm.s32 @p1 $0x1;
	p0 =	seq.s32 s7, s2  }
0x1e: {  	s7 =	smul.u32 @!p0 $0xF7A, s2;
	p2 =	seq.s32 @!p0 s5, $0x0  }
0x1f: {  	s9 =	smul.u32 $0xF7A, s1;
	s8 =	simm.s32 @!p0 $0x1BF5;
	p2 =	por !p2, p0  }
0x20: {  	[sflag:s8] =	ssyncset.s32 @!p0 $0xFFFFF086;
	s6 =	sadd.s32 @!p0 s3, s7;
	s7 =	simm.s32 @!p0 $0x108  }
0x21: {  	s3 =	sadd.s32 s3, s9;
	s6 =	sadd.s32 @!p0 $0x88, s6;
	s7 =	simm.s32 @p2 $0x1082  }
0x22: {  	[simem:s7], [sflag:s8] =	dma.local @!p0 [hbm:s6], $0xF7A  }
0x23: {  	s9 =	sor.u32 $0xD0000000, s2;
	s6 =	simm.s32 $0x108;
	_ =	swait.ge @!p0 [sflag:s8], $0x0  }
0x24: {  	s3 =	sadd.s32 $0x88, s3;
	s6 =	simm.s32 @!p1 $0x1082;
	[sflag:s4] =	ssyncset.s32 $0xFFFFF086  }
0x25: {  	[simem:s6], [sflag:s4] =	dma.local [hbm:s3], $0xF7A  }
0x26: {  	[smem:$0x3F99] =	sst s1;
	(tag) =	ssettag s2;
	_ =	strace s9  }
0x27: {  	s1 =	sld [smem:$0x3FA9]  }
0x28: {  	s2 =	sld [smem:$0x3FAA]  }
0x29: {  	s4 =	sld [smem:$0x3FAC]  }
0x2a: {  	p0 =	seq.s32 s5, $0x0;
	s5 =	sld [smem:$0x3FAD]  }
0x2b: {  	s6 =	sld [smem:$0x3FAE]  }
0x2c: {  	s7 =	sld [smem:$0x3FAF]  }
0x2d: {  	s3 =	simm.s32 $0x108;
	s8 =	sld [smem:$0x3FB0]  }
0x2e: {  	s3 =	simm.s32 @!p0 $0x1082;
	s9 =	sld [smem:$0x3FB1]  }
0x2f: {  	lr =	sadd.s32 s0, s3;
	s0 =	sld [smem:$0x3FA8]  }
0x30: {  	s3 =	sld [smem:$0x3FAB]  }
0x31: {  	[smem:$0x3FB4] =	sst s10  }
0x32: {  	s10 =	sld [smem:$0x3FB2];
	_ =	sdelay $0x3  }
0x33: {  	p0 =	seq.s32 s10, $0x1;
	s10 =	sld [smem:$0x3FB4];
	_ =	sdelay $0x3  }
0x34: {  	[smem:$0x3FB4] =	sst s10  }
0x35: {  	s10 =	sld [smem:$0x3FB3];
	_ =	sdelay $0x3  }
0x36: {  	p1 =	seq.s32 s10, $0x1;
	s10 =	sld [smem:$0x3FB4];
	_ =	sdelay $0x3  }
0x37: {  	[smem:$0x3FB4] =	sst s10  }
0x38: {  	s10 =	sld [smem:$0x3FB5]  }
0x39: {  	_ = 	snop;
	(pc) =	sbr.ind lr, $3  }
0x3a: {  	_ = 	snop  }
0x3b: {  	_ = 	snop  }
0x3c: {  	p2 =	seq.s32 s10, $0x1;
	s10 =	sld [smem:$0x3FB4]  }
0x3d: {  	_ =	shalt  }
0x3e: {  	_ =	shalt  }
0x3f: {  	_ =	shalt  }
0x40: {  	_ =	shalt  }
0x41: {  	_ =	shalt  }
0x42: {  	_ =	shalt  }
0x43: {  	_ =	shalt  }
0x44: {  	_ =	shalt  }
0x45: {  	_ =	shalt  }
0x46: {  	_ =	shalt  }
0x47: {  	_ =	shalt  }
0x48: {  	_ =	shalt  }
0x49: {  	_ =	shalt  }
0x4a: {  	_ =	shalt  }
0x4b: {  	_ =	shalt  }
0x4c: {  	_ =	shalt  }
0x4d: {  	_ =	shalt  }
0x4e: {  	_ =	shalt  }
0x4f: {  	_ =	shalt  }
0x50: {  	_ =	shalt  }
0x51: {  	_ =	shalt  }
0x52: {  	_ =	shalt  }
0x53: {  	_ =	shalt  }
0x54: {  	_ =	shalt  }
0x55: {  	_ =	shalt  }
0x56: {  	_ =	shalt  }
0x57: {  	_ =	shalt  }
0x58: {  	_ =	shalt  }
0x59: {  	_ =	shalt  }
0x5a: {  	_ =	shalt  }
0x5b: {  	_ =	shalt  }
0x5c: {  	_ =	shalt  }
0x5d: {  	_ =	shalt  }
0x5e: {  	_ =	shalt  }
0x5f: {  	_ =	shalt  }
0x60: {  	_ =	shalt  }
0x61: {  	_ =	shalt  }
0x62: {  	_ =	shalt  }
0x63: {  	_ =	shalt  }
0x64: {  	_ =	shalt  }
0x65: {  	_ =	shalt  }
0x66: {  	_ =	shalt  }
0x67: {  	_ =	shalt  }
0x68: {  	_ =	shalt  }
0x69: {  	_ =	shalt  }
0x6a: {  	_ =	shalt  }
0x6b: {  	_ =	shalt  }
0x6c: {  	_ =	shalt  }
0x6d: {  	_ =	shalt  }
0x6e: {  	_ =	shalt  }
0x6f: {  	_ =	shalt  }
0x70: {  	_ =	shalt  }
0x71: {  	_ =	shalt  }
0x72: {  	_ =	shalt  }
0x73: {  	_ =	shalt  }
0x74: {  	_ =	shalt  }
0x75: {  	_ =	shalt  }
0x76: {  	_ =	shalt  }
0x77: {  	_ =	shalt  }
0x78: {  	_ =	shalt  }
0x79: {  	_ =	shalt  }
0x7a: {  	_ =	shalt  }
0x7b: {  	_ =	shalt  }
0x7c: {  	_ =	shalt  }
0x7d: {  	_ =	shalt  }
0x7e: {  	_ =	shalt  }
0x7f: {  	_ =	shalt  }
0x80: {  	_ =	shalt  }
0x81: {  	_ =	shalt  }
0x82: {  	_ =	shalt  }
0x83: {  	_ =	shalt  }
0x84: {  	_ =	shalt  }
0x85: {  	_ =	shalt  }
0x86: {  	_ =	shalt  }
0x87: {  	_ =	shalt  }
.Lfunc_end0:
.L_simem_size_0:
called_computation_lowered:
.L_overlay_start_0:
0x88: {  	s2 =	sld [smem:$0x3FD9]  }
0x89: {  	s3 =	sld [smem:$0x3FFE];
	_ =	sdelay $0x1  }
0x8a: {  	s1 =	srdreg.scid  }
0x8b: {  	s0 =	sand.u32 $0x1, s1  }
0x8c: {  	s14 =	sshll.u32 s0, $0xA;
	s2 =	sadd.s32 s3, s2  }
0x8d: {  	s2 =	sadd.s32 s2, s14  }
0x8e: {  	[smem:$0x3FC0] =	sst s2  }
0x8f: {  	_ = 	snop  }
0x90: {  	s2 =	sld [smem:$0x3FD0];
	_ =	sdelay $0x2  }
0x91: {  	s4 =	simm.s32 $0xA;
	s5 =	simm.s32 $0x10;
	s15 =	sld [smem:$0x3FC9]  }
0x92: {  	[smem:s5], [sflag:s4] =	dma.local [hbm:s2], $0x1  }
0x93: {  	_ =	swait.eq [sflag:s4], $0x1  }
0x94: {  	[sflag:s4] =	ssyncset.done $0x0  }
0x95: {  	[sflag:s4] =	ssyncadd.s32 $0xFFFFFFFF  }
0x96: {  	s16 =	sld [smem:$0x12];
	(tm) =	ssettm $0x1  }
0x97: {  	s17 =	sld [smem:$0x3FFB];
	_ =	sdelay $0x3  }
0x98: {  	_ =	strace s17  }
0x99: {  	s4 =	sld [smem:$0x3FFC];
	_ =	sdelay $0x3  }
0x9a: {  	_ =	strace s4  }
0x9b: {  	s4 =	sld [smem:$0x3FFD];
	_ =	sdelay $0x3  }
0x9c: {  	_ =	strace s4  }
0x9d: {  	_ =	strace $0x8FFFFFFF  }
0x9e: {  	s18 =	sld [smem:$0x3FDB];
	_ =	sdelay $0x1  }
0x9f: {  	s19 =	simm.s32 $_scs_section_size  }
0xa0: {  	s6 =	simm.s32 $_size__tile_overlayer_lowered;
	s7 =	simm.s32 $_tile_overlayer_lowered  }
0xa1: {  	s22 =	simm.s32 $0x1BFF;
	s21 =	sshll.u32 s7, $0x1;
	s4 =	sadd.s32 s19, s18  }
0xa2: {  	s8 =	simm.s32 $0x0;
	s20 =	sshll.u32 s6, $0x1;
	s6 =	sadd.s32 s21, s4  }
0xa3: {  	[timem:s8], [sflag:s22] =	dma.local [hbm:s6], s20  }
0xa4: {  	_ =	swait.ge [sflag:s22], s20  }
0xa5: {  	s5 =	ssub.s32 $0x0, s20;
	[sflag:s22] =	ssyncset.done $0x0  }
0xa6: {  	[sflag:s22] =	ssyncadd.s32 s5;
	_ =	sdelay $0x1  }
0xa7: {  	s23 =	simm.s32 $0x1B8B  }
0xa8: {  	_ =	swait.ge [sflag:s23], $0x1  }
0xa9: {  	[sflag:s23] =	ssyncset.done $0x0  }
0xaa: {  	s25 =	simm.s32 $0x1B8E;
	s24 =	sld [smem:$0x3FFE];
	[sflag:s23] =	ssyncadd.s32 $0xFFFFFFFF  }
0xab: {  	s26 =	simm.s32 $execute0_lowered;
	[smem:$0x3FD2] =	sst s25  }
0xac: {  	s6 =	sshll.u32 s26, $0x1;
	_ =	strace $0x80000046;
	[dreg:$0x1] =	wrdreg $0xFFFFFFFF  }
0xad: {  	s28 =	simm.s32 $_size_execute0_lowered;
	s4 =	sadd.s32 s4, s6;
	[dreg:$0x0] =	wrdreg $0x0  }
0xae: {  	s6 =	sshll.u32 s28, $0x1;
	[dreg:$0x2] =	wrdreg s4  }
0xaf: {  	[dreg:$0x3] =	wrdreg s6  }
0xb0: {  	[dreg:$0x4] =	wrdreg $0xC0  }
0xb1: {  	_ =	task [dreg:s8], $0x5FFFF  }
0xb2: {  	[dreg:$0x1] =	wrdreg $0xFFFFFFFF  }
0xb3: {  	[dreg:$0x0] =	wrdreg $0x60  }
0xb4: {  	[dreg:$0x2] =	wrdreg s15  }
0xb5: {  	[dreg:$0x3] =	wrdreg s16  }
0xb6: {  	[dreg:$0x4] =	wrdreg s24  }
0xb7: {  	[dreg:$0x5] =	wrdreg $0x9  }
0xb8: {  	_ =	task.clear_ibuf [dreg:s8], $0x6FFFF;
	_ =	strace $0x90000046  }
0xb9: {  	s29 =	simm.s32 $0x9;
	_ =	strace $0x80000048  }
0xba: {  	_ =	swait.ge [sflag:s29], $0x1  }
0xbb: {  	[sflag:s29] =	ssyncadd.s32 $0xFFFFFFFF  }
0xbc: {  	_ =	strace $0x90000048  }
0xbd: {  	_ =	sfence  }
0xbe: {  	s30 =	sld [smem:$0x0];
	_ =	sdelay $0x2  }
0xbf: {  	s31 =	sshll.u32 s1, $0xD;
	s1 =	sshrl.u32 s1, $0x2  }
0xc0: {  	s3 =	sand.u32 $0x4000, s31;
	s1 =	sadd.s32 s1, s30  }
0xc1: {  	s0 =	sor.u32 s3, s0;
	s1 =	sshll.u32 s1, $0x11  }
0xc2: {  	s0 =	sor.u32 s1, s0  }
0xc3: {  	s0 =	sadd.s32 $0x8F2B, s0  }
0xc4: {  	[sflag:s0] =	ssyncadd.remote.s32 $0x1  }
0xc5: {  	_ =	sfence.sel $0xFFFF  }
0xc6: {  	[dreg:$0x0] =	wrdreg $0xFFFFFFFF;
	(pc) =	sbr.abs _section_cstart, $3  }
0xc7: {  	[dreg:$0x1] =	wrdreg $0xFFFFFFFF  }
0xc8: {  	_ =	task.clear_ibuf [dreg:s8], $0x2FFFF;
	_ =	strace $0x9FFFFFFF  }
0xc9: {  	(tm) =	ssettm $0x7FFFFFFF  }
tec
execute0_lowered:
.L_overlay_start_1:
0x0: {  	(tag) =	ssettag $0x1  }
0x1: {  	s1 =	rddreg [dreg:$0x0]  }
0x2: {  	s2 =	srdreg.scid;
	s4 =	rddreg [dreg:$0x1]  }
0x3: {  	s0 =	stileid.u32;
	s5 =	rddreg [dreg:$0x2];
	s3 =	simm.s32 $0x0  }
0x4: {  	s17 =	simm.s32 $0x880;
	s18 =	simm.s32 $0x1080;
	s19 =	simm.s32 $0x1880  }
0x5: {  	s21 =	simm.s32 $0x2080;
	s22 =	simm.s32 $0x2880;
	s23 =	simm.s32 $0x3080  }
0x6: {  	s24 =	simm.s32 $0x3880;
	s8 =	simm.s32 $0x4080;
	[smem:$0x7FF] =	sst s3  }
0x7: {  	s25 =	simm.s32 $0x4880;
	_ =	strace $0x80000047;
	[dreg:$0x6] =	wrdreg s17  }
0x8: {  	s26 =	simm.s32 $0x5080;
	s9 =	simm.s32 $0x80;
	[dreg:$0x7] =	wrdreg s18  }
0x9: {  	s11 =	simm.s32 $0x6080;
	s12 =	simm.s32 $0x6880;
	[dreg:$0x8] =	wrdreg s19  }
0xa: {  	s13 =	simm.s32 $0x7080;
	s14 =	simm.s32 $0x7880;
	[dreg:$0x9] =	wrdreg s21  }
0xb: {  	s15 =	simm.s32 $0x8080;
	s28 =	simm.s32 $0xE080;
	[dreg:$0xa] =	wrdreg s22  }
0xc: {  	s29 =	simm.s32 $0xE880;
	s30 =	simm.s32 $0xF080;
	[dreg:$0xb] =	wrdreg s23  }
0xd: {  	s31 =	simm.s32 $0xF880;
	s2 =	sand.u32 $0x1, s2;
	[dreg:$0xc] =	wrdreg s24  }
0xe: {  	s6 =	sshll.u32 s0, $0x7;
	s7 =	sshll.u32 s2, $0x6;
	[dreg:$0xd] =	wrdreg s8  }
0xf: {  	s2 =	ssub.s32 $0x2, s2;
	s8 =	simm.s32 $0x2;
	[dreg:$0xe] =	wrdreg s25  }
0x10: {  	[dreg:$0xf] =	wrdreg s26;
	s17 =	simm.s32 $0x9080;
	s18 =	simm.s32 $0x9880  }
0x11: {  	s19 =	simm.s32 $0xA080;
	s21 =	simm.s32 $0xB080;
	s22 =	simm.s32 $0xB880  }
0x12: {  	s23 =	simm.s32 $0xC080;
	s24 =	simm.s32 $0xC880;
	s25 =	simm.s32 $0xD080  }
0x13: {  	s26 =	simm.s32 $0xD880;
	s6 =	sor.u32 s7, s6;
	s20 =	sshrl.u32 s2, $0x1  }
0x14: {  	s7 =	sshll.u32 s6, $0x7;
	s6 =	sshrl.u32 s6, $0x3;
	s2 =	ssub.s32 s2, s20  }
0x15: {  	s20 =	simm.s32 $0xA880;
	s5 =	sadd.s32 s7, s5;
	s4 =	sadd.s32 s4, s6  }
0x16: {  	v2 =	vlaneseq.u32;
	s6 =	sadd.s32 $0x300, s1;
	s7 =	smax.u32 s2, $0x1;
	s2 =	simm.s32 $0x1  }
0x17: {  	vm0 =	vmmov $0xffff;
	v1 =	vshrl.u32 v2, $0x3;
	[dreg:$0x4] =	wrdreg s4;
	s16 =	sadd.s32 $0x26000, s5;
	s4 =	sadd.s32 $0x100, s1  }
0x18: {  	v0 =	vand.u32 $0x7, v2;
	v2 =	vor.u32 $0x8, v2;
	v1 =	vmul.u32 $0x8, v1;
	s5 =	sadd.s32 $0x200, s1;
	[dreg:$0x5] =	wrdreg s16;
	s16 =	simm.s32 $0x8880  }
.LBB2_1:
0x19: {  	s0 =	rddreg [dreg:$0x4]  }
0x1a: {  	[tilespmem:s3], [sflag:$0x2] =	stream.linear.gather [hbm4b:s0+s3], $0x40, $0x38;
	[tilespmem:$0x10080] =	vst v63  }
0x1b: {  	_ =	swait.ge [sflag:s8], $0x40  }
0x1c: {  	[sflag:s8] =	ssyncset.done $0x0  }
0x1d: {  	[sflag:s8] =	ssyncadd.s32 $0xFFFFFFC0  }
0x1e: {  	v3 =	vld [tilespmem:$0x0];
	_ =	sdelay $0x4  }
0x1f: {  	v4 =	vshll.u32 v3, $0x3  }
0x20: {  	v3 =	vand.u32 $0x7, v3;
	v4 =	vand.u32 $0xFFFFFFC0, v4  }
0x21: {  	v3 =	vor.u32 v3, v4  }
0x22: {  	v4 =	vperm.xlane v3, v0;
	_ =	sdelay $0x1  }
0x23: {  	v4 =	vadd.s32 v1, v4;
	_ =	sdelay $0x4  }
0x24: {  	[tilespmem:s9], [sflag:$0x1] =	stream.indirect_vreg.gather [hbm4b:s1+s3], $0x80, v4, vm0, $0xb8;
	[tilespmem:$0x10080] =	vst v63  }
0x25: {  	s0 =	rddreg [dreg:$0x6];
	v3 =	vperm.xlane v3, v2  }
0x26: {  	[tilespmem:s0], [sflag:$0x1] =	stream.indirect_vreg.gather [hbm4b:s4+s3], $0x80, v4, vm0, $0xb8;
	[tilespmem:$0x10080] =	vst v63  }
0x27: {  	s10 =	rddreg [dreg:$0x7];
	v3 =	vadd.s32 v1, v3  }
0x28: {  	[tilespmem:s10], [sflag:$0x1] =	stream.indirect_vreg.gather [hbm4b:s5+s3], $0x80, v4, vm0, $0xb8;
	[tilespmem:$0x10080] =	vst v63  }
0x29: {  	s0 =	rddreg [dreg:$0x8]  }
0x2a: {  	[tilespmem:s0], [sflag:$0x1] =	stream.indirect_vreg.gather [hbm4b:s6+s3], $0x80, v4, vm0, $0xb8;
	[tilespmem:$0x10080] =	vst v63  }
0x2b: {  	s10 =	rddreg [dreg:$0x9]  }
0x2c: {  	[tilespmem:s10], [sflag:$0x1] =	stream.indirect_vreg.gather [hbm4b:s1+s3], $0x80, v3, vm0, $0xb8;
	[tilespmem:$0x10080] =	vst v63  }
0x2d: {  	s0 =	rddreg [dreg:$0xa]  }
0x2e: {  	[tilespmem:s0], [sflag:$0x1] =	stream.indirect_vreg.gather [hbm4b:s4+s3], $0x80, v3, vm0, $0xb8;
	[tilespmem:$0x10080] =	vst v63  }
0x2f: {  	s10 =	rddreg [dreg:$0xb]  }
0x30: {  	[tilespmem:s10], [sflag:$0x1] =	stream.indirect_vreg.gather [hbm4b:s5+s3], $0x80, v3, vm0, $0xb8;
	[tilespmem:$0x10080] =	vst v63  }
0x31: {  	s0 =	rddreg [dreg:$0xc]  }
0x32: {  	[tilespmem:s0], [sflag:$0x1] =	stream.indirect_vreg.gather [hbm4b:s6+s3], $0x80, v3, vm0, $0xb8;
	[tilespmem:$0x10080] =	vst v63  }
0x33: {  	v3 =	vld [tilespmem:$0x10];
	_ =	sdelay $0x4  }
0x34: {  	v61 =	vshll.u32 v3, $0x3  }
0x35: {  	v3 =	vand.u32 $0x7, v3;
	v4 =	vand.u32 $0xFFFFFFC0, v61  }
0x36: {  	v3 =	vor.u32 v3, v4  }
0x37: {  	v4 =	vperm.xlane v3, v0;
	_ =	sdelay $0x1  }
0x38: {  	v4 =	vadd.s32 v1, v4;
	_ =	sdelay $0x3  }
0x39: {  	s0 =	rddreg [dreg:$0xd]  }
0x3a: {  	[tilespmem:s0], [sflag:$0x1] =	stream.indirect_vreg.gather [hbm4b:s1+s3], $0x80, v4, vm0, $0xb8;
	[tilespmem:$0x10080] =	vst v63  }
0x3b: {  	s10 =	rddreg [dreg:$0xe];
	v3 =	vperm.xlane v3, v2  }
0x3c: {  	[tilespmem:s10], [sflag:$0x1] =	stream.indirect_vreg.gather [hbm4b:s4+s3], $0x80, v4, vm0, $0xb8;
	[tilespmem:$0x10080] =	vst v63  }
0x3d: {  	v3 =	vadd.s32 v1, v3;
	s0 =	rddreg [dreg:$0xf]  }
0x3e: {  	[tilespmem:s0], [sflag:$0x1] =	stream.indirect_vreg.gather [hbm4b:s5+s3], $0x80, v4, vm0, $0xb8;
	[tilespmem:$0x10080] =	vst v63  }
0x3f: {  	s10 =	simm.s32 $0x5880  }
0x40: {  	[tilespmem:s10], [sflag:$0x1] =	stream.indirect_vreg.gather [hbm4b:s6+s3], $0x80, v4, vm0, $0xb8;
	[tilespmem:$0x10080] =	vst v63  }
0x41: {  	_ = 	snop  }
0x42: {  	[tilespmem:s11], [sflag:$0x1] =	stream.indirect_vreg.gather [hbm4b:s1+s3], $0x80, v3, vm0, $0xb8;
	[tilespmem:$0x10080] =	vst v63  }
0x43: {  	_ = 	snop  }
0x44: {  	[tilespmem:s12], [sflag:$0x1] =	stream.indirect_vreg.gather [hbm4b:s4+s3], $0x80, v3, vm0, $0xb8;
	[tilespmem:$0x10080] =	vst v63  }
0x45: {  	_ = 	snop  }
0x46: {  	[tilespmem:s13], [sflag:$0x1] =	stream.indirect_vreg.gather [hbm4b:s5+s3], $0x80, v3, vm0, $0xb8;
	[tilespmem:$0x10080] =	vst v63  }
0x47: {  	_ = 	snop  }
0x48: {  	[tilespmem:s14], [sflag:$0x1] =	stream.indirect_vreg.gather [hbm4b:s6+s3], $0x80, v3, vm0, $0xb8;
	[tilespmem:$0x10080] =	vst v63  }
0x49: {  	v3 =	vld [tilespmem:$0x20];
	_ =	sdelay $0x4  }
0x4a: {  	v62 =	vshll.u32 v3, $0x3  }
0x4b: {  	v3 =	vand.u32 $0x7, v3;
	v4 =	vand.u32 $0xFFFFFFC0, v62  }
0x4c: {  	v3 =	vor.u32 v3, v4  }
0x4d: {  	v4 =	vperm.xlane v3, v0;
	_ =	sdelay $0x1  }
0x4e: {  	v4 =	vadd.s32 v1, v4;
	_ =	sdelay $0x4  }
0x4f: {  	[tilespmem:s15], [sflag:$0x1] =	stream.indirect_vreg.gather [hbm4b:s1+s3], $0x80, v4, vm0, $0xb8;
	[tilespmem:$0x10080] =	vst v63  }
0x50: {  	v3 =	vperm.xlane v3, v2  }
0x51: {  	[tilespmem:s16], [sflag:$0x1] =	stream.indirect_vreg.gather [hbm4b:s4+s3], $0x80, v4, vm0, $0xb8;
	[tilespmem:$0x10080] =	vst v63  }
0x52: {  	v3 =	vadd.s32 v1, v3  }
0x53: {  	[tilespmem:s17], [sflag:$0x1] =	stream.indirect_vreg.gather [hbm4b:s5+s3], $0x80, v4, vm0, $0xb8;
	[tilespmem:$0x10080] =	vst v63  }
0x54: {  	_ = 	snop  }
0x55: {  	[tilespmem:s18], [sflag:$0x1] =	stream.indirect_vreg.gather [hbm4b:s6+s3], $0x80, v4, vm0, $0xb8;
	[tilespmem:$0x10080] =	vst v63  }
0x56: {  	_ = 	snop  }
0x57: {  	[tilespmem:s19], [sflag:$0x1] =	stream.indirect_vreg.gather [hbm4b:s1+s3], $0x80, v3, vm0, $0xb8;
	[tilespmem:$0x10080] =	vst v63  }
0x58: {  	_ = 	snop  }
0x59: {  	[tilespmem:s20], [sflag:$0x1] =	stream.indirect_vreg.gather [hbm4b:s4+s3], $0x80, v3, vm0, $0xb8;
	[tilespmem:$0x10080] =	vst v63  }
0x5a: {  	_ = 	snop  }
0x5b: {  	[tilespmem:s21], [sflag:$0x1] =	stream.indirect_vreg.gather [hbm4b:s5+s3], $0x80, v3, vm0, $0xb8;
	[tilespmem:$0x10080] =	vst v63  }
0x5c: {  	_ = 	snop  }
0x5d: {  	[tilespmem:s22], [sflag:$0x1] =	stream.indirect_vreg.gather [hbm4b:s6+s3], $0x80, v3, vm0, $0xb8;
	[tilespmem:$0x10080] =	vst v63  }
0x5e: {  	v3 =	vld [tilespmem:$0x30];
	_ =	sdelay $0x4  }
0x5f: {  	v63 =	vshll.u32 v3, $0x3  }
0x60: {  	v3 =	vand.u32 $0x7, v3;
	v4 =	vand.u32 $0xFFFFFFC0, v63  }
0x61: {  	v3 =	vor.u32 v3, v4  }
0x62: {  	v4 =	vperm.xlane v3, v0;
	_ =	sdelay $0x1  }
0x63: {  	v4 =	vadd.s32 v1, v4;
	_ =	sdelay $0x4  }
0x64: {  	[tilespmem:s23], [sflag:$0x1] =	stream.indirect_vreg.gather [hbm4b:s1+s3], $0x80, v4, vm0, $0xb8;
	[tilespmem:$0x10080] =	vst v63  }
0x65: {  	v3 =	vperm.xlane v3, v2  }
0x66: {  	[tilespmem:s24], [sflag:$0x1] =	stream.indirect_vreg.gather [hbm4b:s4+s3], $0x80, v4, vm0, $0xb8;
	[tilespmem:$0x10080] =	vst v63  }
0x67: {  	v3 =	vadd.s32 v1, v3  }
0x68: {  	[tilespmem:s25], [sflag:$0x1] =	stream.indirect_vreg.gather [hbm4b:s5+s3], $0x80, v4, vm0, $0xb8;
	[tilespmem:$0x10080] =	vst v63  }
0x69: {  	_ = 	snop  }
0x6a: {  	[tilespmem:s26], [sflag:$0x1] =	stream.indirect_vreg.gather [hbm4b:s6+s3], $0x80, v4, vm0, $0xb8;
	[tilespmem:$0x10080] =	vst v63  }
0x6b: {  	_ = 	snop  }
0x6c: {  	[tilespmem:s28], [sflag:$0x1] =	stream.indirect_vreg.gather [hbm4b:s1+s3], $0x80, v3, vm0, $0xb8;
	[tilespmem:$0x10080] =	vst v63  }
0x6d: {  	_ = 	snop  }
0x6e: {  	[tilespmem:s29], [sflag:$0x1] =	stream.indirect_vreg.gather [hbm4b:s4+s3], $0x80, v3, vm0, $0xb8;
	[tilespmem:$0x10080] =	vst v63  }
0x6f: {  	_ = 	snop  }
0x70: {  	[tilespmem:s30], [sflag:$0x1] =	stream.indirect_vreg.gather [hbm4b:s5+s3], $0x80, v3, vm0, $0xb8;
	[tilespmem:$0x10080] =	vst v63  }
0x71: {  	_ = 	snop  }
0x72: {  	[tilespmem:s31], [sflag:$0x1] =	stream.indirect_vreg.gather [hbm4b:s6+s3], $0x80, v3, vm0, $0xb8;
	[tilespmem:$0x10080] =	vst v63  }
0x73: {  	_ =	swait.ge [sflag:s2], $0x10000  }
0x74: {  	p0 =	sne.s32 s7, $0x1;
	[sflag:s2] =	ssyncset.done $0x0  }
.Ltmp0:
0x75: {  	s10 =	rddreg [dreg:$0x5];
	[sflag:s2] =	ssyncadd.s32 $0xFFFF0000;
	(pc) =	sbr.rel @p0 .LBB2_1-.Ltmp0, $4  }
0x76: {  	[hbm4b:s10+s3] =	stream.linear.scatter [tilespmem:s9], [sflag:$0x2], $0x10000, $0x38;
	[tilespmem:$0x10080] =	vst v63  }
0x77: {  	_ =	swait.ge [sflag:s8], $0x10000  }
0x78: {  	[sflag:s8] =	ssyncset.done $0x0  }
0x79: {  	s7 =	sadd.s32 $0xFFFFFFFF, s7;
	[sflag:s8] =	ssyncadd.s32 $0xFFFF0000  }
0x7a: {  	_ =	sfence.sel $0x180000  }
0x7b: {  	[bflag:$0x0] =	sbarrier.arrive $0xFFFF  }
0x7c: {  	_ =	strace $0x90000047  }
0x7d: {  	s0 =	stileid.u32;
	[bflag:$0x2] =	sbarrier.arrive $0xFFFF  }
0x7e: {  	p0 =	sne.s32 s0, $0x0;
	s0 =	rddreg [dreg:$0x3]  }
0x7f: {  	s0 =	sadd.s32 @!p0 $0x100000, s0  }
0x80: {  	[sflag:s0] =	ssyncadd.tile.s32 @!p0 $0x1;
	_ =	shalt  }
.Lfunc_end2:
_tile_overlayer_lowered:
.L_overlay_start_2:
0x81: {  	(tag) =	ssettag $0x2  }
0x82: {  	s0 =	rddreg [dreg:$0x0];
	s2 =	stileid.u32  }
0x83: {  	s1 =	rddreg [dreg:$0x1];
	p0 =	sne.s32 s2, $0x0  }
0x84: {  	s3 =	rddreg [dreg:$0x2];
	[bflag:$0x3] =	sbarrier.arrive $0xFFFF;
	s2 =	simm.s32 @!p0 $0x1C02  }
0x85: {  	[timem:s3], [sflag:s2] =	dma.local @!p0 [hbm:s0], s1  }
0x86: {  	s0 =	simm.s32 @!p0 $0x2  }
0x87: {  	_ =	swait.ge @!p0 [sflag:s0], s1  }
0x88: {  	s1 =	ssub.s32 @!p0 $0x0, s1;
	[sflag:s0] =	ssyncset.done @!p0 $0x0  }
0x89: {  	[sflag:s0] =	ssyncadd.s32 @!p0 s1  }
0x8a: {  	[bflag:$0x3] =	sbarrier.arrive $0xFFFF  }
0x8b: {  	_ =	shalt  }

// kernel: kernel.13.cloned.1.call-start
scs
__scs_entry_jumppad:
0x0: {  	(pc) =	sbr.rel $0x88, $3  }
0x1: {  	(tag) =	ssettag $0x0;
	lr =	simm.s32 $0x1  }
0x2: {  	[smem:$0x3F99] =	sst lr;
	_ =	strace $0xD0000000  }
0x3: {  	_ = 	snop  }
0x4: {  	_ = 	snop  }
0x5: {  	_ = 	snop  }
0x6: {  	_ = 	snop  }
0x7: {  	_ = 	snop  }
__scs_overlays_trampoline_lowered:
0x8: {  	[smem:$0x3FA8] =	sst s0  }
0x9: {  	[smem:$0x3FA9] =	sst s1  }
0xa: {  	[smem:$0x3FAA] =	sst s2  }
0xb: {  	[smem:$0x3FAB] =	sst s3  }
0xc: {  	[smem:$0x3FAC] =	sst s4  }
0xd: {  	[smem:$0x3FAD] =	sst s5  }
0xe: {  	[smem:$0x3FAE] =	sst s6  }
0xf: {  	[smem:$0x3FAF] =	sst s7  }
0x10: {  	[smem:$0x3FB0] =	sst s8  }
0x11: {  	[smem:$0x3FB1] =	sst s9;
	s0 =	simm.s32 @!p0 $0x0  }
0x12: {  	s1 =	sld [smem:$0x3F97];
	s0 =	simm.s32 @p0 $0x1  }
0x13: {  	[smem:$0x3FB2] =	sst s0;
	s0 =	simm.s32 @!p1 $0x0  }
0x14: {  	s2 =	sld [smem:$0x3F96];
	s0 =	simm.s32 @p1 $0x1  }
0x15: {  	[smem:$0x3FB3] =	sst s0;
	s0 =	simm.s32 @!p2 $0x0  }
0x16: {  	s3 =	sld [smem:$0x3FDB];
	s0 =	simm.s32 @p2 $0x1  }
0x17: {  	s4 =	simm.s32 $0x1BF5;
	[smem:$0x3FB5] =	sst s0  }
0x18: {  	s0 =	sld [smem:$0x3F98];
	_ =	swait.ge [sflag:s4], $0x0  }
0x19: {  	s7 =	sld [smem:$0x3F99]  }
0x1a: {  	s8 =	sadd.s32 $0xFFFFE003, lr  }
0x1b: {  	s9 =	sadd.s32 $0xFFFFFEF7, lr;
	s5 =	simm.s32 $0xFFFFFFFF;
	p2 =	slt.u32 s8, $0xFFFFF086  }
0x1c: {  	p1 =	slt.u32 s9, $0xF7A;
	s5 =	simm.s32 @!p2 $0x0  }
0x1d: {  	s5 =	simm.s32 @p1 $0x1;
	p0 =	seq.s32 s7, s2  }
0x1e: {  	s7 =	smul.u32 @!p0 $0xF7A, s2;
	p2 =	seq.s32 @!p0 s5, $0x0  }
0x1f: {  	s9 =	smul.u32 $0xF7A, s1;
	s8 =	simm.s32 @!p0 $0x1BF5;
	p2 =	por !p2, p0  }
0x20: {  	[sflag:s8] =	ssyncset.s32 @!p0 $0xFFFFF086;
	s6 =	sadd.s32 @!p0 s3, s7;
	s7 =	simm.s32 @!p0 $0x108  }
0x21: {  	s3 =	sadd.s32 s3, s9;
	s6 =	sadd.s32 @!p0 $0x88, s6;
	s7 =	simm.s32 @p2 $0x1082  }
0x22: {  	[simem:s7], [sflag:s8] =	dma.local @!p0 [hbm:s6], $0xF7A  }
0x23: {  	s9 =	sor.u32 $0xD0000000, s2;
	s6 =	simm.s32 $0x108;
	_ =	swait.ge @!p0 [sflag:s8], $0x0  }
0x24: {  	s3 =	sadd.s32 $0x88, s3;
	s6 =	simm.s32 @!p1 $0x1082;
	[sflag:s4] =	ssyncset.s32 $0xFFFFF086  }
0x25: {  	[simem:s6], [sflag:s4] =	dma.local [hbm:s3], $0xF7A  }
0x26: {  	[smem:$0x3F99] =	sst s1;
	(tag) =	ssettag s2;
	_ =	strace s9  }
0x27: {  	s1 =	sld [smem:$0x3FA9]  }
0x28: {  	s2 =	sld [smem:$0x3FAA]  }
0x29: {  	s4 =	sld [smem:$0x3FAC]  }
0x2a: {  	p0 =	seq.s32 s5, $0x0;
	s5 =	sld [smem:$0x3FAD]  }
0x2b: {  	s6 =	sld [smem:$0x3FAE]  }
0x2c: {  	s7 =	sld [smem:$0x3FAF]  }
0x2d: {  	s3 =	simm.s32 $0x108;
	s8 =	sld [smem:$0x3FB0]  }
0x2e: {  	s3 =	simm.s32 @!p0 $0x1082;
	s9 =	sld [smem:$0x3FB1]  }
0x2f: {  	lr =	sadd.s32 s0, s3;
	s0 =	sld [smem:$0x3FA8]  }
0x30: {  	s3 =	sld [smem:$0x3FAB]  }
0x31: {  	[smem:$0x3FB4] =	sst s10  }
0x32: {  	s10 =	sld [smem:$0x3FB2];
	_ =	sdelay $0x3  }
0x33: {  	p0 =	seq.s32 s10, $0x1;
	s10 =	sld [smem:$0x3FB4];
	_ =	sdelay $0x3  }
0x34: {  	[smem:$0x3FB4] =	sst s10  }
0x35: {  	s10 =	sld [smem:$0x3FB3];
	_ =	sdelay $0x3  }
0x36: {  	p1 =	seq.s32 s10, $0x1;
	s10 =	sld [smem:$0x3FB4];
	_ =	sdelay $0x3  }
0x37: {  	[smem:$0x3FB4] =	sst s10  }
0x38: {  	s10 =	sld [smem:$0x3FB5]  }
0x39: {  	_ = 	snop;
	(pc) =	sbr.ind lr, $3  }
0x3a: {  	_ = 	snop  }
0x3b: {  	_ = 	snop  }
0x3c: {  	p2 =	seq.s32 s10, $0x1;
	s10 =	sld [smem:$0x3FB4]  }
0x3d: {  	_ =	shalt  }
0x3e: {  	_ =	shalt  }
0x3f: {  	_ =	shalt  }
0x40: {  	_ =	shalt  }
0x41: {  	_ =	shalt  }
0x42: {  	_ =	shalt  }
0x43: {  	_ =	shalt  }
0x44: {  	_ =	shalt  }
0x45: {  	_ =	shalt  }
0x46: {  	_ =	shalt  }
0x47: {  	_ =	shalt  }
0x48: {  	_ =	shalt  }
0x49: {  	_ =	shalt  }
0x4a: {  	_ =	shalt  }
0x4b: {  	_ =	shalt  }
0x4c: {  	_ =	shalt  }
0x4d: {  	_ =	shalt  }
0x4e: {  	_ =	shalt  }
0x4f: {  	_ =	shalt  }
0x50: {  	_ =	shalt  }
0x51: {  	_ =	shalt  }
0x52: {  	_ =	shalt  }
0x53: {  	_ =	shalt  }
0x54: {  	_ =	shalt  }
0x55: {  	_ =	shalt  }
0x56: {  	_ =	shalt  }
0x57: {  	_ =	shalt  }
0x58: {  	_ =	shalt  }
0x59: {  	_ =	shalt  }
0x5a: {  	_ =	shalt  }
0x5b: {  	_ =	shalt  }
0x5c: {  	_ =	shalt  }
0x5d: {  	_ =	shalt  }
0x5e: {  	_ =	shalt  }
0x5f: {  	_ =	shalt  }
0x60: {  	_ =	shalt  }
0x61: {  	_ =	shalt  }
0x62: {  	_ =	shalt  }
0x63: {  	_ =	shalt  }
0x64: {  	_ =	shalt  }
0x65: {  	_ =	shalt  }
0x66: {  	_ =	shalt  }
0x67: {  	_ =	shalt  }
0x68: {  	_ =	shalt  }
0x69: {  	_ =	shalt  }
0x6a: {  	_ =	shalt  }
0x6b: {  	_ =	shalt  }
0x6c: {  	_ =	shalt  }
0x6d: {  	_ =	shalt  }
0x6e: {  	_ =	shalt  }
0x6f: {  	_ =	shalt  }
0x70: {  	_ =	shalt  }
0x71: {  	_ =	shalt  }
0x72: {  	_ =	shalt  }
0x73: {  	_ =	shalt  }
0x74: {  	_ =	shalt  }
0x75: {  	_ =	shalt  }
0x76: {  	_ =	shalt  }
0x77: {  	_ =	shalt  }
0x78: {  	_ =	shalt  }
0x79: {  	_ =	shalt  }
0x7a: {  	_ =	shalt  }
0x7b: {  	_ =	shalt  }
0x7c: {  	_ =	shalt  }
0x7d: {  	_ =	shalt  }
0x7e: {  	_ =	shalt  }
0x7f: {  	_ =	shalt  }
0x80: {  	_ =	shalt  }
0x81: {  	_ =	shalt  }
0x82: {  	_ =	shalt  }
0x83: {  	_ =	shalt  }
0x84: {  	_ =	shalt  }
0x85: {  	_ =	shalt  }
0x86: {  	_ =	shalt  }
0x87: {  	_ =	shalt  }
.Lfunc_end0:
.L_simem_size_0:
called_computation.1_lowered:
.L_overlay_start_0:
0x88: {  	s2 =	sld [smem:$0x3FD9]  }
0x89: {  	s3 =	sld [smem:$0x3FFE];
	_ =	sdelay $0x1  }
0x8a: {  	s1 =	srdreg.scid  }
0x8b: {  	s0 =	sand.u32 $0x1, s1  }
0x8c: {  	s14 =	sshll.u32 s0, $0xA;
	s2 =	sadd.s32 s3, s2  }
0x8d: {  	s2 =	sadd.s32 s2, s14  }
0x8e: {  	[smem:$0x3FC0] =	sst s2  }
0x8f: {  	_ = 	snop  }
0x90: {  	s2 =	sld [smem:$0x3FD0];
	_ =	sdelay $0x2  }
0x91: {  	s15 =	simm.s32 $0xA;
	s4 =	simm.s32 $0x10  }
0x92: {  	[smem:s4], [sflag:s15] =	dma.local [hbm:s2], $0x1  }
0x93: {  	_ =	swait.eq [sflag:s15], $0x1  }
0x94: {  	[sflag:s15] =	ssyncset.done $0x0  }
0x95: {  	[sflag:s15] =	ssyncadd.s32 $0xFFFFFFFF  }
0x96: {  	s16 =	sld [smem:$0x10];
	(tm) =	ssettm $0x1  }
0x97: {  	s17 =	sld [smem:$0x3FFB];
	_ =	sdelay $0x3  }
0x98: {  	_ =	strace s17  }
0x99: {  	s3 =	sld [smem:$0x3FFC];
	_ =	sdelay $0x3  }
0x9a: {  	_ =	strace s3  }
0x9b: {  	s3 =	sld [smem:$0x3FFD];
	_ =	sdelay $0x3  }
0x9c: {  	_ =	strace s3  }
0x9d: {  	_ =	strace $0x8FFFFFFF  }
0x9e: {  	s18 =	sld [smem:$0x3FDB];
	_ =	sdelay $0x1  }
0x9f: {  	s19 =	simm.s32 $_scs_section_size  }
0xa0: {  	s5 =	simm.s32 $_size__tile_overlayer_lowered;
	s6 =	simm.s32 $_tile_overlayer_lowered  }
0xa1: {  	s22 =	simm.s32 $0x1BFF;
	s21 =	sshll.u32 s6, $0x1;
	s3 =	sadd.s32 s19, s18  }
0xa2: {  	s7 =	simm.s32 $0x0;
	s20 =	sshll.u32 s5, $0x1;
	s5 =	sadd.s32 s21, s3  }
0xa3: {  	[timem:s7], [sflag:s22] =	dma.local [hbm:s5], s20  }
0xa4: {  	_ =	swait.ge [sflag:s22], s20  }
0xa5: {  	s4 =	ssub.s32 $0x0, s20;
	[sflag:s22] =	ssyncset.done $0x0  }
0xa6: {  	[sflag:s22] =	ssyncadd.s32 s4;
	_ =	sdelay $0x1  }
0xa7: {  	s23 =	simm.s32 $0x1B8B  }
0xa8: {  	_ =	swait.ge [sflag:s23], $0x1  }
0xa9: {  	[sflag:s23] =	ssyncset.done $0x0  }
0xaa: {  	s25 =	simm.s32 $0x1B8E;
	s24 =	sld [smem:$0x3FFE];
	[sflag:s23] =	ssyncadd.s32 $0xFFFFFFFF  }
0xab: {  	s26 =	simm.s32 $execute0_lowered;
	[smem:$0x3FD2] =	sst s25  }
0xac: {  	s5 =	sshll.u32 s26, $0x1;
	_ =	strace $0x80000049;
	[dreg:$0x1] =	wrdreg $0xFFFFFFFF  }
0xad: {  	s28 =	simm.s32 $_size_execute0_lowered;
	s3 =	sadd.s32 s3, s5;
	[dreg:$0x0] =	wrdreg $0x0  }
0xae: {  	s5 =	sshll.u32 s28, $0x1;
	[dreg:$0x2] =	wrdreg s3  }
0xaf: {  	[dreg:$0x3] =	wrdreg s5  }
0xb0: {  	[dreg:$0x4] =	wrdreg $0xC0  }
0xb1: {  	_ =	task [dreg:s7], $0x5FFFF  }
0xb2: {  	[dreg:$0x1] =	wrdreg $0xFFFFFFFF  }
0xb3: {  	[dreg:$0x0] =	wrdreg $0x60  }
0xb4: {  	[dreg:$0x2] =	wrdreg s24  }
0xb5: {  	[dreg:$0x3] =	wrdreg s16  }
0xb6: {  	[dreg:$0x4] =	wrdreg $0x9  }
0xb7: {  	_ =	task.clear_ibuf [dreg:s7], $0x5FFFF;
	_ =	strace $0x90000049  }
0xb8: {  	s29 =	simm.s32 $0x9;
	_ =	strace $0x8000004B  }
0xb9: {  	_ =	swait.ge [sflag:s29], $0x1  }
0xba: {  	[sflag:s29] =	ssyncadd.s32 $0xFFFFFFFF  }
0xbb: {  	_ =	strace $0x9000004B  }
0xbc: {  	_ =	sfence  }
0xbd: {  	s30 =	sld [smem:$0x0];
	_ =	sdelay $0x2  }
0xbe: {  	s31 =	sshll.u32 s1, $0xD;
	s1 =	sshrl.u32 s1, $0x2  }
0xbf: {  	s3 =	sand.u32 $0x4000, s31;
	s1 =	sadd.s32 s1, s30  }
0xc0: {  	s0 =	sor.u32 s3, s0;
	s1 =	sshll.u32 s1, $0x11  }
0xc1: {  	s0 =	sor.u32 s1, s0  }
0xc2: {  	s0 =	sadd.s32 $0x8F2B, s0  }
0xc3: {  	[sflag:s0] =	ssyncadd.remote.s32 $0x1  }
0xc4: {  	_ =	sfence.sel $0xFFFF  }
0xc5: {  	[dreg:$0x0] =	wrdreg $0xFFFFFFFF;
	(pc) =	sbr.abs _section_cstart, $3  }
0xc6: {  	[dreg:$0x1] =	wrdreg $0xFFFFFFFF  }
0xc7: {  	_ =	task.clear_ibuf [dreg:s7], $0x2FFFF;
	_ =	strace $0x9FFFFFFF  }
0xc8: {  	(tm) =	ssettm $0x7FFFFFFF  }
0xc9: {  	_ =	shalt  }
tec
execute0_lowered:
.L_overlay_start_1:
0x0: {  	(tag) =	ssettag $0x1  }
0x1: {  	s0 =	rddreg [dreg:$0x0]  }
0x2: {  	s1 =	rddreg [dreg:$0x1]  }
0x3: {  	s2 =	srdreg.scid;
	s4 =	stileid.u32;
	s18 =	simm.s32 $0x1  }
0x4: {  	s20 =	simm.s32 $0x880;
	s21 =	simm.s32 $0x1080;
	s28 =	simm.s32 $0x4080  }
0x5: {  	s29 =	simm.s32 $0x4880;
	s30 =	simm.s32 $0x5080;
	s31 =	simm.s32 $0x5880  }
0x6: {  	s11 =	simm.s32 $0x7880;
	s12 =	simm.s32 $0x8080;
	s13 =	simm.s32 $0x8880  }
0x7: {  	s14 =	simm.s32 $0x9080;
	s15 =	simm.s32 $0x9880;
	s16 =	simm.s32 $0xA080  }
0x8: {  	s17 =	simm.s32 $0xA880;
	s3 =	sand.u32 $0x1, s2;
	s2 =	simm.s32 $0x0  }
0x9: {  	s4 =	sshll.u32 s4, $0x8;
	s6 =	sadd.s32 $0xAE000, s0;
	s5 =	sshll.u32 s3, $0x7  }
0xa: {  	[smem:$0x7FF] =	sst s2;
	s22 =	ssub.s32 $0x2, s3;
	s3 =	sadd.s32 $0x26000, s0  }
0xb: {  	s5 =	sor.u32 s5, s4;
	_ =	strace $0x8000004A;
	s7 =	sshrl.u32 s22, $0x1  }
0xc: {  	s4 =	sadd.s32 $0x26100, s0;
	s23 =	sshrl.u32 s5, $0x3;
	s7 =	ssub.s32 s22, s7  }
0xd: {  	s24 =	sshll.u32 s5, $0x7;
	s9 =	sor.u32 $0x40, s5;
	s5 =	sadd.s32 $0x26200, s0  }
0xe: {  	s22 =	simm.s32 $0x1880;
	s8 =	sadd.s32 s6, s23;
	s10 =	sshrl.u32 s9, $0x3  }
0xf: {  	s9 =	sshll.u32 s9, $0x7;
	s7 =	smax.u32 s7, $0x1;
	s23 =	simm.s32 $0x2080  }
0x10: {  	[dreg:$0x3] =	wrdreg s8;
	s8 =	sadd.s32 s1, s24;
	s25 =	sadd.s32 s6, s10  }
0x11: {  	s6 =	sadd.s32 $0x26300, s0;
	s26 =	sadd.s32 s1, s9;
	[dreg:$0x4] =	wrdreg s8  }
0x12: {  	v2 =	vlaneseq.u32;
	s0 =	simm.s32 $0x80;
	s24 =	simm.s32 $0x2880;
	[dreg:$0x5] =	wrdreg s25  }
0x13: {  	vm0 =	vmmov $0xffff;
	v1 =	vshrl.u32 v2, $0x3;
	s10 =	simm.s32 $0x7080;
	s9 =	simm.s32 $0xB080;
	[dreg:$0x6] =	wrdreg s26  }
0x14: {  	v0 =	vand.u32 $0x7, v2;
	v2 =	vor.u32 $0x8, v2;
	v1 =	vmul.u32 $0x8, v1;
	s8 =	simm.s32 $0x2;
	s25 =	simm.s32 $0x3080;
	s26 =	simm.s32 $0x3880  }
.LBB2_1:
0x15: {  	s19 =	rddreg [dreg:$0x3]  }
0x16: {  	[tilespmem:s2], [sflag:$0x2] =	stream.linear.gather [hbm4b:s19+s2], $0x40, $0x38;
	[tilespmem:$0x10080] =	vst v63  }
0x17: {  	_ =	swait.ge [sflag:s8], $0x40  }
0x18: {  	[sflag:s8] =	ssyncset.done $0x0  }
0x19: {  	[sflag:s8] =	ssyncadd.s32 $0xFFFFFFC0  }
0x1a: {  	v3 =	vld [tilespmem:$0x0];
	_ =	sdelay $0x4  }
0x1b: {  	v4 =	vshll.u32 v3, $0x3  }
0x1c: {  	v3 =	vand.u32 $0x7, v3;
	v4 =	vand.u32 $0xFFFFFFC0, v4  }
0x1d: {  	v3 =	vor.u32 v3, v4  }
0x1e: {  	v4 =	vperm.xlane v3, v0;
	_ =	sdelay $0x1  }
0x1f: {  	v4 =	vadd.s32 v1, v4;
	_ =	sdelay $0x4  }
0x20: {  	[tilespmem:s0], [sflag:$0x1] =	stream.indirect_vreg.gather [hbm4b:s3+s2], $0x80, v4, vm0, $0xb8;
	[tilespmem:$0x10080] =	vst v63  }
0x21: {  	v3 =	vperm.xlane v3, v2  }
0x22: {  	[tilespmem:s20], [sflag:$0x1] =	stream.indirect_vreg.gather [hbm4b:s4+s2], $0x80, v4, vm0, $0xb8;
	[tilespmem:$0x10080] =	vst v63  }
0x23: {  	v3 =	vadd.s32 v1, v3  }
0x24: {  	[tilespmem:s21], [sflag:$0x1] =	stream.indirect_vreg.gather [hbm4b:s5+s2], $0x80, v4, vm0, $0xb8;
	[tilespmem:$0x10080] =	vst v63  }
0x25: {  	_ = 	snop  }
0x26: {  	[tilespmem:s22], [sflag:$0x1] =	stream.indirect_vreg.gather [hbm4b:s6+s2], $0x80, v4, vm0, $0xb8;
	[tilespmem:$0x10080] =	vst v63  }
0x27: {  	_ = 	snop  }
0x28: {  	[tilespmem:s23], [sflag:$0x1] =	stream.indirect_vreg.gather [hbm4b:s3+s2], $0x80, v3, vm0, $0xb8;
	[tilespmem:$0x10080] =	vst v63  }
0x29: {  	_ = 	snop  }
0x2a: {  	[tilespmem:s24], [sflag:$0x1] =	stream.indirect_vreg.gather [hbm4b:s4+s2], $0x80, v3, vm0, $0xb8;
	[tilespmem:$0x10080] =	vst v63  }
0x2b: {  	_ = 	snop  }
0x2c: {  	[tilespmem:s25], [sflag:$0x1] =	stream.indirect_vreg.gather [hbm4b:s5+s2], $0x80, v3, vm0, $0xb8;
	[tilespmem:$0x10080] =	vst v63  }
0x2d: {  	_ = 	snop  }
0x2e: {  	[tilespmem:s26], [sflag:$0x1] =	stream.indirect_vreg.gather [hbm4b:s6+s2], $0x80, v3, vm0, $0xb8;
	[tilespmem:$0x10080] =	vst v63  }
0x2f: {  	v3 =	vld [tilespmem:$0x10];
	_ =	sdelay $0x4  }
0x30: {  	v57 =	vshll.u32 v3, $0x3  }
0x31: {  	v3 =	vand.u32 $0x7, v3;
	v4 =	vand.u32 $0xFFFFFFC0, v57  }
0x32: {  	v3 =	vor.u32 v3, v4  }
0x33: {  	v4 =	vperm.xlane v3, v0;
	_ =	sdelay $0x1  }
0x34: {  	v4 =	vadd.s32 v1, v4;
	_ =	sdelay $0x4  }
0x35: {  	[tilespmem:s28], [sflag:$0x1] =	stream.indirect_vreg.gather [hbm4b:s3+s2], $0x80, v4, vm0, $0xb8;
	[tilespmem:$0x10080] =	vst v63  }
0x36: {  	v3 =	vperm.xlane v3, v2  }
0x37: {  	[tilespmem:s29], [sflag:$0x1] =	stream.indirect_vreg.gather [hbm4b:s4+s2], $0x80, v4, vm0, $0xb8;
	[tilespmem:$0x10080] =	vst v63  }
0x38: {  	v3 =	vadd.s32 v1, v3  }
0x39: {  	[tilespmem:s30], [sflag:$0x1] =	stream.indirect_vreg.gather [hbm4b:s5+s2], $0x80, v4, vm0, $0xb8;
	[tilespmem:$0x10080] =	vst v63  }
0x3a: {  	_ = 	snop  }
0x3b: {  	[tilespmem:s31], [sflag:$0x1] =	stream.indirect_vreg.gather [hbm4b:s6+s2], $0x80, v4, vm0, $0xb8;
	[tilespmem:$0x10080] =	vst v63  }
0x3c: {  	s1 =	simm.s32 $0x6080  }
0x3d: {  	[tilespmem:s1], [sflag:$0x1] =	stream.indirect_vreg.gather [hbm4b:s3+s2], $0x80, v3, vm0, $0xb8;
	[tilespmem:$0x10080] =	vst v63  }
0x3e: {  	s1 =	simm.s32 $0x6880  }
0x3f: {  	[tilespmem:s1], [sflag:$0x1] =	stream.indirect_vreg.gather [hbm4b:s4+s2], $0x80, v3, vm0, $0xb8;
	[tilespmem:$0x10080] =	vst v63  }
0x40: {  	_ = 	snop  }
0x41: {  	[tilespmem:s10], [sflag:$0x1] =	stream.indirect_vreg.gather [hbm4b:s5+s2], $0x80, v3, vm0, $0xb8;
	[tilespmem:$0x10080] =	vst v63  }
0x42: {  	_ = 	snop  }
0x43: {  	[tilespmem:s11], [sflag:$0x1] =	stream.indirect_vreg.gather [hbm4b:s6+s2], $0x80, v3, vm0, $0xb8;
	[tilespmem:$0x10080] =	vst v63  }
0x44: {  	v3 =	vld [tilespmem:$0x20];
	_ =	sdelay $0x4  }
0x45: {  	v58 =	vshll.u32 v3, $0x3  }
0x46: {  	v3 =	vand.u32 $0x7, v3;
	v4 =	vand.u32 $0xFFFFFFC0, v58  }
0x47: {  	v3 =	vor.u32 v3, v4  }
0x48: {  	v4 =	vperm.xlane v3, v0;
	_ =	sdelay $0x1  }
0x49: {  	v4 =	vadd.s32 v1, v4;
	_ =	sdelay $0x4  }
0x4a: {  	[tilespmem:s12], [sflag:$0x1] =	stream.indirect_vreg.gather [hbm4b:s3+s2], $0x80, v4, vm0, $0xb8;
	[tilespmem:$0x10080] =	vst v63  }
0x4b: {  	v3 =	vperm.xlane v3, v2  }
0x4c: {  	[tilespmem:s13], [sflag:$0x1] =	stream.indirect_vreg.gather [hbm4b:s4+s2], $0x80, v4, vm0, $0xb8;
	[tilespmem:$0x10080] =	vst v63  }
0x4d: {  	v3 =	vadd.s32 v1, v3  }
0x4e: {  	[tilespmem:s14], [sflag:$0x1] =	stream.indirect_vreg.gather [hbm4b:s5+s2], $0x80, v4, vm0, $0xb8;
	[tilespmem:$0x10080] =	vst v63  }
0x4f: {  	_ = 	snop  }
0x50: {  	[tilespmem:s15], [sflag:$0x1] =	stream.indirect_vreg.gather [hbm4b:s6+s2], $0x80, v4, vm0, $0xb8;
	[tilespmem:$0x10080] =	vst v63  }
0x51: {  	_ = 	snop  }
0x52: {  	[tilespmem:s16], [sflag:$0x1] =	stream.indirect_vreg.gather [hbm4b:s3+s2], $0x80, v3, vm0, $0xb8;
	[tilespmem:$0x10080] =	vst v63  }
0x53: {  	_ = 	snop  }
0x54: {  	[tilespmem:s17], [sflag:$0x1] =	stream.indirect_vreg.gather [hbm4b:s4+s2], $0x80, v3, vm0, $0xb8;
	[tilespmem:$0x10080] =	vst v63  }
0x55: {  	_ = 	snop  }
0x56: {  	[tilespmem:s9], [sflag:$0x1] =	stream.indirect_vreg.gather [hbm4b:s5+s2], $0x80, v3, vm0, $0xb8;
	[tilespmem:$0x10080] =	vst v63  }
0x57: {  	s19 =	simm.s32 $0xB880  }
0x58: {  	[tilespmem:s19], [sflag:$0x1] =	stream.indirect_vreg.gather [hbm4b:s6+s2], $0x80, v3, vm0, $0xb8;
	[tilespmem:$0x10080] =	vst v63  }
0x59: {  	v3 =	vld [tilespmem:$0x30];
	_ =	sdelay $0x4  }
0x5a: {  	v59 =	vshll.u32 v3, $0x3  }
0x5b: {  	v3 =	vand.u32 $0x7, v3;
	v4 =	vand.u32 $0xFFFFFFC0, v59  }
0x5c: {  	v3 =	vor.u32 v3, v4  }
0x5d: {  	v4 =	vperm.xlane v3, v0;
	_ =	sdelay $0x1  }
0x5e: {  	v4 =	vadd.s32 v1, v4;
	_ =	sdelay $0x3  }
0x5f: {  	s19 =	simm.s32 $0xC080  }
0x60: {  	[tilespmem:s19], [sflag:$0x1] =	stream.indirect_vreg.gather [hbm4b:s3+s2], $0x80, v4, vm0, $0xb8;
	[tilespmem:$0x10080] =	vst v63  }
0x61: {  	v3 =	vperm.xlane v3, v2;
	s19 =	simm.s32 $0xC880  }
0x62: {  	[tilespmem:s19], [sflag:$0x1] =	stream.indirect_vreg.gather [hbm4b:s4+s2], $0x80, v4, vm0, $0xb8;
	[tilespmem:$0x10080] =	vst v63  }
0x63: {  	v3 =	vadd.s32 v1, v3;
	s19 =	simm.s32 $0xD080  }
0x64: {  	[tilespmem:s19], [sflag:$0x1] =	stream.indirect_vreg.gather [hbm4b:s5+s2], $0x80, v4, vm0, $0xb8;
	[tilespmem:$0x10080] =	vst v63  }
0x65: {  	s19 =	simm.s32 $0xD880  }
0x66: {  	[tilespmem:s19], [sflag:$0x1] =	stream.indirect_vreg.gather [hbm4b:s6+s2], $0x80, v4, vm0, $0xb8;
	[tilespmem:$0x10080] =	vst v63  }
0x67: {  	s19 =	simm.s32 $0xE080  }
0x68: {  	[tilespmem:s19], [sflag:$0x1] =	stream.indirect_vreg.gather [hbm4b:s3+s2], $0x80, v3, vm0, $0xb8;
	[tilespmem:$0x10080] =	vst v63  }
0x69: {  	s19 =	simm.s32 $0xE880  }
0x6a: {  	[tilespmem:s19], [sflag:$0x1] =	stream.indirect_vreg.gather [hbm4b:s4+s2], $0x80, v3, vm0, $0xb8;
	[tilespmem:$0x10080] =	vst v63  }
0x6b: {  	s19 =	simm.s32 $0xF080  }
0x6c: {  	[tilespmem:s19], [sflag:$0x1] =	stream.indirect_vreg.gather [hbm4b:s5+s2], $0x80, v3, vm0, $0xb8;
	[tilespmem:$0x10080] =	vst v63  }
0x6d: {  	s19 =	simm.s32 $0xF880  }
0x6e: {  	[tilespmem:s19], [sflag:$0x1] =	stream.indirect_vreg.gather [hbm4b:s6+s2], $0x80, v3, vm0, $0xb8;
	[tilespmem:$0x10080] =	vst v63  }
0x6f: {  	_ =	swait.ge [sflag:s18], $0x10000  }
0x70: {  	[sflag:s18] =	ssyncset.done $0x0  }
0x71: {  	s19 =	rddreg [dreg:$0x4];
	[sflag:s18] =	ssyncadd.s32 $0xFFFF0000  }
0x72: {  	[hbm4b:s19+s2] =	stream.linear.scatter [tilespmem:s0], [sflag:$0x2], $0x10000, $0x38;
	[tilespmem:$0x10080] =	vst v63  }
0x73: {  	_ =	swait.ge [sflag:s8], $0x10000  }
0x74: {  	[sflag:s8] =	ssyncset.done $0x0  }
0x75: {  	s19 =	rddreg [dreg:$0x5];
	[sflag:s8] =	ssyncadd.s32 $0xFFFF0000  }
0x76: {  	[tilespmem:s2], [sflag:$0x2] =	stream.linear.gather [hbm4b:s19+s2], $0x40, $0x38;
	[tilespmem:$0x10080] =	vst v63  }
0x77: {  	_ =	swait.ge [sflag:s8], $0x40  }
0x78: {  	[sflag:s8] =	ssyncset.done $0x0  }
0x79: {  	[sflag:s8] =	ssyncadd.s32 $0xFFFFFFC0  }
0x7a: {  	v3 =	vld [tilespmem:$0x0];
	_ =	sdelay $0x4  }
0x7b: {  	v60 =	vshll.u32 v3, $0x3  }
0x7c: {  	v3 =	vand.u32 $0x7, v3;
	v4 =	vand.u32 $0xFFFFFFC0, v60  }
0x7d: {  	v3 =	vor.u32 v3, v4  }
0x7e: {  	v4 =	vperm.xlane v3, v0;
	_ =	sdelay $0x1  }
0x7f: {  	v4 =	vadd.s32 v1, v4;
	_ =	sdelay $0x4  }
0x80: {  	[tilespmem:s0], [sflag:$0x1] =	stream.indirect_vreg.gather [hbm4b:s3+s2], $0x80, v4, vm0, $0xb8;
	[tilespmem:$0x10080] =	vst v63  }
0x81: {  	v3 =	vperm.xlane v3, v2  }
0x82: {  	[tilespmem:s20], [sflag:$0x1] =	stream.indirect_vreg.gather [hbm4b:s4+s2], $0x80, v4, vm0, $0xb8;
	[tilespmem:$0x10080] =	vst v63  }
0x83: {  	v3 =	vadd.s32 v1, v3  }
0x84: {  	[tilespmem:s21], [sflag:$0x1] =	stream.indirect_vreg.gather [hbm4b:s5+s2], $0x80, v4, vm0, $0xb8;
	[tilespmem:$0x10080] =	vst v63  }
0x85: {  	_ = 	snop  }
0x86: {  	[tilespmem:s22], [sflag:$0x1] =	stream.indirect_vreg.gather [hbm4b:s6+s2], $0x80, v4, vm0, $0xb8;
	[tilespmem:$0x10080] =	vst v63  }
0x87: {  	_ = 	snop  }
0x88: {  	[tilespmem:s23], [sflag:$0x1] =	stream.indirect_vreg.gather [hbm4b:s3+s2], $0x80, v3, vm0, $0xb8;
	[tilespmem:$0x10080] =	vst v63  }
0x89: {  	_ = 	snop  }
0x8a: {  	[tilespmem:s24], [sflag:$0x1] =	stream.indirect_vreg.gather [hbm4b:s4+s2], $0x80, v3, vm0, $0xb8;
	[tilespmem:$0x10080] =	vst v63  }
0x8b: {  	_ = 	snop  }
0x8c: {  	[tilespmem:s25], [sflag:$0x1] =	stream.indirect_vreg.gather [hbm4b:s5+s2], $0x80, v3, vm0, $0xb8;
	[tilespmem:$0x10080] =	vst v63  }
0x8d: {  	_ = 	snop  }
0x8e: {  	[tilespmem:s26], [sflag:$0x1] =	stream.indirect_vreg.gather [hbm4b:s6+s2], $0x80, v3, vm0, $0xb8;
	[tilespmem:$0x10080] =	vst v63  }
0x8f: {  	v3 =	vld [tilespmem:$0x10];
	_ =	sdelay $0x4  }
0x90: {  	v61 =	vshll.u32 v3, $0x3  }
0x91: {  	v3 =	vand.u32 $0x7, v3;
	v4 =	vand.u32 $0xFFFFFFC0, v61  }
0x92: {  	v3 =	vor.u32 v3, v4  }
0x93: {  	v4 =	vperm.xlane v3, v0;
	_ =	sdelay $0x1  }
0x94: {  	v4 =	vadd.s32 v1, v4;
	_ =	sdelay $0x4  }
0x95: {  	[tilespmem:s28], [sflag:$0x1] =	stream.indirect_vreg.gather [hbm4b:s3+s2], $0x80, v4, vm0, $0xb8;
	[tilespmem:$0x10080] =	vst v63  }
0x96: {  	v3 =	vperm.xlane v3, v2  }
0x97: {  	[tilespmem:s29], [sflag:$0x1] =	stream.indirect_vreg.gather [hbm4b:s4+s2], $0x80, v4, vm0, $0xb8;
	[tilespmem:$0x10080] =	vst v63  }
0x98: {  	v3 =	vadd.s32 v1, v3  }
0x99: {  	[tilespmem:s30], [sflag:$0x1] =	stream.indirect_vreg.gather [hbm4b:s5+s2], $0x80, v4, vm0, $0xb8;
	[tilespmem:$0x10080] =	vst v63  }
0x9a: {  	_ = 	snop  }
0x9b: {  	[tilespmem:s31], [sflag:$0x1] =	stream.indirect_vreg.gather [hbm4b:s6+s2], $0x80, v4, vm0, $0xb8;
	[tilespmem:$0x10080] =	vst v63  }
0x9c: {  	s19 =	simm.s32 $0x6080  }
0x9d: {  	[tilespmem:s19], [sflag:$0x1] =	stream.indirect_vreg.gather [hbm4b:s3+s2], $0x80, v3, vm0, $0xb8;
	[tilespmem:$0x10080] =	vst v63  }
0x9e: {  	_ = 	snop  }
0x9f: {  	[tilespmem:s1], [sflag:$0x1] =	stream.indirect_vreg.gather [hbm4b:s4+s2], $0x80, v3, vm0, $0xb8;
	[tilespmem:$0x10080] =	vst v63  }
0xa0: {  	_ = 	snop  }
0xa1: {  	[tilespmem:s10], [sflag:$0x1] =	stream.indirect_vreg.gather [hbm4b:s5+s2], $0x80, v3, vm0, $0xb8;
	[tilespmem:$0x10080] =	vst v63  }
0xa2: {  	_ = 	snop  }
0xa3: {  	[tilespmem:s11], [sflag:$0x1] =	stream.indirect_vreg.gather [hbm4b:s6+s2], $0x80, v3, vm0, $0xb8;
	[tilespmem:$0x10080] =	vst v63  }
0xa4: {  	v3 =	vld [tilespmem:$0x20];
	_ =	sdelay $0x4  }
0xa5: {  	v62 =	vshll.u32 v3, $0x3  }
0xa6: {  	v3 =	vand.u32 $0x7, v3;
	v4 =	vand.u32 $0xFFFFFFC0, v62  }
0xa7: {  	v3 =	vor.u32 v3, v4  }
0xa8: {  	v4 =	vperm.xlane v3, v0;
	_ =	sdelay $0x1  }
0xa9: {  	v4 =	vadd.s32 v1, v4;
	_ =	sdelay $0x4  }
0xaa: {  	[tilespmem:s12], [sflag:$0x1] =	stream.indirect_vreg.gather [hbm4b:s3+s2], $0x80, v4, vm0, $0xb8;
	[tilespmem:$0x10080] =	vst v63  }
0xab: {  	v3 =	vperm.xlane v3, v2  }
0xac: {  	[tilespmem:s13], [sflag:$0x1] =	stream.indirect_vreg.gather [hbm4b:s4+s2], $0x80, v4, vm0, $0xb8;
	[tilespmem:$0x10080] =	vst v63  }
0xad: {  	v3 =	vadd.s32 v1, v3  }
0xae: {  	[tilespmem:s14], [sflag:$0x1] =	stream.indirect_vreg.gather [hbm4b:s5+s2], $0x80, v4, vm0, $0xb8;
	[tilespmem:$0x10080] =	vst v63  }
0xaf: {  	_ = 	snop  }
0xb0: {  	[tilespmem:s15], [sflag:$0x1] =	stream.indirect_vreg.gather [hbm4b:s6+s2], $0x80, v4, vm0, $0xb8;
	[tilespmem:$0x10080] =	vst v63  }
0xb1: {  	_ = 	snop  }
0xb2: {  	[tilespmem:s16], [sflag:$0x1] =	stream.indirect_vreg.gather [hbm4b:s3+s2], $0x80, v3, vm0, $0xb8;
	[tilespmem:$0x10080] =	vst v63  }
0xb3: {  	_ = 	snop  }
0xb4: {  	[tilespmem:s17], [sflag:$0x1] =	stream.indirect_vreg.gather [hbm4b:s4+s2], $0x80, v3, vm0, $0xb8;
	[tilespmem:$0x10080] =	vst v63  }
0xb5: {  	_ = 	snop  }
0xb6: {  	[tilespmem:s9], [sflag:$0x1] =	stream.indirect_vreg.gather [hbm4b:s5+s2], $0x80, v3, vm0, $0xb8;
	[tilespmem:$0x10080] =	vst v63  }
0xb7: {  	s19 =	simm.s32 $0xB880  }
0xb8: {  	[tilespmem:s19], [sflag:$0x1] =	stream.indirect_vreg.gather [hbm4b:s6+s2], $0x80, v3, vm0, $0xb8;
	[tilespmem:$0x10080] =	vst v63  }
0xb9: {  	v3 =	vld [tilespmem:$0x30];
	_ =	sdelay $0x4  }
0xba: {  	v63 =	vshll.u32 v3, $0x3  }
0xbb: {  	v3 =	vand.u32 $0x7, v3;
	v4 =	vand.u32 $0xFFFFFFC0, v63  }
0xbc: {  	v3 =	vor.u32 v3, v4  }
0xbd: {  	v4 =	vperm.xlane v3, v0;
	_ =	sdelay $0x1  }
0xbe: {  	v4 =	vadd.s32 v1, v4;
	_ =	sdelay $0x3  }
0xbf: {  	s19 =	simm.s32 $0xC080  }
0xc0: {  	[tilespmem:s19], [sflag:$0x1] =	stream.indirect_vreg.gather [hbm4b:s3+s2], $0x80, v4, vm0, $0xb8;
	[tilespmem:$0x10080] =	vst v63  }
0xc1: {  	v3 =	vperm.xlane v3, v2;
	s19 =	simm.s32 $0xC880  }
0xc2: {  	[tilespmem:s19], [sflag:$0x1] =	stream.indirect_vreg.gather [hbm4b:s4+s2], $0x80, v4, vm0, $0xb8;
	[tilespmem:$0x10080] =	vst v63  }
0xc3: {  	v3 =	vadd.s32 v1, v3;
	s19 =	simm.s32 $0xD080  }
0xc4: {  	[tilespmem:s19], [sflag:$0x1] =	stream.indirect_vreg.gather [hbm4b:s5+s2], $0x80, v4, vm0, $0xb8;
	[tilespmem:$0x10080] =	vst v63  }
0xc5: {  	s19 =	simm.s32 $0xD880  }
0xc6: {  	[tilespmem:s19], [sflag:$0x1] =	stream.indirect_vreg.gather [hbm4b:s6+s2], $0x80, v4, vm0, $0xb8;
	[tilespmem:$0x10080] =	vst v63  }
0xc7: {  	s19 =	simm.s32 $0xE080  }
0xc8: {  	[tilespmem:s19], [sflag:$0x1] =	stream.indirect_vreg.gather [hbm4b:s3+s2], $0x80, v3, vm0, $0xb8;
	[tilespmem:$0x10080] =	vst v63  }
0xc9: {  	s19 =	simm.s32 $0xE880  }
0xca: {  	[tilespmem:s19], [sflag:$0x1] =	stream.indirect_vreg.gather [hbm4b:s4+s2], $0x80, v3, vm0, $0xb8;
	[tilespmem:$0x10080] =	vst v63  }
0xcb: {  	s19 =	simm.s32 $0xF080  }
0xcc: {  	[tilespmem:s19], [sflag:$0x1] =	stream.indirect_vreg.gather [hbm4b:s5+s2], $0x80, v3, vm0, $0xb8;
	[tilespmem:$0x10080] =	vst v63  }
0xcd: {  	s19 =	simm.s32 $0xF880  }
0xce: {  	[tilespmem:s19], [sflag:$0x1] =	stream.indirect_vreg.gather [hbm4b:s6+s2], $0x80, v3, vm0, $0xb8;
	[tilespmem:$0x10080] =	vst v63  }
0xcf: {  	_ =	swait.ge [sflag:s18], $0x10000  }
0xd0: {  	p0 =	sne.s32 s7, $0x1;
	[sflag:s18] =	ssyncset.done $0x0  }
.Ltmp0:
0xd1: {  	s1 =	rddreg [dreg:$0x6];
	[sflag:s18] =	ssyncadd.s32 $0xFFFF0000;
	(pc) =	sbr.rel @p0 .LBB2_1-.Ltmp0, $4  }
0xd2: {  	[hbm4b:s1+s2] =	stream.linear.scatter [tilespmem:s0], [sflag:$0x2], $0x10000, $0x38;
	[tilespmem:$0x10080] =	vst v63  }
0xd3: {  	_ =	swait.ge [sflag:s8], $0x10000  }
0xd4: {  	[sflag:s8] =	ssyncset.done $0x0  }
0xd5: {  	s7 =	sadd.s32 $0xFFFFFFFF, s7;
	[sflag:s8] =	ssyncadd.s32 $0xFFFF0000  }
0xd6: {  	_ =	sfence.sel $0x180000  }
0xd7: {  	[bflag:$0x0] =	sbarrier.arrive $0xFFFF  }
0xd8: {  	_ =	strace $0x9000004A  }
0xd9: {  	s0 =	stileid.u32;
	[bflag:$0x2] =	sbarrier.arrive $0xFFFF  }
0xda: {  	p0 =	sne.s32 s0, $0x0;
	s0 =	rddreg [dreg:$0x2]  }
0xdb: {  	s0 =	sadd.s32 @!p0 $0x100000, s0  }
0xdc: {  	[sflag:s0] =	ssyncadd.tile.s32 @!p0 $0x1;
	_ =	shalt  }
.Lfunc_end2:
_tile_overlayer_lowered:
.L_overlay_start_2:
0xdd: {  	(tag) =	ssettag $0x2  }
0xde: {  	s0 =	rddreg [dreg:$0x0];
	s2 =	stileid.u32  }
0xdf: {  	s1 =	rddreg [dreg:$0x1];
	p0 =	sne.s32 s2, $0x0  }
0xe0: {  	s3 =	rddreg [dreg:$0x2];
	[bflag:$0x3] =	sbarrier.arrive $0xFFFF;
	s2 =	simm.s32 @!p0 $0x1C02  }
0xe1: {  	[timem:s3], [sflag:s2] =	dma.local @!p0 [hbm:s0], s1  }
0xe2: {  	s0 =	simm.s32 @!p0 $0x2  }
0xe3: {  	_ =	swait.ge @!p0 [sflag:s0], s1  }
0xe4: {  	s1 =	ssub.s32 @!p0 $0x0, s1;
	[sflag:s0] =	ssyncset.done @!p0 $0x0  }
0xe5: {  	[sflag:s0] =	ssyncadd.s32 @!p0 s1  }
0xe6: {  	[bflag:$0x3] =	sbarrier.arrive $0xFFFF  }
0xe7: {  	_ =	shalt  }

</sc_bundles>
